<compile_context>
chip_gen: v7x
topology: tpu7x:2x2x1
jax: 0.10.2.dev20260603
libtpu: 0.0.44.dev20260713+nightly
codegen_flags: <defaults>
</compile_context>

<pallas_src>
import functools

import jax
import jax.numpy as jnp
from jax import lax
from jax.experimental import pallas as pl
from jax.experimental.pallas import tpu as pltpu
from jax.experimental.pallas import tpu_sc as plsc

_NC = 2
_NS = 16
_L = 16


def _build(B, D, RD, BQ, nrel):
    A = RD // D
    W = D // BQ
    NW = _NC * _NS
    per_w = B // NW
    C = 32
    n_sub = per_w // C

    mesh = plsc.VectorSubcoreMesh(core_axis_name="c", subcore_axis_name="s")

    scratch = (
        [pltpu.VMEM((per_w + _L,), jnp.int32)]
        + [pltpu.VMEM((per_w,), jnp.int32) for _ in range(A)]
        + [pltpu.VMEM((2, C, RD), jnp.float32)]
        + [pltpu.VMEM((2, C, D), jnp.float32) for _ in range(A)]
        + [pltpu.VMEM((nrel * BQ,), jnp.float32)]
        + [pltpu.VMEM((per_w,), jnp.float32)]
        + [pltpu.SemaphoreType.DMA, pltpu.SemaphoreType.DMA,
           pltpu.SemaphoreType.DMA((2,))]
    )

    @functools.partial(
        pl.kernel,
        out_type=jax.ShapeDtypeStruct((B,), jnp.float32),
        mesh=mesh,
        scratch_types=scratch,
    )
    def k(r_idx_h, e1_h, e2_h, e3_h, e4_h, e5_h, e6_h, E_h, R_h, Rb_h,
          out_h, ri, i0, i1, i2, i3, i4, i5, rvb,
          v0, v1, v2, v3, v4, v5,
          rb_full, out_b, semi, semt, semp):
        idx_hs = (r_idx_h, e1_h, e2_h, e3_h, e4_h, e5_h, e6_h)
        idx_vs = (ri, i0, i1, i2, i3, i4, i5)
        evbs = (v0, v1, v2, v3, v4, v5)

        wid = lax.axis_index("s") * _NC + lax.axis_index("c")
        base = wid * per_w
        lane = lax.iota(jnp.int32, _L)

        head = [pltpu.async_copy(h.at[pl.ds(base, C)],
                                 iv.at[pl.ds(0, C)], semi)
                for h, iv in zip(idx_hs, idx_vs)]
        rest = per_w - C
        tail = [pltpu.async_copy(h.at[pl.ds(base + C, rest)],
                                 iv.at[pl.ds(C, rest)], semt)
                for h, iv in zip(idx_hs, idx_vs)]
        tail.append(pltpu.async_copy(Rb_h, rb_full, semt))

        def fire(sub, par):
            sem = semp.at[par]
            pltpu.async_copy(R_h.at[ri.at[pl.ds(sub * C, C)]],
                             rvb.at[par], sem)
            for a in range(A):
                pltpu.async_copy(
                    E_h.at[idx_vs[1 + a].at[pl.ds(sub * C, C)]],
                    evbs[a].at[par], sem)

        def drain(sub, par):
            sem = semp.at[par]
            pltpu.make_async_copy(R_h.at[ri.at[pl.ds(sub * C, C)]],
                                  rvb.at[par], sem).wait()
            for a in range(A):
                pltpu.make_async_copy(
                    E_h.at[idx_vs[1 + a].at[pl.ds(sub * C, C)]],
                    evbs[a].at[par], sem).wait()

        def compute(sub, par):
            rv = rvb.at[par]
            evs = tuple(e.at[par] for e in evbs)

            def group(g, carry_g):
                def item(t, acc):
                    i = g * _L + t
                    rid = ri[pl.ds(sub * C + i, _L)][0]
                    parts = [rb_full[pl.ds(rid * BQ, BQ)],
                             jnp.zeros((_L,), jnp.float32)]
                    n = 0
                    for a in range(A):
                        ev = evs[a]
                        for w in range(W):
                            parts[n % 2] = parts[n % 2] + (
                                rv[i, pl.ds(a * D + w * BQ, BQ)]
                                * ev[i, pl.ds(w * BQ, BQ)])
                            n += 1
                    inner = parts[0] + parts[1]
                    inner = jnp.maximum(inner, 0.0)
                    for step in (8, 4, 2, 1):
                        inner = inner + inner.at[lane ^ step].get(
                            mode="promise_in_bounds")
                    return jnp.where(lane == t, inner, acc)

                acc = lax.fori_loop(0, _L, item,
                                    jnp.zeros((_L,), jnp.float32))
                out_b[pl.ds(sub * C + g * _L, _L)] = acc
                return carry_g

            lax.fori_loop(0, C // _L, group, 0)

        for d in head:
            d.wait()
        fire(0, 0)
        for d in tail:
            d.wait()

        def body(sub, carry):
            par = lax.rem(sub, 2)
            fire(lax.rem(sub + 1, n_sub), 1 - par)
            drain(sub, par)
            compute(sub, par)
            return carry

        lax.fori_loop(0, n_sub, body, 0)
        drain(0, n_sub % 2)

        pltpu.sync_copy(out_b, out_h.at[pl.ds(base, per_w)])

    return k


def kernel(r_idx, e1_idx, e2_idx, e3_idx, e4_idx, e5_idx, e6_idx, E, R,
           R_bias):
    B = r_idx.shape[0]
    D = E.shape[1]
    RD = R.shape[1]
    BQ = R_bias.shape[1]
    nrel = R.shape[0]
    k = _build(B, D, RD, BQ, nrel)
    to_i32 = lambda x: x.astype(jnp.int32)
    return k(to_i32(r_idx), to_i32(e1_idx), to_i32(e2_idx), to_i32(e3_idx),
             to_i32(e4_idx), to_i32(e5_idx), to_i32(e6_idx), E, R,
             R_bias.reshape(-1))

# --- scband reference (transcript-rebuilt; emitter-appended) ---
"""Pipeline reference for scband-real-ev1-45208825757877 (READ-ONLY COPY).

The authoritative reference and input builder live on the scoring server;
editing this copy changes nothing except your own understanding.
"""

import jax, jax.numpy as jnp
import numpy as np

NUM_ENT = 1000000
NUM_REL = 1000
EMB_DIM = 128
MAX_ARITY = 6
W = 8
B_ = EMB_DIM // W  # 16
BATCH = 16384


def setup_inputs(seed: int = 0) -> dict:
    key = jax.random.key(seed)
    ks = jax.random.split(key, 10)
    r_idx = jax.random.randint(ks[0], (BATCH,), 0, NUM_REL)
    e1_idx = jax.random.randint(ks[1], (BATCH,), 0, NUM_ENT)
    e2_idx = jax.random.randint(ks[2], (BATCH,), 0, NUM_ENT)
    e3_idx = jax.random.randint(ks[3], (BATCH,), 0, NUM_ENT)
    e4_idx = jax.random.randint(ks[4], (BATCH,), 0, NUM_ENT)
    e5_idx = jax.random.randint(ks[5], (BATCH,), 0, NUM_ENT)
    e6_idx = jax.random.randint(ks[6], (BATCH,), 0, NUM_ENT)
    E = jax.random.normal(ks[7], (NUM_ENT, EMB_DIM), dtype=jnp.float32) * 0.02
    E = E.at[0].set(0.0)  # padding_idx=0
    R = jax.random.normal(ks[8], (NUM_REL, EMB_DIM * MAX_ARITY), dtype=jnp.float32) * 0.02
    R_bias = jax.random.normal(ks[9], (NUM_REL, B_), dtype=jnp.float32) * 0.02
    return {
        'r_idx': r_idx,
        'e1_idx': e1_idx, 'e2_idx': e2_idx, 'e3_idx': e3_idx,
        'e4_idx': e4_idx, 'e5_idx': e5_idx, 'e6_idx': e6_idx,
        'E': E, 'R': R, 'R_bias': R_bias,
    }


def reference(r_idx, e1_idx, e2_idx, e3_idx, e4_idx, e5_idx, e6_idx, E, R, R_bias):
    # r = self.R(r_idx).reshape(-1, max_arity, emb_dim)
    r = jnp.take(R, r_idx, axis=0).reshape(-1, MAX_ARITY, EMB_DIM)
    r_bias = jnp.take(R_bias, r_idx, axis=0)
    e1 = jnp.take(E, e1_idx, axis=0)
    e2 = jnp.take(E, e2_idx, axis=0)
    e3 = jnp.take(E, e3_idx, axis=0)
    e4 = jnp.take(E, e4_idx, axis=0)
    e5 = jnp.take(E, e5_idx, axis=0)
    e6 = jnp.take(E, e6_idx, axis=0)
    entity_embs = jnp.stack((e1, e2, e3, e4, e5, e6), axis=1)
    # ent_non_linearity == 'none' -> identity
    r = r.reshape(r.shape[0], r.shape[1], W, B_)
    entity_embs = entity_embs.reshape(entity_embs.shape[0], entity_embs.shape[1], W, B_)
    inner = jnp.sum(r * entity_embs, axis=(2, 1)) + r_bias  # (B, b)
    # non_linearity == 'relu'
    results = jnp.sum(jax.nn.relu(inner), axis=1)  # (B,)
    return results

if __name__ == "__main__":
    import jax
    _d = setup_inputs()
    print(jax.jit(kernel)(*tuple(_d.values())))

</pallas_src>

<mosaic_0001>
#map = affine_map<(d0, d1) -> (0)>
#map1 = affine_map<(d0, d1) -> (0, 0)>
module attributes {stable_mosaic.version = 14 : i64} {
  func.func @k(%arg0: i32, %arg1: i32, %arg2: memref<16384xi32, #tpu.memory_space<hbm>>, %arg3: memref<16384xi32, #tpu.memory_space<hbm>>, %arg4: memref<16384xi32, #tpu.memory_space<hbm>>, %arg5: memref<16384xi32, #tpu.memory_space<hbm>>, %arg6: memref<16384xi32, #tpu.memory_space<hbm>>, %arg7: memref<16384xi32, #tpu.memory_space<hbm>>, %arg8: memref<16384xi32, #tpu.memory_space<hbm>>, %arg9: memref<1000000x128xf32, #tpu.memory_space<hbm>>, %arg10: memref<1000x768xf32, #tpu.memory_space<hbm>>, %arg11: memref<16000xf32, #tpu.memory_space<hbm>>, %arg12: memref<16384xf32, #tpu.memory_space<hbm>>, %arg13: memref<528xi32, #tpu.memory_space<vmem>>, %arg14: memref<512xi32, #tpu.memory_space<vmem>>, %arg15: memref<512xi32, #tpu.memory_space<vmem>>, %arg16: memref<512xi32, #tpu.memory_space<vmem>>, %arg17: memref<512xi32, #tpu.memory_space<vmem>>, %arg18: memref<512xi32, #tpu.memory_space<vmem>>, %arg19: memref<512xi32, #tpu.memory_space<vmem>>, %arg20: memref<2x32x768xf32, #tpu.memory_space<vmem>>, %arg21: memref<2x32x128xf32, #tpu.memory_space<vmem>>, %arg22: memref<2x32x128xf32, #tpu.memory_space<vmem>>, %arg23: memref<2x32x128xf32, #tpu.memory_space<vmem>>, %arg24: memref<2x32x128xf32, #tpu.memory_space<vmem>>, %arg25: memref<2x32x128xf32, #tpu.memory_space<vmem>>, %arg26: memref<2x32x128xf32, #tpu.memory_space<vmem>>, %arg27: memref<16000xf32, #tpu.memory_space<vmem>>, %arg28: memref<512xf32, #tpu.memory_space<vmem>>, %arg29: memref<!tpu.dma_semaphore, #tpu.memory_space<semaphore_mem>>, %arg30: memref<!tpu.dma_semaphore, #tpu.memory_space<semaphore_mem>>, %arg31: memref<2x!tpu.dma_semaphore, #tpu.memory_space<semaphore_mem>>) attributes {dimension_semantics = [#tpu.dimension_semantics<core_parallel>, #tpu.dimension_semantics<subcore_parallel>], iteration_bounds = array<i64: 2, 16>, scalar_prefetch = 0 : i64, scratch_operands = 19 : i64, tpu.core_type = #tpu.core_type<sc_vector_subcore>, window_params = [{transform_indices = #map}, {transform_indices = #map}, {transform_indices = #map}, {transform_indices = #map}, {transform_indices = #map}, {transform_indices = #map}, {transform_indices = #map}, {transform_indices = #map1}, {transform_indices = #map1}, {transform_indices = #map}, {transform_indices = #map}]} {
    %mul3A = arith.constant 2 : i32
    %mul3A_0 = arith.muli %arg1, %mul3A : i32
    %add3A = arith.addi %mul3A_0, %arg0 : i32
    %mul3A_1 = arith.constant 512 : i32
    %mul3A_2 = arith.muli %add3A, %mul3A_1 : i32
    %iota3A = tpu.iota {dimensions = array<i32: 0>} : vector<16xi32>
    %dma_start3A = arith.constant 0 : i32
    %dma_start3A_3 = tpu.memref_slice %arg13[%dma_start3A] : memref<528xi32, #tpu.memory_space<vmem>> -> memref<32xi32, #tpu.memory_space<vmem>>
    %dma_start3A_4 = tpu.memref_slice %arg2[%mul3A_2] : memref<16384xi32, #tpu.memory_space<hbm>> -> memref<32xi32, #tpu.memory_space<hbm>>
    %dma_start3A_5 = arith.constant 0 : i32
    %dma_start3A_6 = tpu.memref_slice %arg13[%dma_start3A_5] : memref<528xi32, #tpu.memory_space<vmem>> -> memref<32xi32, #tpu.memory_space<vmem>>
    %dma_start3A_7 = tpu.memref_slice %arg2[%mul3A_2] : memref<16384xi32, #tpu.memory_space<hbm>> -> memref<32xi32, #tpu.memory_space<hbm>>
    tpu.enqueue_dma source(%dma_start3A_7 : memref<32xi32, #tpu.memory_space<hbm>>) target(%dma_start3A_6 : memref<32xi32, #tpu.memory_space<vmem>>) target_semaphore(%arg29 : memref<!tpu.dma_semaphore, #tpu.memory_space<semaphore_mem>>)
    %dma_start3A_8 = arith.constant 0 : i32
    %dma_start3A_9 = tpu.memref_slice %arg14[%dma_start3A_8] : memref<512xi32, #tpu.memory_space<vmem>> -> memref<32xi32, #tpu.memory_space<vmem>>
    %dma_start3A_10 = tpu.memref_slice %arg3[%mul3A_2] : memref<16384xi32, #tpu.memory_space<hbm>> -> memref<32xi32, #tpu.memory_space<hbm>>
    %dma_start3A_11 = arith.constant 0 : i32
    %dma_start3A_12 = tpu.memref_slice %arg14[%dma_start3A_11] : memref<512xi32, #tpu.memory_space<vmem>> -> memref<32xi32, #tpu.memory_space<vmem>>
    %dma_start3A_13 = tpu.memref_slice %arg3[%mul3A_2] : memref<16384xi32, #tpu.memory_space<hbm>> -> memref<32xi32, #tpu.memory_space<hbm>>
    tpu.enqueue_dma source(%dma_start3A_13 : memref<32xi32, #tpu.memory_space<hbm>>) target(%dma_start3A_12 : memref<32xi32, #tpu.memory_space<vmem>>) target_semaphore(%arg29 : memref<!tpu.dma_semaphore, #tpu.memory_space<semaphore_mem>>)
    %dma_start3A_14 = arith.constant 0 : i32
    %dma_start3A_15 = tpu.memref_slice %arg15[%dma_start3A_14] : memref<512xi32, #tpu.memory_space<vmem>> -> memref<32xi32, #tpu.memory_space<vmem>>
    %dma_start3A_16 = tpu.memref_slice %arg4[%mul3A_2] : memref<16384xi32, #tpu.memory_space<hbm>> -> memref<32xi32, #tpu.memory_space<hbm>>
    %dma_start3A_17 = arith.constant 0 : i32
    %dma_start3A_18 = tpu.memref_slice %arg15[%dma_start3A_17] : memref<512xi32, #tpu.memory_space<vmem>> -> memref<32xi32, #tpu.memory_space<vmem>>
    %dma_start3A_19 = tpu.memref_slice %arg4[%mul3A_2] : memref<16384xi32, #tpu.memory_space<hbm>> -> memref<32xi32, #tpu.memory_space<hbm>>
    tpu.enqueue_dma source(%dma_start3A_19 : memref<32xi32, #tpu.memory_space<hbm>>) target(%dma_start3A_18 : memref<32xi32, #tpu.memory_space<vmem>>) target_semaphore(%arg29 : memref<!tpu.dma_semaphore, #tpu.memory_space<semaphore_mem>>)
    %dma_start3A_20 = arith.constant 0 : i32
    %dma_start3A_21 = tpu.memref_slice %arg16[%dma_start3A_20] : memref<512xi32, #tpu.memory_space<vmem>> -> memref<32xi32, #tpu.memory_space<vmem>>
    %dma_start3A_22 = tpu.memref_slice %arg5[%mul3A_2] : memref<16384xi32, #tpu.memory_space<hbm>> -> memref<32xi32, #tpu.memory_space<hbm>>
    %dma_start3A_23 = arith.constant 0 : i32
    %dma_start3A_24 = tpu.memref_slice %arg16[%dma_start3A_23] : memref<512xi32, #tpu.memory_space<vmem>> -> memref<32xi32, #tpu.memory_space<vmem>>
    %dma_start3A_25 = tpu.memref_slice %arg5[%mul3A_2] : memref<16384xi32, #tpu.memory_space<hbm>> -> memref<32xi32, #tpu.memory_space<hbm>>
    tpu.enqueue_dma source(%dma_start3A_25 : memref<32xi32, #tpu.memory_space<hbm>>) target(%dma_start3A_24 : memref<32xi32, #tpu.memory_space<vmem>>) target_semaphore(%arg29 : memref<!tpu.dma_semaphore, #tpu.memory_space<semaphore_mem>>)
    %dma_start3A_26 = arith.constant 0 : i32
    %dma_start3A_27 = tpu.memref_slice %arg17[%dma_start3A_26] : memref<512xi32, #tpu.memory_space<vmem>> -> memref<32xi32, #tpu.memory_space<vmem>>
    %dma_start3A_28 = tpu.memref_slice %arg6[%mul3A_2] : memref<16384xi32, #tpu.memory_space<hbm>> -> memref<32xi32, #tpu.memory_space<hbm>>
    %dma_start3A_29 = arith.constant 0 : i32
    %dma_start3A_30 = tpu.memref_slice %arg17[%dma_start3A_29] : memref<512xi32, #tpu.memory_space<vmem>> -> memref<32xi32, #tpu.memory_space<vmem>>
    %dma_start3A_31 = tpu.memref_slice %arg6[%mul3A_2] : memref<16384xi32, #tpu.memory_space<hbm>> -> memref<32xi32, #tpu.memory_space<hbm>>
    tpu.enqueue_dma source(%dma_start3A_31 : memref<32xi32, #tpu.memory_space<hbm>>) target(%dma_start3A_30 : memref<32xi32, #tpu.memory_space<vmem>>) target_semaphore(%arg29 : memref<!tpu.dma_semaphore, #tpu.memory_space<semaphore_mem>>)
    %dma_start3A_32 = arith.constant 0 : i32
    %dma_start3A_33 = tpu.memref_slice %arg18[%dma_start3A_32] : memref<512xi32, #tpu.memory_space<vmem>> -> memref<32xi32, #tpu.memory_space<vmem>>
    %dma_start3A_34 = tpu.memref_slice %arg7[%mul3A_2] : memref<16384xi32, #tpu.memory_space<hbm>> -> memref<32xi32, #tpu.memory_space<hbm>>
    %dma_start3A_35 = arith.constant 0 : i32
    %dma_start3A_36 = tpu.memref_slice %arg18[%dma_start3A_35] : memref<512xi32, #tpu.memory_space<vmem>> -> memref<32xi32, #tpu.memory_space<vmem>>
    %dma_start3A_37 = tpu.memref_slice %arg7[%mul3A_2] : memref<16384xi32, #tpu.memory_space<hbm>> -> memref<32xi32, #tpu.memory_space<hbm>>
    tpu.enqueue_dma source(%dma_start3A_37 : memref<32xi32, #tpu.memory_space<hbm>>) target(%dma_start3A_36 : memref<32xi32, #tpu.memory_space<vmem>>) target_semaphore(%arg29 : memref<!tpu.dma_semaphore, #tpu.memory_space<semaphore_mem>>)
    %dma_start3A_38 = arith.constant 0 : i32
    %dma_start3A_39 = tpu.memref_slice %arg19[%dma_start3A_38] : memref<512xi32, #tpu.memory_space<vmem>> -> memref<32xi32, #tpu.memory_space<vmem>>
    %dma_start3A_40 = tpu.memref_slice %arg8[%mul3A_2] : memref<16384xi32, #tpu.memory_space<hbm>> -> memref<32xi32, #tpu.memory_space<hbm>>
    %dma_start3A_41 = arith.constant 0 : i32
    %dma_start3A_42 = tpu.memref_slice %arg19[%dma_start3A_41] : memref<512xi32, #tpu.memory_space<vmem>> -> memref<32xi32, #tpu.memory_space<vmem>>
    %dma_start3A_43 = tpu.memref_slice %arg8[%mul3A_2] : memref<16384xi32, #tpu.memory_space<hbm>> -> memref<32xi32, #tpu.memory_space<hbm>>
    tpu.enqueue_dma source(%dma_start3A_43 : memref<32xi32, #tpu.memory_space<hbm>>) target(%dma_start3A_42 : memref<32xi32, #tpu.memory_space<vmem>>) target_semaphore(%arg29 : memref<!tpu.dma_semaphore, #tpu.memory_space<semaphore_mem>>)
    %add3A_44 = arith.constant 32 : i32
    %add3A_45 = arith.addi %mul3A_2, %add3A_44 : i32
    %dma_start3A_46 = arith.constant 32 : i32
    %dma_start3A_47 = tpu.memref_slice %arg13[%dma_start3A_46] : memref<528xi32, #tpu.memory_space<vmem>> -> memref<480xi32, #tpu.memory_space<vmem>>
    %dma_start3A_48 = tpu.memref_slice %arg2[%add3A_45] : memref<16384xi32, #tpu.memory_space<hbm>> -> memref<480xi32, #tpu.memory_space<hbm>>
    %dma_start3A_49 = arith.constant 32 : i32
    %dma_start3A_50 = tpu.memref_slice %arg13[%dma_start3A_49] : memref<528xi32, #tpu.memory_space<vmem>> -> memref<480xi32, #tpu.memory_space<vmem>>
    %dma_start3A_51 = tpu.memref_slice %arg2[%add3A_45] : memref<16384xi32, #tpu.memory_space<hbm>> -> memref<480xi32, #tpu.memory_space<hbm>>
    tpu.enqueue_dma source(%dma_start3A_51 : memref<480xi32, #tpu.memory_space<hbm>>) target(%dma_start3A_50 : memref<480xi32, #tpu.memory_space<vmem>>) target_semaphore(%arg30 : memref<!tpu.dma_semaphore, #tpu.memory_space<semaphore_mem>>)
    %add3A_52 = arith.constant 32 : i32
    %add3A_53 = arith.addi %mul3A_2, %add3A_52 : i32
    %dma_start3A_54 = arith.constant 32 : i32
    %dma_start3A_55 = tpu.memref_slice %arg14[%dma_start3A_54] : memref<512xi32, #tpu.memory_space<vmem>> -> memref<480xi32, #tpu.memory_space<vmem>>
    %dma_start3A_56 = tpu.memref_slice %arg3[%add3A_53] : memref<16384xi32, #tpu.memory_space<hbm>> -> memref<480xi32, #tpu.memory_space<hbm>>
    %dma_start3A_57 = arith.constant 32 : i32
    %dma_start3A_58 = tpu.memref_slice %arg14[%dma_start3A_57] : memref<512xi32, #tpu.memory_space<vmem>> -> memref<480xi32, #tpu.memory_space<vmem>>
    %dma_start3A_59 = tpu.memref_slice %arg3[%add3A_53] : memref<16384xi32, #tpu.memory_space<hbm>> -> memref<480xi32, #tpu.memory_space<hbm>>
    tpu.enqueue_dma source(%dma_start3A_59 : memref<480xi32, #tpu.memory_space<hbm>>) target(%dma_start3A_58 : memref<480xi32, #tpu.memory_space<vmem>>) target_semaphore(%arg30 : memref<!tpu.dma_semaphore, #tpu.memory_space<semaphore_mem>>)
    %add3A_60 = arith.constant 32 : i32
    %add3A_61 = arith.addi %mul3A_2, %add3A_60 : i32
    %dma_start3A_62 = arith.constant 32 : i32
    %dma_start3A_63 = tpu.memref_slice %arg15[%dma_start3A_62] : memref<512xi32, #tpu.memory_space<vmem>> -> memref<480xi32, #tpu.memory_space<vmem>>
    %dma_start3A_64 = tpu.memref_slice %arg4[%add3A_61] : memref<16384xi32, #tpu.memory_space<hbm>> -> memref<480xi32, #tpu.memory_space<hbm>>
    %dma_start3A_65 = arith.constant 32 : i32
    %dma_start3A_66 = tpu.memref_slice %arg15[%dma_start3A_65] : memref<512xi32, #tpu.memory_space<vmem>> -> memref<480xi32, #tpu.memory_space<vmem>>
    %dma_start3A_67 = tpu.memref_slice %arg4[%add3A_61] : memref<16384xi32, #tpu.memory_space<hbm>> -> memref<480xi32, #tpu.memory_space<hbm>>
    tpu.enqueue_dma source(%dma_start3A_67 : memref<480xi32, #tpu.memory_space<hbm>>) target(%dma_start3A_66 : memref<480xi32, #tpu.memory_space<vmem>>) target_semaphore(%arg30 : memref<!tpu.dma_semaphore, #tpu.memory_space<semaphore_mem>>)
    %add3A_68 = arith.constant 32 : i32
    %add3A_69 = arith.addi %mul3A_2, %add3A_68 : i32
    %dma_start3A_70 = arith.constant 32 : i32
    %dma_start3A_71 = tpu.memref_slice %arg16[%dma_start3A_70] : memref<512xi32, #tpu.memory_space<vmem>> -> memref<480xi32, #tpu.memory_space<vmem>>
    %dma_start3A_72 = tpu.memref_slice %arg5[%add3A_69] : memref<16384xi32, #tpu.memory_space<hbm>> -> memref<480xi32, #tpu.memory_space<hbm>>
    %dma_start3A_73 = arith.constant 32 : i32
    %dma_start3A_74 = tpu.memref_slice %arg16[%dma_start3A_73] : memref<512xi32, #tpu.memory_space<vmem>> -> memref<480xi32, #tpu.memory_space<vmem>>
    %dma_start3A_75 = tpu.memref_slice %arg5[%add3A_69] : memref<16384xi32, #tpu.memory_space<hbm>> -> memref<480xi32, #tpu.memory_space<hbm>>
    tpu.enqueue_dma source(%dma_start3A_75 : memref<480xi32, #tpu.memory_space<hbm>>) target(%dma_start3A_74 : memref<480xi32, #tpu.memory_space<vmem>>) target_semaphore(%arg30 : memref<!tpu.dma_semaphore, #tpu.memory_space<semaphore_mem>>)
    %add3A_76 = arith.constant 32 : i32
    %add3A_77 = arith.addi %mul3A_2, %add3A_76 : i32
    %dma_start3A_78 = arith.constant 32 : i32
    %dma_start3A_79 = tpu.memref_slice %arg17[%dma_start3A_78] : memref<512xi32, #tpu.memory_space<vmem>> -> memref<480xi32, #tpu.memory_space<vmem>>
    %dma_start3A_80 = tpu.memref_slice %arg6[%add3A_77] : memref<16384xi32, #tpu.memory_space<hbm>> -> memref<480xi32, #tpu.memory_space<hbm>>
    %dma_start3A_81 = arith.constant 32 : i32
    %dma_start3A_82 = tpu.memref_slice %arg17[%dma_start3A_81] : memref<512xi32, #tpu.memory_space<vmem>> -> memref<480xi32, #tpu.memory_space<vmem>>
    %dma_start3A_83 = tpu.memref_slice %arg6[%add3A_77] : memref<16384xi32, #tpu.memory_space<hbm>> -> memref<480xi32, #tpu.memory_space<hbm>>
    tpu.enqueue_dma source(%dma_start3A_83 : memref<480xi32, #tpu.memory_space<hbm>>) target(%dma_start3A_82 : memref<480xi32, #tpu.memory_space<vmem>>) target_semaphore(%arg30 : memref<!tpu.dma_semaphore, #tpu.memory_space<semaphore_mem>>)
    %add3A_84 = arith.constant 32 : i32
    %add3A_85 = arith.addi %mul3A_2, %add3A_84 : i32
    %dma_start3A_86 = arith.constant 32 : i32
    %dma_start3A_87 = tpu.memref_slice %arg18[%dma_start3A_86] : memref<512xi32, #tpu.memory_space<vmem>> -> memref<480xi32, #tpu.memory_space<vmem>>
    %dma_start3A_88 = tpu.memref_slice %arg7[%add3A_85] : memref<16384xi32, #tpu.memory_space<hbm>> -> memref<480xi32, #tpu.memory_space<hbm>>
    %dma_start3A_89 = arith.constant 32 : i32
    %dma_start3A_90 = tpu.memref_slice %arg18[%dma_start3A_89] : memref<512xi32, #tpu.memory_space<vmem>> -> memref<480xi32, #tpu.memory_space<vmem>>
    %dma_start3A_91 = tpu.memref_slice %arg7[%add3A_85] : memref<16384xi32, #tpu.memory_space<hbm>> -> memref<480xi32, #tpu.memory_space<hbm>>
    tpu.enqueue_dma source(%dma_start3A_91 : memref<480xi32, #tpu.memory_space<hbm>>) target(%dma_start3A_90 : memref<480xi32, #tpu.memory_space<vmem>>) target_semaphore(%arg30 : memref<!tpu.dma_semaphore, #tpu.memory_space<semaphore_mem>>)
    %add3A_92 = arith.constant 32 : i32
    %add3A_93 = arith.addi %mul3A_2, %add3A_92 : i32
    %dma_start3A_94 = arith.constant 32 : i32
    %dma_start3A_95 = tpu.memref_slice %arg19[%dma_start3A_94] : memref<512xi32, #tpu.memory_space<vmem>> -> memref<480xi32, #tpu.memory_space<vmem>>
    %dma_start3A_96 = tpu.memref_slice %arg8[%add3A_93] : memref<16384xi32, #tpu.memory_space<hbm>> -> memref<480xi32, #tpu.memory_space<hbm>>
    %dma_start3A_97 = arith.constant 32 : i32
    %dma_start3A_98 = tpu.memref_slice %arg19[%dma_start3A_97] : memref<512xi32, #tpu.memory_space<vmem>> -> memref<480xi32, #tpu.memory_space<vmem>>
    %dma_start3A_99 = tpu.memref_slice %arg8[%add3A_93] : memref<16384xi32, #tpu.memory_space<hbm>> -> memref<480xi32, #tpu.memory_space<hbm>>
    tpu.enqueue_dma source(%dma_start3A_99 : memref<480xi32, #tpu.memory_space<hbm>>) target(%dma_start3A_98 : memref<480xi32, #tpu.memory_space<vmem>>) target_semaphore(%arg30 : memref<!tpu.dma_semaphore, #tpu.memory_space<semaphore_mem>>)
    tpu.enqueue_dma source(%arg11 : memref<16000xf32, #tpu.memory_space<hbm>>) target(%arg27 : memref<16000xf32, #tpu.memory_space<vmem>>) target_semaphore(%arg30 : memref<!tpu.dma_semaphore, #tpu.memory_space<semaphore_mem>>)
    %dma_wait3A = arith.constant 0 : i32
    %dma_wait3A_100 = tpu.memref_slice %arg13[%dma_wait3A] : memref<528xi32, #tpu.memory_space<vmem>> -> memref<32xi32, #tpu.memory_space<vmem>>
    %dma_wait3A_101 = tpu.memref_slice %arg2[%mul3A_2] : memref<16384xi32, #tpu.memory_space<hbm>> -> memref<32xi32, #tpu.memory_space<hbm>>
    %dma_wait3A_102 = arith.constant 0 : i32
    %dma_wait3A_103 = tpu.memref_slice %arg13[%dma_wait3A_102] : memref<528xi32, #tpu.memory_space<vmem>> -> memref<32xi32, #tpu.memory_space<vmem>>
    %dma_wait3A_104 = tpu.memref_slice %arg2[%mul3A_2] : memref<16384xi32, #tpu.memory_space<hbm>> -> memref<32xi32, #tpu.memory_space<hbm>>
    tpu.wait_dma2 semaphore(%arg29 : memref<!tpu.dma_semaphore, #tpu.memory_space<semaphore_mem>>) src(%dma_wait3A_104 : memref<32xi32, #tpu.memory_space<hbm>>) dst(%dma_wait3A_103 : memref<32xi32, #tpu.memory_space<vmem>>)
    %dma_wait3A_105 = arith.constant 0 : i32
    %dma_wait3A_106 = tpu.memref_slice %arg14[%dma_wait3A_105] : memref<512xi32, #tpu.memory_space<vmem>> -> memref<32xi32, #tpu.memory_space<vmem>>
    %dma_wait3A_107 = tpu.memref_slice %arg3[%mul3A_2] : memref<16384xi32, #tpu.memory_space<hbm>> -> memref<32xi32, #tpu.memory_space<hbm>>
    %dma_wait3A_108 = arith.constant 0 : i32
    %dma_wait3A_109 = tpu.memref_slice %arg14[%dma_wait3A_108] : memref<512xi32, #tpu.memory_space<vmem>> -> memref<32xi32, #tpu.memory_space<vmem>>
    %dma_wait3A_110 = tpu.memref_slice %arg3[%mul3A_2] : memref<16384xi32, #tpu.memory_space<hbm>> -> memref<32xi32, #tpu.memory_space<hbm>>
    tpu.wait_dma2 semaphore(%arg29 : memref<!tpu.dma_semaphore, #tpu.memory_space<semaphore_mem>>) src(%dma_wait3A_110 : memref<32xi32, #tpu.memory_space<hbm>>) dst(%dma_wait3A_109 : memref<32xi32, #tpu.memory_space<vmem>>)
    %dma_wait3A_111 = arith.constant 0 : i32
    %dma_wait3A_112 = tpu.memref_slice %arg15[%dma_wait3A_111] : memref<512xi32, #tpu.memory_space<vmem>> -> memref<32xi32, #tpu.memory_space<vmem>>
    %dma_wait3A_113 = tpu.memref_slice %arg4[%mul3A_2] : memref<16384xi32, #tpu.memory_space<hbm>> -> memref<32xi32, #tpu.memory_space<hbm>>
    %dma_wait3A_114 = arith.constant 0 : i32
    %dma_wait3A_115 = tpu.memref_slice %arg15[%dma_wait3A_114] : memref<512xi32, #tpu.memory_space<vmem>> -> memref<32xi32, #tpu.memory_space<vmem>>
    %dma_wait3A_116 = tpu.memref_slice %arg4[%mul3A_2] : memref<16384xi32, #tpu.memory_space<hbm>> -> memref<32xi32, #tpu.memory_space<hbm>>
    tpu.wait_dma2 semaphore(%arg29 : memref<!tpu.dma_semaphore, #tpu.memory_space<semaphore_mem>>) src(%dma_wait3A_116 : memref<32xi32, #tpu.memory_space<hbm>>) dst(%dma_wait3A_115 : memref<32xi32, #tpu.memory_space<vmem>>)
    %dma_wait3A_117 = arith.constant 0 : i32
    %dma_wait3A_118 = tpu.memref_slice %arg16[%dma_wait3A_117] : memref<512xi32, #tpu.memory_space<vmem>> -> memref<32xi32, #tpu.memory_space<vmem>>
    %dma_wait3A_119 = tpu.memref_slice %arg5[%mul3A_2] : memref<16384xi32, #tpu.memory_space<hbm>> -> memref<32xi32, #tpu.memory_space<hbm>>
    %dma_wait3A_120 = arith.constant 0 : i32
    %dma_wait3A_121 = tpu.memref_slice %arg16[%dma_wait3A_120] : memref<512xi32, #tpu.memory_space<vmem>> -> memref<32xi32, #tpu.memory_space<vmem>>
    %dma_wait3A_122 = tpu.memref_slice %arg5[%mul3A_2] : memref<16384xi32, #tpu.memory_space<hbm>> -> memref<32xi32, #tpu.memory_space<hbm>>
    tpu.wait_dma2 semaphore(%arg29 : memref<!tpu.dma_semaphore, #tpu.memory_space<semaphore_mem>>) src(%dma_wait3A_122 : memref<32xi32, #tpu.memory_space<hbm>>) dst(%dma_wait3A_121 : memref<32xi32, #tpu.memory_space<vmem>>)
    %dma_wait3A_123 = arith.constant 0 : i32
    %dma_wait3A_124 = tpu.memref_slice %arg17[%dma_wait3A_123] : memref<512xi32, #tpu.memory_space<vmem>> -> memref<32xi32, #tpu.memory_space<vmem>>
    %dma_wait3A_125 = tpu.memref_slice %arg6[%mul3A_2] : memref<16384xi32, #tpu.memory_space<hbm>> -> memref<32xi32, #tpu.memory_space<hbm>>
    %dma_wait3A_126 = arith.constant 0 : i32
    %dma_wait3A_127 = tpu.memref_slice %arg17[%dma_wait3A_126] : memref<512xi32, #tpu.memory_space<vmem>> -> memref<32xi32, #tpu.memory_space<vmem>>
    %dma_wait3A_128 = tpu.memref_slice %arg6[%mul3A_2] : memref<16384xi32, #tpu.memory_space<hbm>> -> memref<32xi32, #tpu.memory_space<hbm>>
    tpu.wait_dma2 semaphore(%arg29 : memref<!tpu.dma_semaphore, #tpu.memory_space<semaphore_mem>>) src(%dma_wait3A_128 : memref<32xi32, #tpu.memory_space<hbm>>) dst(%dma_wait3A_127 : memref<32xi32, #tpu.memory_space<vmem>>)
    %dma_wait3A_129 = arith.constant 0 : i32
    %dma_wait3A_130 = tpu.memref_slice %arg18[%dma_wait3A_129] : memref<512xi32, #tpu.memory_space<vmem>> -> memref<32xi32, #tpu.memory_space<vmem>>
    %dma_wait3A_131 = tpu.memref_slice %arg7[%mul3A_2] : memref<16384xi32, #tpu.memory_space<hbm>> -> memref<32xi32, #tpu.memory_space<hbm>>
    %dma_wait3A_132 = arith.constant 0 : i32
    %dma_wait3A_133 = tpu.memref_slice %arg18[%dma_wait3A_132] : memref<512xi32, #tpu.memory_space<vmem>> -> memref<32xi32, #tpu.memory_space<vmem>>
    %dma_wait3A_134 = tpu.memref_slice %arg7[%mul3A_2] : memref<16384xi32, #tpu.memory_space<hbm>> -> memref<32xi32, #tpu.memory_space<hbm>>
    tpu.wait_dma2 semaphore(%arg29 : memref<!tpu.dma_semaphore, #tpu.memory_space<semaphore_mem>>) src(%dma_wait3A_134 : memref<32xi32, #tpu.memory_space<hbm>>) dst(%dma_wait3A_133 : memref<32xi32, #tpu.memory_space<vmem>>)
    %dma_wait3A_135 = arith.constant 0 : i32
    %dma_wait3A_136 = tpu.memref_slice %arg19[%dma_wait3A_135] : memref<512xi32, #tpu.memory_space<vmem>> -> memref<32xi32, #tpu.memory_space<vmem>>
    %dma_wait3A_137 = tpu.memref_slice %arg8[%mul3A_2] : memref<16384xi32, #tpu.memory_space<hbm>> -> memref<32xi32, #tpu.memory_space<hbm>>
    %dma_wait3A_138 = arith.constant 0 : i32
    %dma_wait3A_139 = tpu.memref_slice %arg19[%dma_wait3A_138] : memref<512xi32, #tpu.memory_space<vmem>> -> memref<32xi32, #tpu.memory_space<vmem>>
    %dma_wait3A_140 = tpu.memref_slice %arg8[%mul3A_2] : memref<16384xi32, #tpu.memory_space<hbm>> -> memref<32xi32, #tpu.memory_space<hbm>>
    tpu.wait_dma2 semaphore(%arg29 : memref<!tpu.dma_semaphore, #tpu.memory_space<semaphore_mem>>) src(%dma_wait3A_140 : memref<32xi32, #tpu.memory_space<hbm>>) dst(%dma_wait3A_139 : memref<32xi32, #tpu.memory_space<vmem>>)
    %dma_start3A_141 = arith.constant 0 : i32
    %dma_start3A_142 = arith.constant 0 : i32
    %dma_start3A_143 = arith.constant 0 : i32
    %dma_start3A_144 = arith.constant 0 : i32
    %dma_start3A_145 = tpu.memref_slice %arg20[%dma_start3A_141, %dma_start3A_143, %dma_start3A_144] : memref<2x32x768xf32, #tpu.memory_space<vmem>> -> memref<1x32x768xf32, #tpu.memory_space<vmem>>
    %dma_start3A_146 = tpu.memref_squeeze %dma_start3A_145 : memref<1x32x768xf32, #tpu.memory_space<vmem>> -> memref<32x768xf32, #tpu.memory_space<vmem>>
    %dma_start3A_147 = arith.constant 0 : i32
    %dma_start3A_148 = tpu.memref_slice %arg13[%dma_start3A_147] : memref<528xi32, #tpu.memory_space<vmem>> -> memref<32xi32, #tpu.memory_space<vmem>>
    %dma_start3A_149 = arith.constant 0 : i32
    %dma_start3A_150 = arith.constant 0 : i32
    %dma_start3A_151 = tpu.memref_slice %arg10[%dma_start3A_149, %dma_start3A_150] : memref<1000x768xf32, #tpu.memory_space<hbm>> -> memref<1000x768xf32, #tpu.memory_space<hbm>>
    %dma_start3A_152 = tpu.memref_slice %arg31[%dma_start3A_142] : memref<2x!tpu.dma_semaphore, #tpu.memory_space<semaphore_mem>> -> memref<1x!tpu.dma_semaphore, #tpu.memory_space<semaphore_mem>>
    %dma_start3A_153 = tpu.memref_squeeze %dma_start3A_152 : memref<1x!tpu.dma_semaphore, #tpu.memory_space<semaphore_mem>> -> memref<!tpu.dma_semaphore, #tpu.memory_space<semaphore_mem>>
    tpu.enqueue_indirect_dma source(%dma_start3A_151 : memref<1000x768xf32, #tpu.memory_space<hbm>>) target(%dma_start3A_146 : memref<32x768xf32, #tpu.memory_space<vmem>>) offsets(%dma_start3A_148 : memref<32xi32, #tpu.memory_space<vmem>>) semaphore(%dma_start3A_153 : memref<!tpu.dma_semaphore, #tpu.memory_space<semaphore_mem>>)
    %dma_start3A_154 = arith.constant 0 : i32
    %dma_start3A_155 = arith.constant 0 : i32
    %dma_start3A_156 = arith.constant 0 : i32
    %dma_start3A_157 = arith.constant 0 : i32
    %dma_start3A_158 = tpu.memref_slice %arg21[%dma_start3A_154, %dma_start3A_156, %dma_start3A_157] : memref<2x32x128xf32, #tpu.memory_space<vmem>> -> memref<1x32x128xf32, #tpu.memory_space<vmem>>
    %dma_start3A_159 = tpu.memref_squeeze %dma_start3A_158 : memref<1x32x128xf32, #tpu.memory_space<vmem>> -> memref<32x128xf32, #tpu.memory_space<vmem>>
    %dma_start3A_160 = arith.constant 0 : i32
    %dma_start3A_161 = tpu.memref_slice %arg14[%dma_start3A_160] : memref<512xi32, #tpu.memory_space<vmem>> -> memref<32xi32, #tpu.memory_space<vmem>>
    %dma_start3A_162 = arith.constant 0 : i32
    %dma_start3A_163 = arith.constant 0 : i32
    %dma_start3A_164 = tpu.memref_slice %arg9[%dma_start3A_162, %dma_start3A_163] : memref<1000000x128xf32, #tpu.memory_space<hbm>> -> memref<1000000x128xf32, #tpu.memory_space<hbm>>
    %dma_start3A_165 = tpu.memref_slice %arg31[%dma_start3A_155] : memref<2x!tpu.dma_semaphore, #tpu.memory_space<semaphore_mem>> -> memref<1x!tpu.dma_semaphore, #tpu.memory_space<semaphore_mem>>
    %dma_start3A_166 = tpu.memref_squeeze %dma_start3A_165 : memref<1x!tpu.dma_semaphore, #tpu.memory_space<semaphore_mem>> -> memref<!tpu.dma_semaphore, #tpu.memory_space<semaphore_mem>>
    tpu.enqueue_indirect_dma source(%dma_start3A_164 : memref<1000000x128xf32, #tpu.memory_space<hbm>>) target(%dma_start3A_159 : memref<32x128xf32, #tpu.memory_space<vmem>>) offsets(%dma_start3A_161 : memref<32xi32, #tpu.memory_space<vmem>>) semaphore(%dma_start3A_166 : memref<!tpu.dma_semaphore, #tpu.memory_space<semaphore_mem>>)
    %dma_start3A_167 = arith.constant 0 : i32
    %dma_start3A_168 = arith.constant 0 : i32
    %dma_start3A_169 = arith.constant 0 : i32
    %dma_start3A_170 = arith.constant 0 : i32
    %dma_start3A_171 = tpu.memref_slice %arg22[%dma_start3A_167, %dma_start3A_169, %dma_start3A_170] : memref<2x32x128xf32, #tpu.memory_space<vmem>> -> memref<1x32x128xf32, #tpu.memory_space<vmem>>
    %dma_start3A_172 = tpu.memref_squeeze %dma_start3A_171 : memref<1x32x128xf32, #tpu.memory_space<vmem>> -> memref<32x128xf32, #tpu.memory_space<vmem>>
    %dma_start3A_173 = arith.constant 0 : i32
    %dma_start3A_174 = tpu.memref_slice %arg15[%dma_start3A_173] : memref<512xi32, #tpu.memory_space<vmem>> -> memref<32xi32, #tpu.memory_space<vmem>>
    %dma_start3A_175 = arith.constant 0 : i32
    %dma_start3A_176 = arith.constant 0 : i32
    %dma_start3A_177 = tpu.memref_slice %arg9[%dma_start3A_175, %dma_start3A_176] : memref<1000000x128xf32, #tpu.memory_space<hbm>> -> memref<1000000x128xf32, #tpu.memory_space<hbm>>
    %dma_start3A_178 = tpu.memref_slice %arg31[%dma_start3A_168] : memref<2x!tpu.dma_semaphore, #tpu.memory_space<semaphore_mem>> -> memref<1x!tpu.dma_semaphore, #tpu.memory_space<semaphore_mem>>
    %dma_start3A_179 = tpu.memref_squeeze %dma_start3A_178 : memref<1x!tpu.dma_semaphore, #tpu.memory_space<semaphore_mem>> -> memref<!tpu.dma_semaphore, #tpu.memory_space<semaphore_mem>>
    tpu.enqueue_indirect_dma source(%dma_start3A_177 : memref<1000000x128xf32, #tpu.memory_space<hbm>>) target(%dma_start3A_172 : memref<32x128xf32, #tpu.memory_space<vmem>>) offsets(%dma_start3A_174 : memref<32xi32, #tpu.memory_space<vmem>>) semaphore(%dma_start3A_179 : memref<!tpu.dma_semaphore, #tpu.memory_space<semaphore_mem>>)
    %dma_start3A_180 = arith.constant 0 : i32
    %dma_start3A_181 = arith.constant 0 : i32
    %dma_start3A_182 = arith.constant 0 : i32
    %dma_start3A_183 = arith.constant 0 : i32
    %dma_start3A_184 = tpu.memref_slice %arg23[%dma_start3A_180, %dma_start3A_182, %dma_start3A_183] : memref<2x32x128xf32, #tpu.memory_space<vmem>> -> memref<1x32x128xf32, #tpu.memory_space<vmem>>
    %dma_start3A_185 = tpu.memref_squeeze %dma_start3A_184 : memref<1x32x128xf32, #tpu.memory_space<vmem>> -> memref<32x128xf32, #tpu.memory_space<vmem>>
    %dma_start3A_186 = arith.constant 0 : i32
    %dma_start3A_187 = tpu.memref_slice %arg16[%dma_start3A_186] : memref<512xi32, #tpu.memory_space<vmem>> -> memref<32xi32, #tpu.memory_space<vmem>>
    %dma_start3A_188 = arith.constant 0 : i32
    %dma_start3A_189 = arith.constant 0 : i32
    %dma_start3A_190 = tpu.memref_slice %arg9[%dma_start3A_188, %dma_start3A_189] : memref<1000000x128xf32, #tpu.memory_space<hbm>> -> memref<1000000x128xf32, #tpu.memory_space<hbm>>
    %dma_start3A_191 = tpu.memref_slice %arg31[%dma_start3A_181] : memref<2x!tpu.dma_semaphore, #tpu.memory_space<semaphore_mem>> -> memref<1x!tpu.dma_semaphore, #tpu.memory_space<semaphore_mem>>
    %dma_start3A_192 = tpu.memref_squeeze %dma_start3A_191 : memref<1x!tpu.dma_semaphore, #tpu.memory_space<semaphore_mem>> -> memref<!tpu.dma_semaphore, #tpu.memory_space<semaphore_mem>>
    tpu.enqueue_indirect_dma source(%dma_start3A_190 : memref<1000000x128xf32, #tpu.memory_space<hbm>>) target(%dma_start3A_185 : memref<32x128xf32, #tpu.memory_space<vmem>>) offsets(%dma_start3A_187 : memref<32xi32, #tpu.memory_space<vmem>>) semaphore(%dma_start3A_192 : memref<!tpu.dma_semaphore, #tpu.memory_space<semaphore_mem>>)
    %dma_start3A_193 = arith.constant 0 : i32
    %dma_start3A_194 = arith.constant 0 : i32
    %dma_start3A_195 = arith.constant 0 : i32
    %dma_start3A_196 = arith.constant 0 : i32
    %dma_start3A_197 = tpu.memref_slice %arg24[%dma_start3A_193, %dma_start3A_195, %dma_start3A_196] : memref<2x32x128xf32, #tpu.memory_space<vmem>> -> memref<1x32x128xf32, #tpu.memory_space<vmem>>
    %dma_start3A_198 = tpu.memref_squeeze %dma_start3A_197 : memref<1x32x128xf32, #tpu.memory_space<vmem>> -> memref<32x128xf32, #tpu.memory_space<vmem>>
    %dma_start3A_199 = arith.constant 0 : i32
    %dma_start3A_200 = tpu.memref_slice %arg17[%dma_start3A_199] : memref<512xi32, #tpu.memory_space<vmem>> -> memref<32xi32, #tpu.memory_space<vmem>>
    %dma_start3A_201 = arith.constant 0 : i32
    %dma_start3A_202 = arith.constant 0 : i32
    %dma_start3A_203 = tpu.memref_slice %arg9[%dma_start3A_201, %dma_start3A_202] : memref<1000000x128xf32, #tpu.memory_space<hbm>> -> memref<1000000x128xf32, #tpu.memory_space<hbm>>
    %dma_start3A_204 = tpu.memref_slice %arg31[%dma_start3A_194] : memref<2x!tpu.dma_semaphore, #tpu.memory_space<semaphore_mem>> -> memref<1x!tpu.dma_semaphore, #tpu.memory_space<semaphore_mem>>
    %dma_start3A_205 = tpu.memref_squeeze %dma_start3A_204 : memref<1x!tpu.dma_semaphore, #tpu.memory_space<semaphore_mem>> -> memref<!tpu.dma_semaphore, #tpu.memory_space<semaphore_mem>>
    tpu.enqueue_indirect_dma source(%dma_start3A_203 : memref<1000000x128xf32, #tpu.memory_space<hbm>>) target(%dma_start3A_198 : memref<32x128xf32, #tpu.memory_space<vmem>>) offsets(%dma_start3A_200 : memref<32xi32, #tpu.memory_space<vmem>>) semaphore(%dma_start3A_205 : memref<!tpu.dma_semaphore, #tpu.memory_space<semaphore_mem>>)
    %dma_start3A_206 = arith.constant 0 : i32
    %dma_start3A_207 = arith.constant 0 : i32
    %dma_start3A_208 = arith.constant 0 : i32
    %dma_start3A_209 = arith.constant 0 : i32
    %dma_start3A_210 = tpu.memref_slice %arg25[%dma_start3A_206, %dma_start3A_208, %dma_start3A_209] : memref<2x32x128xf32, #tpu.memory_space<vmem>> -> memref<1x32x128xf32, #tpu.memory_space<vmem>>
    %dma_start3A_211 = tpu.memref_squeeze %dma_start3A_210 : memref<1x32x128xf32, #tpu.memory_space<vmem>> -> memref<32x128xf32, #tpu.memory_space<vmem>>
    %dma_start3A_212 = arith.constant 0 : i32
    %dma_start3A_213 = tpu.memref_slice %arg18[%dma_start3A_212] : memref<512xi32, #tpu.memory_space<vmem>> -> memref<32xi32, #tpu.memory_space<vmem>>
    %dma_start3A_214 = arith.constant 0 : i32
    %dma_start3A_215 = arith.constant 0 : i32
    %dma_start3A_216 = tpu.memref_slice %arg9[%dma_start3A_214, %dma_start3A_215] : memref<1000000x128xf32, #tpu.memory_space<hbm>> -> memref<1000000x128xf32, #tpu.memory_space<hbm>>
    %dma_start3A_217 = tpu.memref_slice %arg31[%dma_start3A_207] : memref<2x!tpu.dma_semaphore, #tpu.memory_space<semaphore_mem>> -> memref<1x!tpu.dma_semaphore, #tpu.memory_space<semaphore_mem>>
    %dma_start3A_218 = tpu.memref_squeeze %dma_start3A_217 : memref<1x!tpu.dma_semaphore, #tpu.memory_space<semaphore_mem>> -> memref<!tpu.dma_semaphore, #tpu.memory_space<semaphore_mem>>
    tpu.enqueue_indirect_dma source(%dma_start3A_216 : memref<1000000x128xf32, #tpu.memory_space<hbm>>) target(%dma_start3A_211 : memref<32x128xf32, #tpu.memory_space<vmem>>) offsets(%dma_start3A_213 : memref<32xi32, #tpu.memory_space<vmem>>) semaphore(%dma_start3A_218 : memref<!tpu.dma_semaphore, #tpu.memory_space<semaphore_mem>>)
    %dma_start3A_219 = arith.constant 0 : i32
    %dma_start3A_220 = arith.constant 0 : i32
    %dma_start3A_221 = arith.constant 0 : i32
    %dma_start3A_222 = arith.constant 0 : i32
    %dma_start3A_223 = tpu.memref_slice %arg26[%dma_start3A_219, %dma_start3A_221, %dma_start3A_222] : memref<2x32x128xf32, #tpu.memory_space<vmem>> -> memref<1x32x128xf32, #tpu.memory_space<vmem>>
    %dma_start3A_224 = tpu.memref_squeeze %dma_start3A_223 : memref<1x32x128xf32, #tpu.memory_space<vmem>> -> memref<32x128xf32, #tpu.memory_space<vmem>>
    %dma_start3A_225 = arith.constant 0 : i32
    %dma_start3A_226 = tpu.memref_slice %arg19[%dma_start3A_225] : memref<512xi32, #tpu.memory_space<vmem>> -> memref<32xi32, #tpu.memory_space<vmem>>
    %dma_start3A_227 = arith.constant 0 : i32
    %dma_start3A_228 = arith.constant 0 : i32
    %dma_start3A_229 = tpu.memref_slice %arg9[%dma_start3A_227, %dma_start3A_228] : memref<1000000x128xf32, #tpu.memory_space<hbm>> -> memref<1000000x128xf32, #tpu.memory_space<hbm>>
    %dma_start3A_230 = tpu.memref_slice %arg31[%dma_start3A_220] : memref<2x!tpu.dma_semaphore, #tpu.memory_space<semaphore_mem>> -> memref<1x!tpu.dma_semaphore, #tpu.memory_space<semaphore_mem>>
    %dma_start3A_231 = tpu.memref_squeeze %dma_start3A_230 : memref<1x!tpu.dma_semaphore, #tpu.memory_space<semaphore_mem>> -> memref<!tpu.dma_semaphore, #tpu.memory_space<semaphore_mem>>
    tpu.enqueue_indirect_dma source(%dma_start3A_229 : memref<1000000x128xf32, #tpu.memory_space<hbm>>) target(%dma_start3A_224 : memref<32x128xf32, #tpu.memory_space<vmem>>) offsets(%dma_start3A_226 : memref<32xi32, #tpu.memory_space<vmem>>) semaphore(%dma_start3A_231 : memref<!tpu.dma_semaphore, #tpu.memory_space<semaphore_mem>>)
    %dma_wait3A_232 = arith.constant 32 : i32
    %dma_wait3A_233 = tpu.memref_slice %arg13[%dma_wait3A_232] : memref<528xi32, #tpu.memory_space<vmem>> -> memref<480xi32, #tpu.memory_space<vmem>>
    %dma_wait3A_234 = tpu.memref_slice %arg2[%add3A_45] : memref<16384xi32, #tpu.memory_space<hbm>> -> memref<480xi32, #tpu.memory_space<hbm>>
    %dma_wait3A_235 = arith.constant 32 : i32
    %dma_wait3A_236 = tpu.memref_slice %arg13[%dma_wait3A_235] : memref<528xi32, #tpu.memory_space<vmem>> -> memref<480xi32, #tpu.memory_space<vmem>>
    %dma_wait3A_237 = tpu.memref_slice %arg2[%add3A_45] : memref<16384xi32, #tpu.memory_space<hbm>> -> memref<480xi32, #tpu.memory_space<hbm>>
    tpu.wait_dma2 semaphore(%arg30 : memref<!tpu.dma_semaphore, #tpu.memory_space<semaphore_mem>>) src(%dma_wait3A_237 : memref<480xi32, #tpu.memory_space<hbm>>) dst(%dma_wait3A_236 : memref<480xi32, #tpu.memory_space<vmem>>)
    %dma_wait3A_238 = arith.constant 32 : i32
    %dma_wait3A_239 = tpu.memref_slice %arg14[%dma_wait3A_238] : memref<512xi32, #tpu.memory_space<vmem>> -> memref<480xi32, #tpu.memory_space<vmem>>
    %dma_wait3A_240 = tpu.memref_slice %arg3[%add3A_53] : memref<16384xi32, #tpu.memory_space<hbm>> -> memref<480xi32, #tpu.memory_space<hbm>>
    %dma_wait3A_241 = arith.constant 32 : i32
    %dma_wait3A_242 = tpu.memref_slice %arg14[%dma_wait3A_241] : memref<512xi32, #tpu.memory_space<vmem>> -> memref<480xi32, #tpu.memory_space<vmem>>
    %dma_wait3A_243 = tpu.memref_slice %arg3[%add3A_53] : memref<16384xi32, #tpu.memory_space<hbm>> -> memref<480xi32, #tpu.memory_space<hbm>>
    tpu.wait_dma2 semaphore(%arg30 : memref<!tpu.dma_semaphore, #tpu.memory_space<semaphore_mem>>) src(%dma_wait3A_243 : memref<480xi32, #tpu.memory_space<hbm>>) dst(%dma_wait3A_242 : memref<480xi32, #tpu.memory_space<vmem>>)
    %dma_wait3A_244 = arith.constant 32 : i32
    %dma_wait3A_245 = tpu.memref_slice %arg15[%dma_wait3A_244] : memref<512xi32, #tpu.memory_space<vmem>> -> memref<480xi32, #tpu.memory_space<vmem>>
    %dma_wait3A_246 = tpu.memref_slice %arg4[%add3A_61] : memref<16384xi32, #tpu.memory_space<hbm>> -> memref<480xi32, #tpu.memory_space<hbm>>
    %dma_wait3A_247 = arith.constant 32 : i32
    %dma_wait3A_248 = tpu.memref_slice %arg15[%dma_wait3A_247] : memref<512xi32, #tpu.memory_space<vmem>> -> memref<480xi32, #tpu.memory_space<vmem>>
    %dma_wait3A_249 = tpu.memref_slice %arg4[%add3A_61] : memref<16384xi32, #tpu.memory_space<hbm>> -> memref<480xi32, #tpu.memory_space<hbm>>
    tpu.wait_dma2 semaphore(%arg30 : memref<!tpu.dma_semaphore, #tpu.memory_space<semaphore_mem>>) src(%dma_wait3A_249 : memref<480xi32, #tpu.memory_space<hbm>>) dst(%dma_wait3A_248 : memref<480xi32, #tpu.memory_space<vmem>>)
    %dma_wait3A_250 = arith.constant 32 : i32
    %dma_wait3A_251 = tpu.memref_slice %arg16[%dma_wait3A_250] : memref<512xi32, #tpu.memory_space<vmem>> -> memref<480xi32, #tpu.memory_space<vmem>>
    %dma_wait3A_252 = tpu.memref_slice %arg5[%add3A_69] : memref<16384xi32, #tpu.memory_space<hbm>> -> memref<480xi32, #tpu.memory_space<hbm>>
    %dma_wait3A_253 = arith.constant 32 : i32
    %dma_wait3A_254 = tpu.memref_slice %arg16[%dma_wait3A_253] : memref<512xi32, #tpu.memory_space<vmem>> -> memref<480xi32, #tpu.memory_space<vmem>>
    %dma_wait3A_255 = tpu.memref_slice %arg5[%add3A_69] : memref<16384xi32, #tpu.memory_space<hbm>> -> memref<480xi32, #tpu.memory_space<hbm>>
    tpu.wait_dma2 semaphore(%arg30 : memref<!tpu.dma_semaphore, #tpu.memory_space<semaphore_mem>>) src(%dma_wait3A_255 : memref<480xi32, #tpu.memory_space<hbm>>) dst(%dma_wait3A_254 : memref<480xi32, #tpu.memory_space<vmem>>)
    %dma_wait3A_256 = arith.constant 32 : i32
    %dma_wait3A_257 = tpu.memref_slice %arg17[%dma_wait3A_256] : memref<512xi32, #tpu.memory_space<vmem>> -> memref<480xi32, #tpu.memory_space<vmem>>
    %dma_wait3A_258 = tpu.memref_slice %arg6[%add3A_77] : memref<16384xi32, #tpu.memory_space<hbm>> -> memref<480xi32, #tpu.memory_space<hbm>>
    %dma_wait3A_259 = arith.constant 32 : i32
    %dma_wait3A_260 = tpu.memref_slice %arg17[%dma_wait3A_259] : memref<512xi32, #tpu.memory_space<vmem>> -> memref<480xi32, #tpu.memory_space<vmem>>
    %dma_wait3A_261 = tpu.memref_slice %arg6[%add3A_77] : memref<16384xi32, #tpu.memory_space<hbm>> -> memref<480xi32, #tpu.memory_space<hbm>>
    tpu.wait_dma2 semaphore(%arg30 : memref<!tpu.dma_semaphore, #tpu.memory_space<semaphore_mem>>) src(%dma_wait3A_261 : memref<480xi32, #tpu.memory_space<hbm>>) dst(%dma_wait3A_260 : memref<480xi32, #tpu.memory_space<vmem>>)
    %dma_wait3A_262 = arith.constant 32 : i32
    %dma_wait3A_263 = tpu.memref_slice %arg18[%dma_wait3A_262] : memref<512xi32, #tpu.memory_space<vmem>> -> memref<480xi32, #tpu.memory_space<vmem>>
    %dma_wait3A_264 = tpu.memref_slice %arg7[%add3A_85] : memref<16384xi32, #tpu.memory_space<hbm>> -> memref<480xi32, #tpu.memory_space<hbm>>
    %dma_wait3A_265 = arith.constant 32 : i32
    %dma_wait3A_266 = tpu.memref_slice %arg18[%dma_wait3A_265] : memref<512xi32, #tpu.memory_space<vmem>> -> memref<480xi32, #tpu.memory_space<vmem>>
    %dma_wait3A_267 = tpu.memref_slice %arg7[%add3A_85] : memref<16384xi32, #tpu.memory_space<hbm>> -> memref<480xi32, #tpu.memory_space<hbm>>
    tpu.wait_dma2 semaphore(%arg30 : memref<!tpu.dma_semaphore, #tpu.memory_space<semaphore_mem>>) src(%dma_wait3A_267 : memref<480xi32, #tpu.memory_space<hbm>>) dst(%dma_wait3A_266 : memref<480xi32, #tpu.memory_space<vmem>>)
    %dma_wait3A_268 = arith.constant 32 : i32
    %dma_wait3A_269 = tpu.memref_slice %arg19[%dma_wait3A_268] : memref<512xi32, #tpu.memory_space<vmem>> -> memref<480xi32, #tpu.memory_space<vmem>>
    %dma_wait3A_270 = tpu.memref_slice %arg8[%add3A_93] : memref<16384xi32, #tpu.memory_space<hbm>> -> memref<480xi32, #tpu.memory_space<hbm>>
    %dma_wait3A_271 = arith.constant 32 : i32
    %dma_wait3A_272 = tpu.memref_slice %arg19[%dma_wait3A_271] : memref<512xi32, #tpu.memory_space<vmem>> -> memref<480xi32, #tpu.memory_space<vmem>>
    %dma_wait3A_273 = tpu.memref_slice %arg8[%add3A_93] : memref<16384xi32, #tpu.memory_space<hbm>> -> memref<480xi32, #tpu.memory_space<hbm>>
    tpu.wait_dma2 semaphore(%arg30 : memref<!tpu.dma_semaphore, #tpu.memory_space<semaphore_mem>>) src(%dma_wait3A_273 : memref<480xi32, #tpu.memory_space<hbm>>) dst(%dma_wait3A_272 : memref<480xi32, #tpu.memory_space<vmem>>)
    tpu.wait_dma2 semaphore(%arg30 : memref<!tpu.dma_semaphore, #tpu.memory_space<semaphore_mem>>) src(%arg11 : memref<16000xf32, #tpu.memory_space<hbm>>) dst(%arg27 : memref<16000xf32, #tpu.memory_space<vmem>>)
    %scan3A = arith.constant 0 : i32
    %scan3A_274 = arith.constant 0 : i32
    %scan3A_275 = arith.constant 16 : i32
    %scan3A_276 = arith.addi %scan3A_274, %scan3A_275 : i32
    %scan3A_277 = arith.constant 1 : i32
    scf.for %scan3A_370 = %scan3A_274 to %scan3A_276 step %scan3A_277  : i32 {
      %rem3A = arith.constant 2 : i32
      %rem3A_371 = arith.remsi %scan3A_370, %rem3A : i32
      %add3A_372 = arith.constant 1 : i32
      %add3A_373 = arith.addi %scan3A_370, %add3A_372 : i32
      %rem3A_374 = arith.constant 16 : i32
      %rem3A_375 = arith.remsi %add3A_373, %rem3A_374 : i32
      %sub3A = arith.constant 1 : i32
      %sub3A_376 = arith.subi %sub3A, %rem3A_371 : i32
      %mul3A_377 = arith.constant 32 : i32
      %mul3A_378 = arith.muli %rem3A_375, %mul3A_377 : i32
      %dma_start3A_379 = arith.constant 0 : i32
      %dma_start3A_380 = arith.constant 0 : i32
      %dma_start3A_381 = tpu.memref_slice %arg20[%sub3A_376, %dma_start3A_379, %dma_start3A_380] : memref<2x32x768xf32, #tpu.memory_space<vmem>> -> memref<1x32x768xf32, #tpu.memory_space<vmem>>
      %dma_start3A_382 = tpu.memref_squeeze %dma_start3A_381 : memref<1x32x768xf32, #tpu.memory_space<vmem>> -> memref<32x768xf32, #tpu.memory_space<vmem>>
      %dma_start3A_383 = tpu.memref_slice %arg13[%mul3A_378] : memref<528xi32, #tpu.memory_space<vmem>> -> memref<32xi32, #tpu.memory_space<vmem>>
      %dma_start3A_384 = arith.constant 0 : i32
      %dma_start3A_385 = arith.constant 0 : i32
      %dma_start3A_386 = tpu.memref_slice %arg10[%dma_start3A_384, %dma_start3A_385] : memref<1000x768xf32, #tpu.memory_space<hbm>> -> memref<1000x768xf32, #tpu.memory_space<hbm>>
      %dma_start3A_387 = tpu.memref_slice %arg31[%sub3A_376] : memref<2x!tpu.dma_semaphore, #tpu.memory_space<semaphore_mem>> -> memref<1x!tpu.dma_semaphore, #tpu.memory_space<semaphore_mem>>
      %dma_start3A_388 = tpu.memref_squeeze %dma_start3A_387 : memref<1x!tpu.dma_semaphore, #tpu.memory_space<semaphore_mem>> -> memref<!tpu.dma_semaphore, #tpu.memory_space<semaphore_mem>>
      tpu.enqueue_indirect_dma source(%dma_start3A_386 : memref<1000x768xf32, #tpu.memory_space<hbm>>) target(%dma_start3A_382 : memref<32x768xf32, #tpu.memory_space<vmem>>) offsets(%dma_start3A_383 : memref<32xi32, #tpu.memory_space<vmem>>) semaphore(%dma_start3A_388 : memref<!tpu.dma_semaphore, #tpu.memory_space<semaphore_mem>>)
      %mul3A_389 = arith.constant 32 : i32
      %mul3A_390 = arith.muli %rem3A_375, %mul3A_389 : i32
      %dma_start3A_391 = arith.constant 0 : i32
      %dma_start3A_392 = arith.constant 0 : i32
      %dma_start3A_393 = tpu.memref_slice %arg21[%sub3A_376, %dma_start3A_391, %dma_start3A_392] : memref<2x32x128xf32, #tpu.memory_space<vmem>> -> memref<1x32x128xf32, #tpu.memory_space<vmem>>
      %dma_start3A_394 = tpu.memref_squeeze %dma_start3A_393 : memref<1x32x128xf32, #tpu.memory_space<vmem>> -> memref<32x128xf32, #tpu.memory_space<vmem>>
      %dma_start3A_395 = tpu.memref_slice %arg14[%mul3A_390] : memref<512xi32, #tpu.memory_space<vmem>> -> memref<32xi32, #tpu.memory_space<vmem>>
      %dma_start3A_396 = arith.constant 0 : i32
      %dma_start3A_397 = arith.constant 0 : i32
      %dma_start3A_398 = tpu.memref_slice %arg9[%dma_start3A_396, %dma_start3A_397] : memref<1000000x128xf32, #tpu.memory_space<hbm>> -> memref<1000000x128xf32, #tpu.memory_space<hbm>>
      %dma_start3A_399 = tpu.memref_slice %arg31[%sub3A_376] : memref<2x!tpu.dma_semaphore, #tpu.memory_space<semaphore_mem>> -> memref<1x!tpu.dma_semaphore, #tpu.memory_space<semaphore_mem>>
      %dma_start3A_400 = tpu.memref_squeeze %dma_start3A_399 : memref<1x!tpu.dma_semaphore, #tpu.memory_space<semaphore_mem>> -> memref<!tpu.dma_semaphore, #tpu.memory_space<semaphore_mem>>
      tpu.enqueue_indirect_dma source(%dma_start3A_398 : memref<1000000x128xf32, #tpu.memory_space<hbm>>) target(%dma_start3A_394 : memref<32x128xf32, #tpu.memory_space<vmem>>) offsets(%dma_start3A_395 : memref<32xi32, #tpu.memory_space<vmem>>) semaphore(%dma_start3A_400 : memref<!tpu.dma_semaphore, #tpu.memory_space<semaphore_mem>>)
      %mul3A_401 = arith.constant 32 : i32
      %mul3A_402 = arith.muli %rem3A_375, %mul3A_401 : i32
      %dma_start3A_403 = arith.constant 0 : i32
      %dma_start3A_404 = arith.constant 0 : i32
      %dma_start3A_405 = tpu.memref_slice %arg22[%sub3A_376, %dma_start3A_403, %dma_start3A_404] : memref<2x32x128xf32, #tpu.memory_space<vmem>> -> memref<1x32x128xf32, #tpu.memory_space<vmem>>
      %dma_start3A_406 = tpu.memref_squeeze %dma_start3A_405 : memref<1x32x128xf32, #tpu.memory_space<vmem>> -> memref<32x128xf32, #tpu.memory_space<vmem>>
      %dma_start3A_407 = tpu.memref_slice %arg15[%mul3A_402] : memref<512xi32, #tpu.memory_space<vmem>> -> memref<32xi32, #tpu.memory_space<vmem>>
      %dma_start3A_408 = arith.constant 0 : i32
      %dma_start3A_409 = arith.constant 0 : i32
      %dma_start3A_410 = tpu.memref_slice %arg9[%dma_start3A_408, %dma_start3A_409] : memref<1000000x128xf32, #tpu.memory_space<hbm>> -> memref<1000000x128xf32, #tpu.memory_space<hbm>>
      %dma_start3A_411 = tpu.memref_slice %arg31[%sub3A_376] : memref<2x!tpu.dma_semaphore, #tpu.memory_space<semaphore_mem>> -> memref<1x!tpu.dma_semaphore, #tpu.memory_space<semaphore_mem>>
      %dma_start3A_412 = tpu.memref_squeeze %dma_start3A_411 : memref<1x!tpu.dma_semaphore, #tpu.memory_space<semaphore_mem>> -> memref<!tpu.dma_semaphore, #tpu.memory_space<semaphore_mem>>
      tpu.enqueue_indirect_dma source(%dma_start3A_410 : memref<1000000x128xf32, #tpu.memory_space<hbm>>) target(%dma_start3A_406 : memref<32x128xf32, #tpu.memory_space<vmem>>) offsets(%dma_start3A_407 : memref<32xi32, #tpu.memory_space<vmem>>) semaphore(%dma_start3A_412 : memref<!tpu.dma_semaphore, #tpu.memory_space<semaphore_mem>>)
      %mul3A_413 = arith.constant 32 : i32
      %mul3A_414 = arith.muli %rem3A_375, %mul3A_413 : i32
      %dma_start3A_415 = arith.constant 0 : i32
      %dma_start3A_416 = arith.constant 0 : i32
      %dma_start3A_417 = tpu.memref_slice %arg23[%sub3A_376, %dma_start3A_415, %dma_start3A_416] : memref<2x32x128xf32, #tpu.memory_space<vmem>> -> memref<1x32x128xf32, #tpu.memory_space<vmem>>
      %dma_start3A_418 = tpu.memref_squeeze %dma_start3A_417 : memref<1x32x128xf32, #tpu.memory_space<vmem>> -> memref<32x128xf32, #tpu.memory_space<vmem>>
      %dma_start3A_419 = tpu.memref_slice %arg16[%mul3A_414] : memref<512xi32, #tpu.memory_space<vmem>> -> memref<32xi32, #tpu.memory_space<vmem>>
      %dma_start3A_420 = arith.constant 0 : i32
      %dma_start3A_421 = arith.constant 0 : i32
      %dma_start3A_422 = tpu.memref_slice %arg9[%dma_start3A_420, %dma_start3A_421] : memref<1000000x128xf32, #tpu.memory_space<hbm>> -> memref<1000000x128xf32, #tpu.memory_space<hbm>>
      %dma_start3A_423 = tpu.memref_slice %arg31[%sub3A_376] : memref<2x!tpu.dma_semaphore, #tpu.memory_space<semaphore_mem>> -> memref<1x!tpu.dma_semaphore, #tpu.memory_space<semaphore_mem>>
      %dma_start3A_424 = tpu.memref_squeeze %dma_start3A_423 : memref<1x!tpu.dma_semaphore, #tpu.memory_space<semaphore_mem>> -> memref<!tpu.dma_semaphore, #tpu.memory_space<semaphore_mem>>
      tpu.enqueue_indirect_dma source(%dma_start3A_422 : memref<1000000x128xf32, #tpu.memory_space<hbm>>) target(%dma_start3A_418 : memref<32x128xf32, #tpu.memory_space<vmem>>) offsets(%dma_start3A_419 : memref<32xi32, #tpu.memory_space<vmem>>) semaphore(%dma_start3A_424 : memref<!tpu.dma_semaphore, #tpu.memory_space<semaphore_mem>>)
      %mul3A_425 = arith.constant 32 : i32
      %mul3A_426 = arith.muli %rem3A_375, %mul3A_425 : i32
      %dma_start3A_427 = arith.constant 0 : i32
      %dma_start3A_428 = arith.constant 0 : i32
      %dma_start3A_429 = tpu.memref_slice %arg24[%sub3A_376, %dma_start3A_427, %dma_start3A_428] : memref<2x32x128xf32, #tpu.memory_space<vmem>> -> memref<1x32x128xf32, #tpu.memory_space<vmem>>
      %dma_start3A_430 = tpu.memref_squeeze %dma_start3A_429 : memref<1x32x128xf32, #tpu.memory_space<vmem>> -> memref<32x128xf32, #tpu.memory_space<vmem>>
      %dma_start3A_431 = tpu.memref_slice %arg17[%mul3A_426] : memref<512xi32, #tpu.memory_space<vmem>> -> memref<32xi32, #tpu.memory_space<vmem>>
      %dma_start3A_432 = arith.constant 0 : i32
      %dma_start3A_433 = arith.constant 0 : i32
      %dma_start3A_434 = tpu.memref_slice %arg9[%dma_start3A_432, %dma_start3A_433] : memref<1000000x128xf32, #tpu.memory_space<hbm>> -> memref<1000000x128xf32, #tpu.memory_space<hbm>>
      %dma_start3A_435 = tpu.memref_slice %arg31[%sub3A_376] : memref<2x!tpu.dma_semaphore, #tpu.memory_space<semaphore_mem>> -> memref<1x!tpu.dma_semaphore, #tpu.memory_space<semaphore_mem>>
      %dma_start3A_436 = tpu.memref_squeeze %dma_start3A_435 : memref<1x!tpu.dma_semaphore, #tpu.memory_space<semaphore_mem>> -> memref<!tpu.dma_semaphore, #tpu.memory_space<semaphore_mem>>
      tpu.enqueue_indirect_dma source(%dma_start3A_434 : memref<1000000x128xf32, #tpu.memory_space<hbm>>) target(%dma_start3A_430 : memref<32x128xf32, #tpu.memory_space<vmem>>) offsets(%dma_start3A_431 : memref<32xi32, #tpu.memory_space<vmem>>) semaphore(%dma_start3A_436 : memref<!tpu.dma_semaphore, #tpu.memory_space<semaphore_mem>>)
      %mul3A_437 = arith.constant 32 : i32
      %mul3A_438 = arith.muli %rem3A_375, %mul3A_437 : i32
      %dma_start3A_439 = arith.constant 0 : i32
      %dma_start3A_440 = arith.constant 0 : i32
      %dma_start3A_441 = tpu.memref_slice %arg25[%sub3A_376, %dma_start3A_439, %dma_start3A_440] : memref<2x32x128xf32, #tpu.memory_space<vmem>> -> memref<1x32x128xf32, #tpu.memory_space<vmem>>
      %dma_start3A_442 = tpu.memref_squeeze %dma_start3A_441 : memref<1x32x128xf32, #tpu.memory_space<vmem>> -> memref<32x128xf32, #tpu.memory_space<vmem>>
      %dma_start3A_443 = tpu.memref_slice %arg18[%mul3A_438] : memref<512xi32, #tpu.memory_space<vmem>> -> memref<32xi32, #tpu.memory_space<vmem>>
      %dma_start3A_444 = arith.constant 0 : i32
      %dma_start3A_445 = arith.constant 0 : i32
      %dma_start3A_446 = tpu.memref_slice %arg9[%dma_start3A_444, %dma_start3A_445] : memref<1000000x128xf32, #tpu.memory_space<hbm>> -> memref<1000000x128xf32, #tpu.memory_space<hbm>>
      %dma_start3A_447 = tpu.memref_slice %arg31[%sub3A_376] : memref<2x!tpu.dma_semaphore, #tpu.memory_space<semaphore_mem>> -> memref<1x!tpu.dma_semaphore, #tpu.memory_space<semaphore_mem>>
      %dma_start3A_448 = tpu.memref_squeeze %dma_start3A_447 : memref<1x!tpu.dma_semaphore, #tpu.memory_space<semaphore_mem>> -> memref<!tpu.dma_semaphore, #tpu.memory_space<semaphore_mem>>
      tpu.enqueue_indirect_dma source(%dma_start3A_446 : memref<1000000x128xf32, #tpu.memory_space<hbm>>) target(%dma_start3A_442 : memref<32x128xf32, #tpu.memory_space<vmem>>) offsets(%dma_start3A_443 : memref<32xi32, #tpu.memory_space<vmem>>) semaphore(%dma_start3A_448 : memref<!tpu.dma_semaphore, #tpu.memory_space<semaphore_mem>>)
      %mul3A_449 = arith.constant 32 : i32
      %mul3A_450 = arith.muli %rem3A_375, %mul3A_449 : i32
      %dma_start3A_451 = arith.constant 0 : i32
      %dma_start3A_452 = arith.constant 0 : i32
      %dma_start3A_453 = tpu.memref_slice %arg26[%sub3A_376, %dma_start3A_451, %dma_start3A_452] : memref<2x32x128xf32, #tpu.memory_space<vmem>> -> memref<1x32x128xf32, #tpu.memory_space<vmem>>
      %dma_start3A_454 = tpu.memref_squeeze %dma_start3A_453 : memref<1x32x128xf32, #tpu.memory_space<vmem>> -> memref<32x128xf32, #tpu.memory_space<vmem>>
      %dma_start3A_455 = tpu.memref_slice %arg19[%mul3A_450] : memref<512xi32, #tpu.memory_space<vmem>> -> memref<32xi32, #tpu.memory_space<vmem>>
      %dma_start3A_456 = arith.constant 0 : i32
      %dma_start3A_457 = arith.constant 0 : i32
      %dma_start3A_458 = tpu.memref_slice %arg9[%dma_start3A_456, %dma_start3A_457] : memref<1000000x128xf32, #tpu.memory_space<hbm>> -> memref<1000000x128xf32, #tpu.memory_space<hbm>>
      %dma_start3A_459 = tpu.memref_slice %arg31[%sub3A_376] : memref<2x!tpu.dma_semaphore, #tpu.memory_space<semaphore_mem>> -> memref<1x!tpu.dma_semaphore, #tpu.memory_space<semaphore_mem>>
      %dma_start3A_460 = tpu.memref_squeeze %dma_start3A_459 : memref<1x!tpu.dma_semaphore, #tpu.memory_space<semaphore_mem>> -> memref<!tpu.dma_semaphore, #tpu.memory_space<semaphore_mem>>
      tpu.enqueue_indirect_dma source(%dma_start3A_458 : memref<1000000x128xf32, #tpu.memory_space<hbm>>) target(%dma_start3A_454 : memref<32x128xf32, #tpu.memory_space<vmem>>) offsets(%dma_start3A_455 : memref<32xi32, #tpu.memory_space<vmem>>) semaphore(%dma_start3A_460 : memref<!tpu.dma_semaphore, #tpu.memory_space<semaphore_mem>>)
      %mul3A_461 = arith.constant 32 : i32
      %mul3A_462 = arith.muli %scan3A_370, %mul3A_461 : i32
      %dma_wait3A_463 = arith.constant 0 : i32
      %dma_wait3A_464 = arith.constant 0 : i32
      %dma_wait3A_465 = tpu.memref_slice %arg20[%rem3A_371, %dma_wait3A_463, %dma_wait3A_464] : memref<2x32x768xf32, #tpu.memory_space<vmem>> -> memref<1x32x768xf32, #tpu.memory_space<vmem>>
      %dma_wait3A_466 = tpu.memref_squeeze %dma_wait3A_465 : memref<1x32x768xf32, #tpu.memory_space<vmem>> -> memref<32x768xf32, #tpu.memory_space<vmem>>
      %dma_wait3A_467 = tpu.memref_slice %arg13[%mul3A_462] : memref<528xi32, #tpu.memory_space<vmem>> -> memref<32xi32, #tpu.memory_space<vmem>>
      %dma_wait3A_468 = arith.constant 0 : i32
      %dma_wait3A_469 = arith.constant 0 : i32
      %dma_wait3A_470 = tpu.memref_slice %arg10[%dma_wait3A_468, %dma_wait3A_469] : memref<1000x768xf32, #tpu.memory_space<hbm>> -> memref<1000x768xf32, #tpu.memory_space<hbm>>
      %dma_wait3A_471 = tpu.memref_slice %arg31[%rem3A_371] : memref<2x!tpu.dma_semaphore, #tpu.memory_space<semaphore_mem>> -> memref<1x!tpu.dma_semaphore, #tpu.memory_space<semaphore_mem>>
      %dma_wait3A_472 = tpu.memref_squeeze %dma_wait3A_471 : memref<1x!tpu.dma_semaphore, #tpu.memory_space<semaphore_mem>> -> memref<!tpu.dma_semaphore, #tpu.memory_space<semaphore_mem>>
      tpu.wait_indirect_dma semaphore(%dma_wait3A_472 : memref<!tpu.dma_semaphore, #tpu.memory_space<semaphore_mem>>) src(%dma_wait3A_470 : memref<1000x768xf32, #tpu.memory_space<hbm>>) dst(%dma_wait3A_466 : memref<32x768xf32, #tpu.memory_space<vmem>>)
      %mul3A_473 = arith.constant 32 : i32
      %mul3A_474 = arith.muli %scan3A_370, %mul3A_473 : i32
      %dma_wait3A_475 = arith.constant 0 : i32
      %dma_wait3A_476 = arith.constant 0 : i32
      %dma_wait3A_477 = tpu.memref_slice %arg21[%rem3A_371, %dma_wait3A_475, %dma_wait3A_476] : memref<2x32x128xf32, #tpu.memory_space<vmem>> -> memref<1x32x128xf32, #tpu.memory_space<vmem>>
      %dma_wait3A_478 = tpu.memref_squeeze %dma_wait3A_477 : memref<1x32x128xf32, #tpu.memory_space<vmem>> -> memref<32x128xf32, #tpu.memory_space<vmem>>
      %dma_wait3A_479 = tpu.memref_slice %arg14[%mul3A_474] : memref<512xi32, #tpu.memory_space<vmem>> -> memref<32xi32, #tpu.memory_space<vmem>>
      %dma_wait3A_480 = arith.constant 0 : i32
      %dma_wait3A_481 = arith.constant 0 : i32
      %dma_wait3A_482 = tpu.memref_slice %arg9[%dma_wait3A_480, %dma_wait3A_481] : memref<1000000x128xf32, #tpu.memory_space<hbm>> -> memref<1000000x128xf32, #tpu.memory_space<hbm>>
      %dma_wait3A_483 = tpu.memref_slice %arg31[%rem3A_371] : memref<2x!tpu.dma_semaphore, #tpu.memory_space<semaphore_mem>> -> memref<1x!tpu.dma_semaphore, #tpu.memory_space<semaphore_mem>>
      %dma_wait3A_484 = tpu.memref_squeeze %dma_wait3A_483 : memref<1x!tpu.dma_semaphore, #tpu.memory_space<semaphore_mem>> -> memref<!tpu.dma_semaphore, #tpu.memory_space<semaphore_mem>>
      tpu.wait_indirect_dma semaphore(%dma_wait3A_484 : memref<!tpu.dma_semaphore, #tpu.memory_space<semaphore_mem>>) src(%dma_wait3A_482 : memref<1000000x128xf32, #tpu.memory_space<hbm>>) dst(%dma_wait3A_478 : memref<32x128xf32, #tpu.memory_space<vmem>>)
      %mul3A_485 = arith.constant 32 : i32
      %mul3A_486 = arith.muli %scan3A_370, %mul3A_485 : i32
      %dma_wait3A_487 = arith.constant 0 : i32
      %dma_wait3A_488 = arith.constant 0 : i32
      %dma_wait3A_489 = tpu.memref_slice %arg22[%rem3A_371, %dma_wait3A_487, %dma_wait3A_488] : memref<2x32x128xf32, #tpu.memory_space<vmem>> -> memref<1x32x128xf32, #tpu.memory_space<vmem>>
      %dma_wait3A_490 = tpu.memref_squeeze %dma_wait3A_489 : memref<1x32x128xf32, #tpu.memory_space<vmem>> -> memref<32x128xf32, #tpu.memory_space<vmem>>
      %dma_wait3A_491 = tpu.memref_slice %arg15[%mul3A_486] : memref<512xi32, #tpu.memory_space<vmem>> -> memref<32xi32, #tpu.memory_space<vmem>>
      %dma_wait3A_492 = arith.constant 0 : i32
      %dma_wait3A_493 = arith.constant 0 : i32
      %dma_wait3A_494 = tpu.memref_slice %arg9[%dma_wait3A_492, %dma_wait3A_493] : memref<1000000x128xf32, #tpu.memory_space<hbm>> -> memref<1000000x128xf32, #tpu.memory_space<hbm>>
      %dma_wait3A_495 = tpu.memref_slice %arg31[%rem3A_371] : memref<2x!tpu.dma_semaphore, #tpu.memory_space<semaphore_mem>> -> memref<1x!tpu.dma_semaphore, #tpu.memory_space<semaphore_mem>>
      %dma_wait3A_496 = tpu.memref_squeeze %dma_wait3A_495 : memref<1x!tpu.dma_semaphore, #tpu.memory_space<semaphore_mem>> -> memref<!tpu.dma_semaphore, #tpu.memory_space<semaphore_mem>>
      tpu.wait_indirect_dma semaphore(%dma_wait3A_496 : memref<!tpu.dma_semaphore, #tpu.memory_space<semaphore_mem>>) src(%dma_wait3A_494 : memref<1000000x128xf32, #tpu.memory_space<hbm>>) dst(%dma_wait3A_490 : memref<32x128xf32, #tpu.memory_space<vmem>>)
      %mul3A_497 = arith.constant 32 : i32
      %mul3A_498 = arith.muli %scan3A_370, %mul3A_497 : i32
      %dma_wait3A_499 = arith.constant 0 : i32
      %dma_wait3A_500 = arith.constant 0 : i32
      %dma_wait3A_501 = tpu.memref_slice %arg23[%rem3A_371, %dma_wait3A_499, %dma_wait3A_500] : memref<2x32x128xf32, #tpu.memory_space<vmem>> -> memref<1x32x128xf32, #tpu.memory_space<vmem>>
      %dma_wait3A_502 = tpu.memref_squeeze %dma_wait3A_501 : memref<1x32x128xf32, #tpu.memory_space<vmem>> -> memref<32x128xf32, #tpu.memory_space<vmem>>
      %dma_wait3A_503 = tpu.memref_slice %arg16[%mul3A_498] : memref<512xi32, #tpu.memory_space<vmem>> -> memref<32xi32, #tpu.memory_space<vmem>>
      %dma_wait3A_504 = arith.constant 0 : i32
      %dma_wait3A_505 = arith.constant 0 : i32
      %dma_wait3A_506 = tpu.memref_slice %arg9[%dma_wait3A_504, %dma_wait3A_505] : memref<1000000x128xf32, #tpu.memory_space<hbm>> -> memref<1000000x128xf32, #tpu.memory_space<hbm>>
      %dma_wait3A_507 = tpu.memref_slice %arg31[%rem3A_371] : memref<2x!tpu.dma_semaphore, #tpu.memory_space<semaphore_mem>> -> memref<1x!tpu.dma_semaphore, #tpu.memory_space<semaphore_mem>>
      %dma_wait3A_508 = tpu.memref_squeeze %dma_wait3A_507 : memref<1x!tpu.dma_semaphore, #tpu.memory_space<semaphore_mem>> -> memref<!tpu.dma_semaphore, #tpu.memory_space<semaphore_mem>>
      tpu.wait_indirect_dma semaphore(%dma_wait3A_508 : memref<!tpu.dma_semaphore, #tpu.memory_space<semaphore_mem>>) src(%dma_wait3A_506 : memref<1000000x128xf32, #tpu.memory_space<hbm>>) dst(%dma_wait3A_502 : memref<32x128xf32, #tpu.memory_space<vmem>>)
      %mul3A_509 = arith.constant 32 : i32
      %mul3A_510 = arith.muli %scan3A_370, %mul3A_509 : i32
      %dma_wait3A_511 = arith.constant 0 : i32
      %dma_wait3A_512 = arith.constant 0 : i32
      %dma_wait3A_513 = tpu.memref_slice %arg24[%rem3A_371, %dma_wait3A_511, %dma_wait3A_512] : memref<2x32x128xf32, #tpu.memory_space<vmem>> -> memref<1x32x128xf32, #tpu.memory_space<vmem>>
      %dma_wait3A_514 = tpu.memref_squeeze %dma_wait3A_513 : memref<1x32x128xf32, #tpu.memory_space<vmem>> -> memref<32x128xf32, #tpu.memory_space<vmem>>
      %dma_wait3A_515 = tpu.memref_slice %arg17[%mul3A_510] : memref<512xi32, #tpu.memory_space<vmem>> -> memref<32xi32, #tpu.memory_space<vmem>>
      %dma_wait3A_516 = arith.constant 0 : i32
      %dma_wait3A_517 = arith.constant 0 : i32
      %dma_wait3A_518 = tpu.memref_slice %arg9[%dma_wait3A_516, %dma_wait3A_517] : memref<1000000x128xf32, #tpu.memory_space<hbm>> -> memref<1000000x128xf32, #tpu.memory_space<hbm>>
      %dma_wait3A_519 = tpu.memref_slice %arg31[%rem3A_371] : memref<2x!tpu.dma_semaphore, #tpu.memory_space<semaphore_mem>> -> memref<1x!tpu.dma_semaphore, #tpu.memory_space<semaphore_mem>>
      %dma_wait3A_520 = tpu.memref_squeeze %dma_wait3A_519 : memref<1x!tpu.dma_semaphore, #tpu.memory_space<semaphore_mem>> -> memref<!tpu.dma_semaphore, #tpu.memory_space<semaphore_mem>>
      tpu.wait_indirect_dma semaphore(%dma_wait3A_520 : memref<!tpu.dma_semaphore, #tpu.memory_space<semaphore_mem>>) src(%dma_wait3A_518 : memref<1000000x128xf32, #tpu.memory_space<hbm>>) dst(%dma_wait3A_514 : memref<32x128xf32, #tpu.memory_space<vmem>>)
      %mul3A_521 = arith.constant 32 : i32
      %mul3A_522 = arith.muli %scan3A_370, %mul3A_521 : i32
      %dma_wait3A_523 = arith.constant 0 : i32
      %dma_wait3A_524 = arith.constant 0 : i32
      %dma_wait3A_525 = tpu.memref_slice %arg25[%rem3A_371, %dma_wait3A_523, %dma_wait3A_524] : memref<2x32x128xf32, #tpu.memory_space<vmem>> -> memref<1x32x128xf32, #tpu.memory_space<vmem>>
      %dma_wait3A_526 = tpu.memref_squeeze %dma_wait3A_525 : memref<1x32x128xf32, #tpu.memory_space<vmem>> -> memref<32x128xf32, #tpu.memory_space<vmem>>
      %dma_wait3A_527 = tpu.memref_slice %arg18[%mul3A_522] : memref<512xi32, #tpu.memory_space<vmem>> -> memref<32xi32, #tpu.memory_space<vmem>>
      %dma_wait3A_528 = arith.constant 0 : i32
      %dma_wait3A_529 = arith.constant 0 : i32
      %dma_wait3A_530 = tpu.memref_slice %arg9[%dma_wait3A_528, %dma_wait3A_529] : memref<1000000x128xf32, #tpu.memory_space<hbm>> -> memref<1000000x128xf32, #tpu.memory_space<hbm>>
      %dma_wait3A_531 = tpu.memref_slice %arg31[%rem3A_371] : memref<2x!tpu.dma_semaphore, #tpu.memory_space<semaphore_mem>> -> memref<1x!tpu.dma_semaphore, #tpu.memory_space<semaphore_mem>>
      %dma_wait3A_532 = tpu.memref_squeeze %dma_wait3A_531 : memref<1x!tpu.dma_semaphore, #tpu.memory_space<semaphore_mem>> -> memref<!tpu.dma_semaphore, #tpu.memory_space<semaphore_mem>>
      tpu.wait_indirect_dma semaphore(%dma_wait3A_532 : memref<!tpu.dma_semaphore, #tpu.memory_space<semaphore_mem>>) src(%dma_wait3A_530 : memref<1000000x128xf32, #tpu.memory_space<hbm>>) dst(%dma_wait3A_526 : memref<32x128xf32, #tpu.memory_space<vmem>>)
      %mul3A_533 = arith.constant 32 : i32
      %mul3A_534 = arith.muli %scan3A_370, %mul3A_533 : i32
      %dma_wait3A_535 = arith.constant 0 : i32
      %dma_wait3A_536 = arith.constant 0 : i32
      %dma_wait3A_537 = tpu.memref_slice %arg26[%rem3A_371, %dma_wait3A_535, %dma_wait3A_536] : memref<2x32x128xf32, #tpu.memory_space<vmem>> -> memref<1x32x128xf32, #tpu.memory_space<vmem>>
      %dma_wait3A_538 = tpu.memref_squeeze %dma_wait3A_537 : memref<1x32x128xf32, #tpu.memory_space<vmem>> -> memref<32x128xf32, #tpu.memory_space<vmem>>
      %dma_wait3A_539 = tpu.memref_slice %arg19[%mul3A_534] : memref<512xi32, #tpu.memory_space<vmem>> -> memref<32xi32, #tpu.memory_space<vmem>>
      %dma_wait3A_540 = arith.constant 0 : i32
      %dma_wait3A_541 = arith.constant 0 : i32
      %dma_wait3A_542 = tpu.memref_slice %arg9[%dma_wait3A_540, %dma_wait3A_541] : memref<1000000x128xf32, #tpu.memory_space<hbm>> -> memref<1000000x128xf32, #tpu.memory_space<hbm>>
      %dma_wait3A_543 = tpu.memref_slice %arg31[%rem3A_371] : memref<2x!tpu.dma_semaphore, #tpu.memory_space<semaphore_mem>> -> memref<1x!tpu.dma_semaphore, #tpu.memory_space<semaphore_mem>>
      %dma_wait3A_544 = tpu.memref_squeeze %dma_wait3A_543 : memref<1x!tpu.dma_semaphore, #tpu.memory_space<semaphore_mem>> -> memref<!tpu.dma_semaphore, #tpu.memory_space<semaphore_mem>>
      tpu.wait_indirect_dma semaphore(%dma_wait3A_544 : memref<!tpu.dma_semaphore, #tpu.memory_space<semaphore_mem>>) src(%dma_wait3A_542 : memref<1000000x128xf32, #tpu.memory_space<hbm>>) dst(%dma_wait3A_538 : memref<32x128xf32, #tpu.memory_space<vmem>>)
      %scan3A_545 = arith.constant 0 : i32
      %scan3A_546 = arith.constant 0 : i32
      %scan3A_547 = arith.constant 2 : i32
      %scan3A_548 = arith.addi %scan3A_546, %scan3A_547 : i32
      %scan3A_549 = arith.constant 1 : i32
      scf.for %scan3A_551 = %scan3A_546 to %scan3A_548 step %scan3A_549  : i32 {
        %broadcast_in_dim3A = arith.constant 0.000000e+00 : f32
        %broadcast_in_dim3A_552 = vector.broadcast %broadcast_in_dim3A : f32 to vector<16xf32>
        %scan3A_553 = arith.constant 0 : i32
        %scan3A_554 = arith.constant 16 : i32
        %scan3A_555 = arith.addi %scan3A_553, %scan3A_554 : i32
        %scan3A_556 = arith.constant 1 : i32
        %scan3A_557 = scf.for %scan3A_567 = %scan3A_553 to %scan3A_555 step %scan3A_556 iter_args(%scan3A_568 = %broadcast_in_dim3A_552) -> (vector<16xf32>)  : i32 {
          %mul3A_569 = arith.constant 16 : i32
          %mul3A_570 = arith.muli %scan3A_551, %mul3A_569 : i32
          %add3A_571 = arith.addi %mul3A_570, %scan3A_567 : i32
          %mul3A_572 = arith.constant 32 : i32
          %mul3A_573 = arith.muli %scan3A_370, %mul3A_572 : i32
          %add3A_574 = arith.addi %mul3A_573, %add3A_571 : i32
          %get3A = arith.index_cast %add3A_574 : i32 to index
          %get3A_575 = tpu.vector_load %arg13[%get3A] {strides = array<i32>} : memref<528xi32, #tpu.memory_space<vmem>>, vector<16xi32>,
          %get3A_576 = vector.shape_cast %get3A_575 : vector<16xi32> to vector<16xi32>
          %slice3A = vector.extract_strided_slice %get3A_576 {offsets = [0], sizes = [1], strides = [1]} : vector<16xi32> to vector<1xi32>
          %squeeze3A = vector.extract %slice3A[0] : i32 from vector<1xi32>
          %mul3A_577 = arith.constant 16 : i32
          %mul3A_578 = arith.muli %squeeze3A, %mul3A_577 : i32
          %get3A_579 = arith.index_cast %mul3A_578 : i32 to index
          %get3A_580 = tpu.vector_load %arg27[%get3A_579] {strides = array<i32>} : memref<16000xf32, #tpu.memory_space<vmem>>, vector<16xf32>,
          %get3A_581 = vector.shape_cast %get3A_580 : vector<16xf32> to vector<16xf32>
          %broadcast_in_dim3A_582 = arith.constant 0.000000e+00 : f32
          %broadcast_in_dim3A_583 = vector.broadcast %broadcast_in_dim3A_582 : f32 to vector<16xf32>
          %get3A_584 = arith.constant 0 : i32
          %get3A_585 = arith.constant 0 : i32
          %get3A_586 = tpu.memref_slice %arg20[%rem3A_371, %get3A_584, %get3A_585] : memref<2x32x768xf32, #tpu.memory_space<vmem>> -> memref<1x32x768xf32, #tpu.memory_space<vmem>>
          %get3A_587 = tpu.memref_squeeze %get3A_586 : memref<1x32x768xf32, #tpu.memory_space<vmem>> -> memref<32x768xf32, #tpu.memory_space<vmem>>
          %get3A_588 = arith.index_cast %add3A_571 : i32 to index
          %get3A_589 = arith.constant 0 : index
          %get3A_590 = tpu.vector_load %get3A_587[%get3A_588, %get3A_589] {strides = array<i32>} : memref<32x768xf32, #tpu.memory_space<vmem>>, vector<1x16xf32>,
          %get3A_591 = vector.shape_cast %get3A_590 : vector<1x16xf32> to vector<16xf32>
          %get3A_592 = arith.constant 0 : i32
          %get3A_593 = arith.constant 0 : i32
          %get3A_594 = tpu.memref_slice %arg21[%rem3A_371, %get3A_592, %get3A_593] : memref<2x32x128xf32, #tpu.memory_space<vmem>> -> memref<1x32x128xf32, #tpu.memory_space<vmem>>
          %get3A_595 = tpu.memref_squeeze %get3A_594 : memref<1x32x128xf32, #tpu.memory_space<vmem>> -> memref<32x128xf32, #tpu.memory_space<vmem>>
          %get3A_596 = arith.index_cast %add3A_571 : i32 to index
          %get3A_597 = arith.constant 0 : index
          %get3A_598 = tpu.vector_load %get3A_595[%get3A_596, %get3A_597] {strides = array<i32>} : memref<32x128xf32, #tpu.memory_space<vmem>>, vector<1x16xf32>,
          %get3A_599 = vector.shape_cast %get3A_598 : vector<1x16xf32> to vector<16xf32>
          %mul3A_600 = arith.mulf %get3A_591, %get3A_599 : vector<16xf32>
          %add3A_601 = arith.addf %get3A_581, %mul3A_600 : vector<16xf32>
          %get3A_602 = arith.constant 0 : i32
          %get3A_603 = arith.constant 0 : i32
          %get3A_604 = tpu.memref_slice %arg20[%rem3A_371, %get3A_602, %get3A_603] : memref<2x32x768xf32, #tpu.memory_space<vmem>> -> memref<1x32x768xf32, #tpu.memory_space<vmem>>
          %get3A_605 = tpu.memref_squeeze %get3A_604 : memref<1x32x768xf32, #tpu.memory_space<vmem>> -> memref<32x768xf32, #tpu.memory_space<vmem>>
          %get3A_606 = arith.index_cast %add3A_571 : i32 to index
          %get3A_607 = arith.constant 16 : index
          %get3A_608 = tpu.vector_load %get3A_605[%get3A_606, %get3A_607] {strides = array<i32>} : memref<32x768xf32, #tpu.memory_space<vmem>>, vector<1x16xf32>,
          %get3A_609 = vector.shape_cast %get3A_608 : vector<1x16xf32> to vector<16xf32>
          %get3A_610 = arith.constant 0 : i32
          %get3A_611 = arith.constant 0 : i32
          %get3A_612 = tpu.memref_slice %arg21[%rem3A_371, %get3A_610, %get3A_611] : memref<2x32x128xf32, #tpu.memory_space<vmem>> -> memref<1x32x128xf32, #tpu.memory_space<vmem>>
          %get3A_613 = tpu.memref_squeeze %get3A_612 : memref<1x32x128xf32, #tpu.memory_space<vmem>> -> memref<32x128xf32, #tpu.memory_space<vmem>>
          %get3A_614 = arith.index_cast %add3A_571 : i32 to index
          %get3A_615 = arith.constant 16 : index
          %get3A_616 = tpu.vector_load %get3A_613[%get3A_614, %get3A_615] {strides = array<i32>} : memref<32x128xf32, #tpu.memory_space<vmem>>, vector<1x16xf32>,
          %get3A_617 = vector.shape_cast %get3A_616 : vector<1x16xf32> to vector<16xf32>
          %mul3A_618 = arith.mulf %get3A_609, %get3A_617 : vector<16xf32>
          %add3A_619 = arith.addf %broadcast_in_dim3A_583, %mul3A_618 : vector<16xf32>
          %get3A_620 = arith.constant 0 : i32
          %get3A_621 = arith.constant 0 : i32
          %get3A_622 = tpu.memref_slice %arg20[%rem3A_371, %get3A_620, %get3A_621] : memref<2x32x768xf32, #tpu.memory_space<vmem>> -> memref<1x32x768xf32, #tpu.memory_space<vmem>>
          %get3A_623 = tpu.memref_squeeze %get3A_622 : memref<1x32x768xf32, #tpu.memory_space<vmem>> -> memref<32x768xf32, #tpu.memory_space<vmem>>
          %get3A_624 = arith.index_cast %add3A_571 : i32 to index
          %get3A_625 = arith.constant 32 : index
          %get3A_626 = tpu.vector_load %get3A_623[%get3A_624, %get3A_625] {strides = array<i32>} : memref<32x768xf32, #tpu.memory_space<vmem>>, vector<1x16xf32>,
          %get3A_627 = vector.shape_cast %get3A_626 : vector<1x16xf32> to vector<16xf32>
          %get3A_628 = arith.constant 0 : i32
          %get3A_629 = arith.constant 0 : i32
          %get3A_630 = tpu.memref_slice %arg21[%rem3A_371, %get3A_628, %get3A_629] : memref<2x32x128xf32, #tpu.memory_space<vmem>> -> memref<1x32x128xf32, #tpu.memory_space<vmem>>
          %get3A_631 = tpu.memref_squeeze %get3A_630 : memref<1x32x128xf32, #tpu.memory_space<vmem>> -> memref<32x128xf32, #tpu.memory_space<vmem>>
          %get3A_632 = arith.index_cast %add3A_571 : i32 to index
          %get3A_633 = arith.constant 32 : index
          %get3A_634 = tpu.vector_load %get3A_631[%get3A_632, %get3A_633] {strides = array<i32>} : memref<32x128xf32, #tpu.memory_space<vmem>>, vector<1x16xf32>,
          %get3A_635 = vector.shape_cast %get3A_634 : vector<1x16xf32> to vector<16xf32>
          %mul3A_636 = arith.mulf %get3A_627, %get3A_635 : vector<16xf32>
          %add3A_637 = arith.addf %add3A_601, %mul3A_636 : vector<16xf32>
          %get3A_638 = arith.constant 0 : i32
          %get3A_639 = arith.constant 0 : i32
          %get3A_640 = tpu.memref_slice %arg20[%rem3A_371, %get3A_638, %get3A_639] : memref<2x32x768xf32, #tpu.memory_space<vmem>> -> memref<1x32x768xf32, #tpu.memory_space<vmem>>
          %get3A_641 = tpu.memref_squeeze %get3A_640 : memref<1x32x768xf32, #tpu.memory_space<vmem>> -> memref<32x768xf32, #tpu.memory_space<vmem>>
          %get3A_642 = arith.index_cast %add3A_571 : i32 to index
          %get3A_643 = arith.constant 48 : index
          %get3A_644 = tpu.vector_load %get3A_641[%get3A_642, %get3A_643] {strides = array<i32>} : memref<32x768xf32, #tpu.memory_space<vmem>>, vector<1x16xf32>,
          %get3A_645 = vector.shape_cast %get3A_644 : vector<1x16xf32> to vector<16xf32>
          %get3A_646 = arith.constant 0 : i32
          %get3A_647 = arith.constant 0 : i32
          %get3A_648 = tpu.memref_slice %arg21[%rem3A_371, %get3A_646, %get3A_647] : memref<2x32x128xf32, #tpu.memory_space<vmem>> -> memref<1x32x128xf32, #tpu.memory_space<vmem>>
          %get3A_649 = tpu.memref_squeeze %get3A_648 : memref<1x32x128xf32, #tpu.memory_space<vmem>> -> memref<32x128xf32, #tpu.memory_space<vmem>>
          %get3A_650 = arith.index_cast %add3A_571 : i32 to index
          %get3A_651 = arith.constant 48 : index
          %get3A_652 = tpu.vector_load %get3A_649[%get3A_650, %get3A_651] {strides = array<i32>} : memref<32x128xf32, #tpu.memory_space<vmem>>, vector<1x16xf32>,
          %get3A_653 = vector.shape_cast %get3A_652 : vector<1x16xf32> to vector<16xf32>
          %mul3A_654 = arith.mulf %get3A_645, %get3A_653 : vector<16xf32>
          %add3A_655 = arith.addf %add3A_619, %mul3A_654 : vector<16xf32>
          %get3A_656 = arith.constant 0 : i32
          %get3A_657 = arith.constant 0 : i32
          %get3A_658 = tpu.memref_slice %arg20[%rem3A_371, %get3A_656, %get3A_657] : memref<2x32x768xf32, #tpu.memory_space<vmem>> -> memref<1x32x768xf32, #tpu.memory_space<vmem>>
          %get3A_659 = tpu.memref_squeeze %get3A_658 : memref<1x32x768xf32, #tpu.memory_space<vmem>> -> memref<32x768xf32, #tpu.memory_space<vmem>>
          %get3A_660 = arith.index_cast %add3A_571 : i32 to index
          %get3A_661 = arith.constant 64 : index
          %get3A_662 = tpu.vector_load %get3A_659[%get3A_660, %get3A_661] {strides = array<i32>} : memref<32x768xf32, #tpu.memory_space<vmem>>, vector<1x16xf32>,
          %get3A_663 = vector.shape_cast %get3A_662 : vector<1x16xf32> to vector<16xf32>
          %get3A_664 = arith.constant 0 : i32
          %get3A_665 = arith.constant 0 : i32
          %get3A_666 = tpu.memref_slice %arg21[%rem3A_371, %get3A_664, %get3A_665] : memref<2x32x128xf32, #tpu.memory_space<vmem>> -> memref<1x32x128xf32, #tpu.memory_space<vmem>>
          %get3A_667 = tpu.memref_squeeze %get3A_666 : memref<1x32x128xf32, #tpu.memory_space<vmem>> -> memref<32x128xf32, #tpu.memory_space<vmem>>
          %get3A_668 = arith.index_cast %add3A_571 : i32 to index
          %get3A_669 = arith.constant 64 : index
          %get3A_670 = tpu.vector_load %get3A_667[%get3A_668, %get3A_669] {strides = array<i32>} : memref<32x128xf32, #tpu.memory_space<vmem>>, vector<1x16xf32>,
          %get3A_671 = vector.shape_cast %get3A_670 : vector<1x16xf32> to vector<16xf32>
          %mul3A_672 = arith.mulf %get3A_663, %get3A_671 : vector<16xf32>
          %add3A_673 = arith.addf %add3A_637, %mul3A_672 : vector<16xf32>
          %get3A_674 = arith.constant 0 : i32
          %get3A_675 = arith.constant 0 : i32
          %get3A_676 = tpu.memref_slice %arg20[%rem3A_371, %get3A_674, %get3A_675] : memref<2x32x768xf32, #tpu.memory_space<vmem>> -> memref<1x32x768xf32, #tpu.memory_space<vmem>>
          %get3A_677 = tpu.memref_squeeze %get3A_676 : memref<1x32x768xf32, #tpu.memory_space<vmem>> -> memref<32x768xf32, #tpu.memory_space<vmem>>
          %get3A_678 = arith.index_cast %add3A_571 : i32 to index
          %get3A_679 = arith.constant 80 : index
          %get3A_680 = tpu.vector_load %get3A_677[%get3A_678, %get3A_679] {strides = array<i32>} : memref<32x768xf32, #tpu.memory_space<vmem>>, vector<1x16xf32>,
          %get3A_681 = vector.shape_cast %get3A_680 : vector<1x16xf32> to vector<16xf32>
          %get3A_682 = arith.constant 0 : i32
          %get3A_683 = arith.constant 0 : i32
          %get3A_684 = tpu.memref_slice %arg21[%rem3A_371, %get3A_682, %get3A_683] : memref<2x32x128xf32, #tpu.memory_space<vmem>> -> memref<1x32x128xf32, #tpu.memory_space<vmem>>
          %get3A_685 = tpu.memref_squeeze %get3A_684 : memref<1x32x128xf32, #tpu.memory_space<vmem>> -> memref<32x128xf32, #tpu.memory_space<vmem>>
          %get3A_686 = arith.index_cast %add3A_571 : i32 to index
          %get3A_687 = arith.constant 80 : index
          %get3A_688 = tpu.vector_load %get3A_685[%get3A_686, %get3A_687] {strides = array<i32>} : memref<32x128xf32, #tpu.memory_space<vmem>>, vector<1x16xf32>,
          %get3A_689 = vector.shape_cast %get3A_688 : vector<1x16xf32> to vector<16xf32>
          %mul3A_690 = arith.mulf %get3A_681, %get3A_689 : vector<16xf32>
          %add3A_691 = arith.addf %add3A_655, %mul3A_690 : vector<16xf32>
          %get3A_692 = arith.constant 0 : i32
          %get3A_693 = arith.constant 0 : i32
          %get3A_694 = tpu.memref_slice %arg20[%rem3A_371, %get3A_692, %get3A_693] : memref<2x32x768xf32, #tpu.memory_space<vmem>> -> memref<1x32x768xf32, #tpu.memory_space<vmem>>
          %get3A_695 = tpu.memref_squeeze %get3A_694 : memref<1x32x768xf32, #tpu.memory_space<vmem>> -> memref<32x768xf32, #tpu.memory_space<vmem>>
          %get3A_696 = arith.index_cast %add3A_571 : i32 to index
          %get3A_697 = arith.constant 96 : index
          %get3A_698 = tpu.vector_load %get3A_695[%get3A_696, %get3A_697] {strides = array<i32>} : memref<32x768xf32, #tpu.memory_space<vmem>>, vector<1x16xf32>,
          %get3A_699 = vector.shape_cast %get3A_698 : vector<1x16xf32> to vector<16xf32>
          %get3A_700 = arith.constant 0 : i32
          %get3A_701 = arith.constant 0 : i32
          %get3A_702 = tpu.memref_slice %arg21[%rem3A_371, %get3A_700, %get3A_701] : memref<2x32x128xf32, #tpu.memory_space<vmem>> -> memref<1x32x128xf32, #tpu.memory_space<vmem>>
          %get3A_703 = tpu.memref_squeeze %get3A_702 : memref<1x32x128xf32, #tpu.memory_space<vmem>> -> memref<32x128xf32, #tpu.memory_space<vmem>>
          %get3A_704 = arith.index_cast %add3A_571 : i32 to index
          %get3A_705 = arith.constant 96 : index
          %get3A_706 = tpu.vector_load %get3A_703[%get3A_704, %get3A_705] {strides = array<i32>} : memref<32x128xf32, #tpu.memory_space<vmem>>, vector<1x16xf32>,
          %get3A_707 = vector.shape_cast %get3A_706 : vector<1x16xf32> to vector<16xf32>
          %mul3A_708 = arith.mulf %get3A_699, %get3A_707 : vector<16xf32>
          %add3A_709 = arith.addf %add3A_673, %mul3A_708 : vector<16xf32>
          %get3A_710 = arith.constant 0 : i32
          %get3A_711 = arith.constant 0 : i32
          %get3A_712 = tpu.memref_slice %arg20[%rem3A_371, %get3A_710, %get3A_711] : memref<2x32x768xf32, #tpu.memory_space<vmem>> -> memref<1x32x768xf32, #tpu.memory_space<vmem>>
          %get3A_713 = tpu.memref_squeeze %get3A_712 : memref<1x32x768xf32, #tpu.memory_space<vmem>> -> memref<32x768xf32, #tpu.memory_space<vmem>>
          %get3A_714 = arith.index_cast %add3A_571 : i32 to index
          %get3A_715 = arith.constant 112 : index
          %get3A_716 = tpu.vector_load %get3A_713[%get3A_714, %get3A_715] {strides = array<i32>} : memref<32x768xf32, #tpu.memory_space<vmem>>, vector<1x16xf32>,
          %get3A_717 = vector.shape_cast %get3A_716 : vector<1x16xf32> to vector<16xf32>
          %get3A_718 = arith.constant 0 : i32
          %get3A_719 = arith.constant 0 : i32
          %get3A_720 = tpu.memref_slice %arg21[%rem3A_371, %get3A_718, %get3A_719] : memref<2x32x128xf32, #tpu.memory_space<vmem>> -> memref<1x32x128xf32, #tpu.memory_space<vmem>>
          %get3A_721 = tpu.memref_squeeze %get3A_720 : memref<1x32x128xf32, #tpu.memory_space<vmem>> -> memref<32x128xf32, #tpu.memory_space<vmem>>
          %get3A_722 = arith.index_cast %add3A_571 : i32 to index
          %get3A_723 = arith.constant 112 : index
          %get3A_724 = tpu.vector_load %get3A_721[%get3A_722, %get3A_723] {strides = array<i32>} : memref<32x128xf32, #tpu.memory_space<vmem>>, vector<1x16xf32>,
          %get3A_725 = vector.shape_cast %get3A_724 : vector<1x16xf32> to vector<16xf32>
          %mul3A_726 = arith.mulf %get3A_717, %get3A_725 : vector<16xf32>
          %add3A_727 = arith.addf %add3A_691, %mul3A_726 : vector<16xf32>
          %get3A_728 = arith.constant 0 : i32
          %get3A_729 = arith.constant 0 : i32
          %get3A_730 = tpu.memref_slice %arg20[%rem3A_371, %get3A_728, %get3A_729] : memref<2x32x768xf32, #tpu.memory_space<vmem>> -> memref<1x32x768xf32, #tpu.memory_space<vmem>>
          %get3A_731 = tpu.memref_squeeze %get3A_730 : memref<1x32x768xf32, #tpu.memory_space<vmem>> -> memref<32x768xf32, #tpu.memory_space<vmem>>
          %get3A_732 = arith.index_cast %add3A_571 : i32 to index
          %get3A_733 = arith.constant 128 : index
          %get3A_734 = tpu.vector_load %get3A_731[%get3A_732, %get3A_733] {strides = array<i32>} : memref<32x768xf32, #tpu.memory_space<vmem>>, vector<1x16xf32>,
          %get3A_735 = vector.shape_cast %get3A_734 : vector<1x16xf32> to vector<16xf32>
          %get3A_736 = arith.constant 0 : i32
          %get3A_737 = arith.constant 0 : i32
          %get3A_738 = tpu.memref_slice %arg22[%rem3A_371, %get3A_736, %get3A_737] : memref<2x32x128xf32, #tpu.memory_space<vmem>> -> memref<1x32x128xf32, #tpu.memory_space<vmem>>
          %get3A_739 = tpu.memref_squeeze %get3A_738 : memref<1x32x128xf32, #tpu.memory_space<vmem>> -> memref<32x128xf32, #tpu.memory_space<vmem>>
          %get3A_740 = arith.index_cast %add3A_571 : i32 to index
          %get3A_741 = arith.constant 0 : index
          %get3A_742 = tpu.vector_load %get3A_739[%get3A_740, %get3A_741] {strides = array<i32>} : memref<32x128xf32, #tpu.memory_space<vmem>>, vector<1x16xf32>,
          %get3A_743 = vector.shape_cast %get3A_742 : vector<1x16xf32> to vector<16xf32>
          %mul3A_744 = arith.mulf %get3A_735, %get3A_743 : vector<16xf32>
          %add3A_745 = arith.addf %add3A_709, %mul3A_744 : vector<16xf32>
          %get3A_746 = arith.constant 0 : i32
          %get3A_747 = arith.constant 0 : i32
          %get3A_748 = tpu.memref_slice %arg20[%rem3A_371, %get3A_746, %get3A_747] : memref<2x32x768xf32, #tpu.memory_space<vmem>> -> memref<1x32x768xf32, #tpu.memory_space<vmem>>
          %get3A_749 = tpu.memref_squeeze %get3A_748 : memref<1x32x768xf32, #tpu.memory_space<vmem>> -> memref<32x768xf32, #tpu.memory_space<vmem>>
          %get3A_750 = arith.index_cast %add3A_571 : i32 to index
          %get3A_751 = arith.constant 144 : index
          %get3A_752 = tpu.vector_load %get3A_749[%get3A_750, %get3A_751] {strides = array<i32>} : memref<32x768xf32, #tpu.memory_space<vmem>>, vector<1x16xf32>,
          %get3A_753 = vector.shape_cast %get3A_752 : vector<1x16xf32> to vector<16xf32>
          %get3A_754 = arith.constant 0 : i32
          %get3A_755 = arith.constant 0 : i32
          %get3A_756 = tpu.memref_slice %arg22[%rem3A_371, %get3A_754, %get3A_755] : memref<2x32x128xf32, #tpu.memory_space<vmem>> -> memref<1x32x128xf32, #tpu.memory_space<vmem>>
          %get3A_757 = tpu.memref_squeeze %get3A_756 : memref<1x32x128xf32, #tpu.memory_space<vmem>> -> memref<32x128xf32, #tpu.memory_space<vmem>>
          %get3A_758 = arith.index_cast %add3A_571 : i32 to index
          %get3A_759 = arith.constant 16 : index
          %get3A_760 = tpu.vector_load %get3A_757[%get3A_758, %get3A_759] {strides = array<i32>} : memref<32x128xf32, #tpu.memory_space<vmem>>, vector<1x16xf32>,
          %get3A_761 = vector.shape_cast %get3A_760 : vector<1x16xf32> to vector<16xf32>
          %mul3A_762 = arith.mulf %get3A_753, %get3A_761 : vector<16xf32>
          %add3A_763 = arith.addf %add3A_727, %mul3A_762 : vector<16xf32>
          %get3A_764 = arith.constant 0 : i32
          %get3A_765 = arith.constant 0 : i32
          %get3A_766 = tpu.memref_slice %arg20[%rem3A_371, %get3A_764, %get3A_765] : memref<2x32x768xf32, #tpu.memory_space<vmem>> -> memref<1x32x768xf32, #tpu.memory_space<vmem>>
          %get3A_767 = tpu.memref_squeeze %get3A_766 : memref<1x32x768xf32, #tpu.memory_space<vmem>> -> memref<32x768xf32, #tpu.memory_space<vmem>>
          %get3A_768 = arith.index_cast %add3A_571 : i32 to index
          %get3A_769 = arith.constant 160 : index
          %get3A_770 = tpu.vector_load %get3A_767[%get3A_768, %get3A_769] {strides = array<i32>} : memref<32x768xf32, #tpu.memory_space<vmem>>, vector<1x16xf32>,
          %get3A_771 = vector.shape_cast %get3A_770 : vector<1x16xf32> to vector<16xf32>
          %get3A_772 = arith.constant 0 : i32
          %get3A_773 = arith.constant 0 : i32
          %get3A_774 = tpu.memref_slice %arg22[%rem3A_371, %get3A_772, %get3A_773] : memref<2x32x128xf32, #tpu.memory_space<vmem>> -> memref<1x32x128xf32, #tpu.memory_space<vmem>>
          %get3A_775 = tpu.memref_squeeze %get3A_774 : memref<1x32x128xf32, #tpu.memory_space<vmem>> -> memref<32x128xf32, #tpu.memory_space<vmem>>
          %get3A_776 = arith.index_cast %add3A_571 : i32 to index
          %get3A_777 = arith.constant 32 : index
          %get3A_778 = tpu.vector_load %get3A_775[%get3A_776, %get3A_777] {strides = array<i32>} : memref<32x128xf32, #tpu.memory_space<vmem>>, vector<1x16xf32>,
          %get3A_779 = vector.shape_cast %get3A_778 : vector<1x16xf32> to vector<16xf32>
          %mul3A_780 = arith.mulf %get3A_771, %get3A_779 : vector<16xf32>
          %add3A_781 = arith.addf %add3A_745, %mul3A_780 : vector<16xf32>
          %get3A_782 = arith.constant 0 : i32
          %get3A_783 = arith.constant 0 : i32
          %get3A_784 = tpu.memref_slice %arg20[%rem3A_371, %get3A_782, %get3A_783] : memref<2x32x768xf32, #tpu.memory_space<vmem>> -> memref<1x32x768xf32, #tpu.memory_space<vmem>>
          %get3A_785 = tpu.memref_squeeze %get3A_784 : memref<1x32x768xf32, #tpu.memory_space<vmem>> -> memref<32x768xf32, #tpu.memory_space<vmem>>
          %get3A_786 = arith.index_cast %add3A_571 : i32 to index
          %get3A_787 = arith.constant 176 : index
          %get3A_788 = tpu.vector_load %get3A_785[%get3A_786, %get3A_787] {strides = array<i32>} : memref<32x768xf32, #tpu.memory_space<vmem>>, vector<1x16xf32>,
          %get3A_789 = vector.shape_cast %get3A_788 : vector<1x16xf32> to vector<16xf32>
          %get3A_790 = arith.constant 0 : i32
          %get3A_791 = arith.constant 0 : i32
          %get3A_792 = tpu.memref_slice %arg22[%rem3A_371, %get3A_790, %get3A_791] : memref<2x32x128xf32, #tpu.memory_space<vmem>> -> memref<1x32x128xf32, #tpu.memory_space<vmem>>
          %get3A_793 = tpu.memref_squeeze %get3A_792 : memref<1x32x128xf32, #tpu.memory_space<vmem>> -> memref<32x128xf32, #tpu.memory_space<vmem>>
          %get3A_794 = arith.index_cast %add3A_571 : i32 to index
          %get3A_795 = arith.constant 48 : index
          %get3A_796 = tpu.vector_load %get3A_793[%get3A_794, %get3A_795] {strides = array<i32>} : memref<32x128xf32, #tpu.memory_space<vmem>>, vector<1x16xf32>,
          %get3A_797 = vector.shape_cast %get3A_796 : vector<1x16xf32> to vector<16xf32>
          %mul3A_798 = arith.mulf %get3A_789, %get3A_797 : vector<16xf32>
          %add3A_799 = arith.addf %add3A_763, %mul3A_798 : vector<16xf32>
          %get3A_800 = arith.constant 0 : i32
          %get3A_801 = arith.constant 0 : i32
          %get3A_802 = tpu.memref_slice %arg20[%rem3A_371, %get3A_800, %get3A_801] : memref<2x32x768xf32, #tpu.memory_space<vmem>> -> memref<1x32x768xf32, #tpu.memory_space<vmem>>
          %get3A_803 = tpu.memref_squeeze %get3A_802 : memref<1x32x768xf32, #tpu.memory_space<vmem>> -> memref<32x768xf32, #tpu.memory_space<vmem>>
          %get3A_804 = arith.index_cast %add3A_571 : i32 to index
          %get3A_805 = arith.constant 192 : index
          %get3A_806 = tpu.vector_load %get3A_803[%get3A_804, %get3A_805] {strides = array<i32>} : memref<32x768xf32, #tpu.memory_space<vmem>>, vector<1x16xf32>,
          %get3A_807 = vector.shape_cast %get3A_806 : vector<1x16xf32> to vector<16xf32>
          %get3A_808 = arith.constant 0 : i32
          %get3A_809 = arith.constant 0 : i32
          %get3A_810 = tpu.memref_slice %arg22[%rem3A_371, %get3A_808, %get3A_809] : memref<2x32x128xf32, #tpu.memory_space<vmem>> -> memref<1x32x128xf32, #tpu.memory_space<vmem>>
          %get3A_811 = tpu.memref_squeeze %get3A_810 : memref<1x32x128xf32, #tpu.memory_space<vmem>> -> memref<32x128xf32, #tpu.memory_space<vmem>>
          %get3A_812 = arith.index_cast %add3A_571 : i32 to index
          %get3A_813 = arith.constant 64 : index
          %get3A_814 = tpu.vector_load %get3A_811[%get3A_812, %get3A_813] {strides = array<i32>} : memref<32x128xf32, #tpu.memory_space<vmem>>, vector<1x16xf32>,
          %get3A_815 = vector.shape_cast %get3A_814 : vector<1x16xf32> to vector<16xf32>
          %mul3A_816 = arith.mulf %get3A_807, %get3A_815 : vector<16xf32>
          %add3A_817 = arith.addf %add3A_781, %mul3A_816 : vector<16xf32>
          %get3A_818 = arith.constant 0 : i32
          %get3A_819 = arith.constant 0 : i32
          %get3A_820 = tpu.memref_slice %arg20[%rem3A_371, %get3A_818, %get3A_819] : memref<2x32x768xf32, #tpu.memory_space<vmem>> -> memref<1x32x768xf32, #tpu.memory_space<vmem>>
          %get3A_821 = tpu.memref_squeeze %get3A_820 : memref<1x32x768xf32, #tpu.memory_space<vmem>> -> memref<32x768xf32, #tpu.memory_space<vmem>>
          %get3A_822 = arith.index_cast %add3A_571 : i32 to index
          %get3A_823 = arith.constant 208 : index
          %get3A_824 = tpu.vector_load %get3A_821[%get3A_822, %get3A_823] {strides = array<i32>} : memref<32x768xf32, #tpu.memory_space<vmem>>, vector<1x16xf32>,
          %get3A_825 = vector.shape_cast %get3A_824 : vector<1x16xf32> to vector<16xf32>
          %get3A_826 = arith.constant 0 : i32
          %get3A_827 = arith.constant 0 : i32
          %get3A_828 = tpu.memref_slice %arg22[%rem3A_371, %get3A_826, %get3A_827] : memref<2x32x128xf32, #tpu.memory_space<vmem>> -> memref<1x32x128xf32, #tpu.memory_space<vmem>>
          %get3A_829 = tpu.memref_squeeze %get3A_828 : memref<1x32x128xf32, #tpu.memory_space<vmem>> -> memref<32x128xf32, #tpu.memory_space<vmem>>
          %get3A_830 = arith.index_cast %add3A_571 : i32 to index
          %get3A_831 = arith.constant 80 : index
          %get3A_832 = tpu.vector_load %get3A_829[%get3A_830, %get3A_831] {strides = array<i32>} : memref<32x128xf32, #tpu.memory_space<vmem>>, vector<1x16xf32>,
          %get3A_833 = vector.shape_cast %get3A_832 : vector<1x16xf32> to vector<16xf32>
          %mul3A_834 = arith.mulf %get3A_825, %get3A_833 : vector<16xf32>
          %add3A_835 = arith.addf %add3A_799, %mul3A_834 : vector<16xf32>
          %get3A_836 = arith.constant 0 : i32
          %get3A_837 = arith.constant 0 : i32
          %get3A_838 = tpu.memref_slice %arg20[%rem3A_371, %get3A_836, %get3A_837] : memref<2x32x768xf32, #tpu.memory_space<vmem>> -> memref<1x32x768xf32, #tpu.memory_space<vmem>>
          %get3A_839 = tpu.memref_squeeze %get3A_838 : memref<1x32x768xf32, #tpu.memory_space<vmem>> -> memref<32x768xf32, #tpu.memory_space<vmem>>
          %get3A_840 = arith.index_cast %add3A_571 : i32 to index
          %get3A_841 = arith.constant 224 : index
          %get3A_842 = tpu.vector_load %get3A_839[%get3A_840, %get3A_841] {strides = array<i32>} : memref<32x768xf32, #tpu.memory_space<vmem>>, vector<1x16xf32>,
          %get3A_843 = vector.shape_cast %get3A_842 : vector<1x16xf32> to vector<16xf32>
          %get3A_844 = arith.constant 0 : i32
          %get3A_845 = arith.constant 0 : i32
          %get3A_846 = tpu.memref_slice %arg22[%rem3A_371, %get3A_844, %get3A_845] : memref<2x32x128xf32, #tpu.memory_space<vmem>> -> memref<1x32x128xf32, #tpu.memory_space<vmem>>
          %get3A_847 = tpu.memref_squeeze %get3A_846 : memref<1x32x128xf32, #tpu.memory_space<vmem>> -> memref<32x128xf32, #tpu.memory_space<vmem>>
          %get3A_848 = arith.index_cast %add3A_571 : i32 to index
          %get3A_849 = arith.constant 96 : index
          %get3A_850 = tpu.vector_load %get3A_847[%get3A_848, %get3A_849] {strides = array<i32>} : memref<32x128xf32, #tpu.memory_space<vmem>>, vector<1x16xf32>,
          %get3A_851 = vector.shape_cast %get3A_850 : vector<1x16xf32> to vector<16xf32>
          %mul3A_852 = arith.mulf %get3A_843, %get3A_851 : vector<16xf32>
          %add3A_853 = arith.addf %add3A_817, %mul3A_852 : vector<16xf32>
          %get3A_854 = arith.constant 0 : i32
          %get3A_855 = arith.constant 0 : i32
          %get3A_856 = tpu.memref_slice %arg20[%rem3A_371, %get3A_854, %get3A_855] : memref<2x32x768xf32, #tpu.memory_space<vmem>> -> memref<1x32x768xf32, #tpu.memory_space<vmem>>
          %get3A_857 = tpu.memref_squeeze %get3A_856 : memref<1x32x768xf32, #tpu.memory_space<vmem>> -> memref<32x768xf32, #tpu.memory_space<vmem>>
          %get3A_858 = arith.index_cast %add3A_571 : i32 to index
          %get3A_859 = arith.constant 240 : index
          %get3A_860 = tpu.vector_load %get3A_857[%get3A_858, %get3A_859] {strides = array<i32>} : memref<32x768xf32, #tpu.memory_space<vmem>>, vector<1x16xf32>,
          %get3A_861 = vector.shape_cast %get3A_860 : vector<1x16xf32> to vector<16xf32>
          %get3A_862 = arith.constant 0 : i32
          %get3A_863 = arith.constant 0 : i32
          %get3A_864 = tpu.memref_slice %arg22[%rem3A_371, %get3A_862, %get3A_863] : memref<2x32x128xf32, #tpu.memory_space<vmem>> -> memref<1x32x128xf32, #tpu.memory_space<vmem>>
          %get3A_865 = tpu.memref_squeeze %get3A_864 : memref<1x32x128xf32, #tpu.memory_space<vmem>> -> memref<32x128xf32, #tpu.memory_space<vmem>>
          %get3A_866 = arith.index_cast %add3A_571 : i32 to index
          %get3A_867 = arith.constant 112 : index
          %get3A_868 = tpu.vector_load %get3A_865[%get3A_866, %get3A_867] {strides = array<i32>} : memref<32x128xf32, #tpu.memory_space<vmem>>, vector<1x16xf32>,
          %get3A_869 = vector.shape_cast %get3A_868 : vector<1x16xf32> to vector<16xf32>
          %mul3A_870 = arith.mulf %get3A_861, %get3A_869 : vector<16xf32>
          %add3A_871 = arith.addf %add3A_835, %mul3A_870 : vector<16xf32>
          %get3A_872 = arith.constant 0 : i32
          %get3A_873 = arith.constant 0 : i32
          %get3A_874 = tpu.memref_slice %arg20[%rem3A_371, %get3A_872, %get3A_873] : memref<2x32x768xf32, #tpu.memory_space<vmem>> -> memref<1x32x768xf32, #tpu.memory_space<vmem>>
          %get3A_875 = tpu.memref_squeeze %get3A_874 : memref<1x32x768xf32, #tpu.memory_space<vmem>> -> memref<32x768xf32, #tpu.memory_space<vmem>>
          %get3A_876 = arith.index_cast %add3A_571 : i32 to index
          %get3A_877 = arith.constant 256 : index
          %get3A_878 = tpu.vector_load %get3A_875[%get3A_876, %get3A_877] {strides = array<i32>} : memref<32x768xf32, #tpu.memory_space<vmem>>, vector<1x16xf32>,
          %get3A_879 = vector.shape_cast %get3A_878 : vector<1x16xf32> to vector<16xf32>
          %get3A_880 = arith.constant 0 : i32
          %get3A_881 = arith.constant 0 : i32
          %get3A_882 = tpu.memref_slice %arg23[%rem3A_371, %get3A_880, %get3A_881] : memref<2x32x128xf32, #tpu.memory_space<vmem>> -> memref<1x32x128xf32, #tpu.memory_space<vmem>>
          %get3A_883 = tpu.memref_squeeze %get3A_882 : memref<1x32x128xf32, #tpu.memory_space<vmem>> -> memref<32x128xf32, #tpu.memory_space<vmem>>
          %get3A_884 = arith.index_cast %add3A_571 : i32 to index
          %get3A_885 = arith.constant 0 : index
          %get3A_886 = tpu.vector_load %get3A_883[%get3A_884, %get3A_885] {strides = array<i32>} : memref<32x128xf32, #tpu.memory_space<vmem>>, vector<1x16xf32>,
          %get3A_887 = vector.shape_cast %get3A_886 : vector<1x16xf32> to vector<16xf32>
          %mul3A_888 = arith.mulf %get3A_879, %get3A_887 : vector<16xf32>
          %add3A_889 = arith.addf %add3A_853, %mul3A_888 : vector<16xf32>
          %get3A_890 = arith.constant 0 : i32
          %get3A_891 = arith.constant 0 : i32
          %get3A_892 = tpu.memref_slice %arg20[%rem3A_371, %get3A_890, %get3A_891] : memref<2x32x768xf32, #tpu.memory_space<vmem>> -> memref<1x32x768xf32, #tpu.memory_space<vmem>>
          %get3A_893 = tpu.memref_squeeze %get3A_892 : memref<1x32x768xf32, #tpu.memory_space<vmem>> -> memref<32x768xf32, #tpu.memory_space<vmem>>
          %get3A_894 = arith.index_cast %add3A_571 : i32 to index
          %get3A_895 = arith.constant 272 : index
          %get3A_896 = tpu.vector_load %get3A_893[%get3A_894, %get3A_895] {strides = array<i32>} : memref<32x768xf32, #tpu.memory_space<vmem>>, vector<1x16xf32>,
          %get3A_897 = vector.shape_cast %get3A_896 : vector<1x16xf32> to vector<16xf32>
          %get3A_898 = arith.constant 0 : i32
          %get3A_899 = arith.constant 0 : i32
          %get3A_900 = tpu.memref_slice %arg23[%rem3A_371, %get3A_898, %get3A_899] : memref<2x32x128xf32, #tpu.memory_space<vmem>> -> memref<1x32x128xf32, #tpu.memory_space<vmem>>
          %get3A_901 = tpu.memref_squeeze %get3A_900 : memref<1x32x128xf32, #tpu.memory_space<vmem>> -> memref<32x128xf32, #tpu.memory_space<vmem>>
          %get3A_902 = arith.index_cast %add3A_571 : i32 to index
          %get3A_903 = arith.constant 16 : index
          %get3A_904 = tpu.vector_load %get3A_901[%get3A_902, %get3A_903] {strides = array<i32>} : memref<32x128xf32, #tpu.memory_space<vmem>>, vector<1x16xf32>,
          %get3A_905 = vector.shape_cast %get3A_904 : vector<1x16xf32> to vector<16xf32>
          %mul3A_906 = arith.mulf %get3A_897, %get3A_905 : vector<16xf32>
          %add3A_907 = arith.addf %add3A_871, %mul3A_906 : vector<16xf32>
          %get3A_908 = arith.constant 0 : i32
          %get3A_909 = arith.constant 0 : i32
          %get3A_910 = tpu.memref_slice %arg20[%rem3A_371, %get3A_908, %get3A_909] : memref<2x32x768xf32, #tpu.memory_space<vmem>> -> memref<1x32x768xf32, #tpu.memory_space<vmem>>
          %get3A_911 = tpu.memref_squeeze %get3A_910 : memref<1x32x768xf32, #tpu.memory_space<vmem>> -> memref<32x768xf32, #tpu.memory_space<vmem>>
          %get3A_912 = arith.index_cast %add3A_571 : i32 to index
          %get3A_913 = arith.constant 288 : index
          %get3A_914 = tpu.vector_load %get3A_911[%get3A_912, %get3A_913] {strides = array<i32>} : memref<32x768xf32, #tpu.memory_space<vmem>>, vector<1x16xf32>,
          %get3A_915 = vector.shape_cast %get3A_914 : vector<1x16xf32> to vector<16xf32>
          %get3A_916 = arith.constant 0 : i32
          %get3A_917 = arith.constant 0 : i32
          %get3A_918 = tpu.memref_slice %arg23[%rem3A_371, %get3A_916, %get3A_917] : memref<2x32x128xf32, #tpu.memory_space<vmem>> -> memref<1x32x128xf32, #tpu.memory_space<vmem>>
          %get3A_919 = tpu.memref_squeeze %get3A_918 : memref<1x32x128xf32, #tpu.memory_space<vmem>> -> memref<32x128xf32, #tpu.memory_space<vmem>>
          %get3A_920 = arith.index_cast %add3A_571 : i32 to index
          %get3A_921 = arith.constant 32 : index
          %get3A_922 = tpu.vector_load %get3A_919[%get3A_920, %get3A_921] {strides = array<i32>} : memref<32x128xf32, #tpu.memory_space<vmem>>, vector<1x16xf32>,
          %get3A_923 = vector.shape_cast %get3A_922 : vector<1x16xf32> to vector<16xf32>
          %mul3A_924 = arith.mulf %get3A_915, %get3A_923 : vector<16xf32>
          %add3A_925 = arith.addf %add3A_889, %mul3A_924 : vector<16xf32>
          %get3A_926 = arith.constant 0 : i32
          %get3A_927 = arith.constant 0 : i32
          %get3A_928 = tpu.memref_slice %arg20[%rem3A_371, %get3A_926, %get3A_927] : memref<2x32x768xf32, #tpu.memory_space<vmem>> -> memref<1x32x768xf32, #tpu.memory_space<vmem>>
          %get3A_929 = tpu.memref_squeeze %get3A_928 : memref<1x32x768xf32, #tpu.memory_space<vmem>> -> memref<32x768xf32, #tpu.memory_space<vmem>>
          %get3A_930 = arith.index_cast %add3A_571 : i32 to index
          %get3A_931 = arith.constant 304 : index
          %get3A_932 = tpu.vector_load %get3A_929[%get3A_930, %get3A_931] {strides = array<i32>} : memref<32x768xf32, #tpu.memory_space<vmem>>, vector<1x16xf32>,
          %get3A_933 = vector.shape_cast %get3A_932 : vector<1x16xf32> to vector<16xf32>
          %get3A_934 = arith.constant 0 : i32
          %get3A_935 = arith.constant 0 : i32
          %get3A_936 = tpu.memref_slice %arg23[%rem3A_371, %get3A_934, %get3A_935] : memref<2x32x128xf32, #tpu.memory_space<vmem>> -> memref<1x32x128xf32, #tpu.memory_space<vmem>>
          %get3A_937 = tpu.memref_squeeze %get3A_936 : memref<1x32x128xf32, #tpu.memory_space<vmem>> -> memref<32x128xf32, #tpu.memory_space<vmem>>
          %get3A_938 = arith.index_cast %add3A_571 : i32 to index
          %get3A_939 = arith.constant 48 : index
          %get3A_940 = tpu.vector_load %get3A_937[%get3A_938, %get3A_939] {strides = array<i32>} : memref<32x128xf32, #tpu.memory_space<vmem>>, vector<1x16xf32>,
          %get3A_941 = vector.shape_cast %get3A_940 : vector<1x16xf32> to vector<16xf32>
          %mul3A_942 = arith.mulf %get3A_933, %get3A_941 : vector<16xf32>
          %add3A_943 = arith.addf %add3A_907, %mul3A_942 : vector<16xf32>
          %get3A_944 = arith.constant 0 : i32
          %get3A_945 = arith.constant 0 : i32
          %get3A_946 = tpu.memref_slice %arg20[%rem3A_371, %get3A_944, %get3A_945] : memref<2x32x768xf32, #tpu.memory_space<vmem>> -> memref<1x32x768xf32, #tpu.memory_space<vmem>>
          %get3A_947 = tpu.memref_squeeze %get3A_946 : memref<1x32x768xf32, #tpu.memory_space<vmem>> -> memref<32x768xf32, #tpu.memory_space<vmem>>
          %get3A_948 = arith.index_cast %add3A_571 : i32 to index
          %get3A_949 = arith.constant 320 : index
          %get3A_950 = tpu.vector_load %get3A_947[%get3A_948, %get3A_949] {strides = array<i32>} : memref<32x768xf32, #tpu.memory_space<vmem>>, vector<1x16xf32>,
          %get3A_951 = vector.shape_cast %get3A_950 : vector<1x16xf32> to vector<16xf32>
          %get3A_952 = arith.constant 0 : i32
          %get3A_953 = arith.constant 0 : i32
          %get3A_954 = tpu.memref_slice %arg23[%rem3A_371, %get3A_952, %get3A_953] : memref<2x32x128xf32, #tpu.memory_space<vmem>> -> memref<1x32x128xf32, #tpu.memory_space<vmem>>
          %get3A_955 = tpu.memref_squeeze %get3A_954 : memref<1x32x128xf32, #tpu.memory_space<vmem>> -> memref<32x128xf32, #tpu.memory_space<vmem>>
          %get3A_956 = arith.index_cast %add3A_571 : i32 to index
          %get3A_957 = arith.constant 64 : index
          %get3A_958 = tpu.vector_load %get3A_955[%get3A_956, %get3A_957] {strides = array<i32>} : memref<32x128xf32, #tpu.memory_space<vmem>>, vector<1x16xf32>,
          %get3A_959 = vector.shape_cast %get3A_958 : vector<1x16xf32> to vector<16xf32>
          %mul3A_960 = arith.mulf %get3A_951, %get3A_959 : vector<16xf32>
          %add3A_961 = arith.addf %add3A_925, %mul3A_960 : vector<16xf32>
          %get3A_962 = arith.constant 0 : i32
          %get3A_963 = arith.constant 0 : i32
          %get3A_964 = tpu.memref_slice %arg20[%rem3A_371, %get3A_962, %get3A_963] : memref<2x32x768xf32, #tpu.memory_space<vmem>> -> memref<1x32x768xf32, #tpu.memory_space<vmem>>
          %get3A_965 = tpu.memref_squeeze %get3A_964 : memref<1x32x768xf32, #tpu.memory_space<vmem>> -> memref<32x768xf32, #tpu.memory_space<vmem>>
          %get3A_966 = arith.index_cast %add3A_571 : i32 to index
          %get3A_967 = arith.constant 336 : index
          %get3A_968 = tpu.vector_load %get3A_965[%get3A_966, %get3A_967] {strides = array<i32>} : memref<32x768xf32, #tpu.memory_space<vmem>>, vector<1x16xf32>,
          %get3A_969 = vector.shape_cast %get3A_968 : vector<1x16xf32> to vector<16xf32>
          %get3A_970 = arith.constant 0 : i32
          %get3A_971 = arith.constant 0 : i32
          %get3A_972 = tpu.memref_slice %arg23[%rem3A_371, %get3A_970, %get3A_971] : memref<2x32x128xf32, #tpu.memory_space<vmem>> -> memref<1x32x128xf32, #tpu.memory_space<vmem>>
          %get3A_973 = tpu.memref_squeeze %get3A_972 : memref<1x32x128xf32, #tpu.memory_space<vmem>> -> memref<32x128xf32, #tpu.memory_space<vmem>>
          %get3A_974 = arith.index_cast %add3A_571 : i32 to index
          %get3A_975 = arith.constant 80 : index
          %get3A_976 = tpu.vector_load %get3A_973[%get3A_974, %get3A_975] {strides = array<i32>} : memref<32x128xf32, #tpu.memory_space<vmem>>, vector<1x16xf32>,
          %get3A_977 = vector.shape_cast %get3A_976 : vector<1x16xf32> to vector<16xf32>
          %mul3A_978 = arith.mulf %get3A_969, %get3A_977 : vector<16xf32>
          %add3A_979 = arith.addf %add3A_943, %mul3A_978 : vector<16xf32>
          %get3A_980 = arith.constant 0 : i32
          %get3A_981 = arith.constant 0 : i32
          %get3A_982 = tpu.memref_slice %arg20[%rem3A_371, %get3A_980, %get3A_981] : memref<2x32x768xf32, #tpu.memory_space<vmem>> -> memref<1x32x768xf32, #tpu.memory_space<vmem>>
          %get3A_983 = tpu.memref_squeeze %get3A_982 : memref<1x32x768xf32, #tpu.memory_space<vmem>> -> memref<32x768xf32, #tpu.memory_space<vmem>>
          %get3A_984 = arith.index_cast %add3A_571 : i32 to index
          %get3A_985 = arith.constant 352 : index
          %get3A_986 = tpu.vector_load %get3A_983[%get3A_984, %get3A_985] {strides = array<i32>} : memref<32x768xf32, #tpu.memory_space<vmem>>, vector<1x16xf32>,
          %get3A_987 = vector.shape_cast %get3A_986 : vector<1x16xf32> to vector<16xf32>
          %get3A_988 = arith.constant 0 : i32
          %get3A_989 = arith.constant 0 : i32
          %get3A_990 = tpu.memref_slice %arg23[%rem3A_371, %get3A_988, %get3A_989] : memref<2x32x128xf32, #tpu.memory_space<vmem>> -> memref<1x32x128xf32, #tpu.memory_space<vmem>>
          %get3A_991 = tpu.memref_squeeze %get3A_990 : memref<1x32x128xf32, #tpu.memory_space<vmem>> -> memref<32x128xf32, #tpu.memory_space<vmem>>
          %get3A_992 = arith.index_cast %add3A_571 : i32 to index
          %get3A_993 = arith.constant 96 : index
          %get3A_994 = tpu.vector_load %get3A_991[%get3A_992, %get3A_993] {strides = array<i32>} : memref<32x128xf32, #tpu.memory_space<vmem>>, vector<1x16xf32>,
          %get3A_995 = vector.shape_cast %get3A_994 : vector<1x16xf32> to vector<16xf32>
          %mul3A_996 = arith.mulf %get3A_987, %get3A_995 : vector<16xf32>
          %add3A_997 = arith.addf %add3A_961, %mul3A_996 : vector<16xf32>
          %get3A_998 = arith.constant 0 : i32
          %get3A_999 = arith.constant 0 : i32
          %get3A_1000 = tpu.memref_slice %arg20[%rem3A_371, %get3A_998, %get3A_999] : memref<2x32x768xf32, #tpu.memory_space<vmem>> -> memref<1x32x768xf32, #tpu.memory_space<vmem>>
          %get3A_1001 = tpu.memref_squeeze %get3A_1000 : memref<1x32x768xf32, #tpu.memory_space<vmem>> -> memref<32x768xf32, #tpu.memory_space<vmem>>
          %get3A_1002 = arith.index_cast %add3A_571 : i32 to index
          %get3A_1003 = arith.constant 368 : index
          %get3A_1004 = tpu.vector_load %get3A_1001[%get3A_1002, %get3A_1003] {strides = array<i32>} : memref<32x768xf32, #tpu.memory_space<vmem>>, vector<1x16xf32>,
          %get3A_1005 = vector.shape_cast %get3A_1004 : vector<1x16xf32> to vector<16xf32>
          %get3A_1006 = arith.constant 0 : i32
          %get3A_1007 = arith.constant 0 : i32
          %get3A_1008 = tpu.memref_slice %arg23[%rem3A_371, %get3A_1006, %get3A_1007] : memref<2x32x128xf32, #tpu.memory_space<vmem>> -> memref<1x32x128xf32, #tpu.memory_space<vmem>>
          %get3A_1009 = tpu.memref_squeeze %get3A_1008 : memref<1x32x128xf32, #tpu.memory_space<vmem>> -> memref<32x128xf32, #tpu.memory_space<vmem>>
          %get3A_1010 = arith.index_cast %add3A_571 : i32 to index
          %get3A_1011 = arith.constant 112 : index
          %get3A_1012 = tpu.vector_load %get3A_1009[%get3A_1010, %get3A_1011] {strides = array<i32>} : memref<32x128xf32, #tpu.memory_space<vmem>>, vector<1x16xf32>,
          %get3A_1013 = vector.shape_cast %get3A_1012 : vector<1x16xf32> to vector<16xf32>
          %mul3A_1014 = arith.mulf %get3A_1005, %get3A_1013 : vector<16xf32>
          %add3A_1015 = arith.addf %add3A_979, %mul3A_1014 : vector<16xf32>
          %get3A_1016 = arith.constant 0 : i32
          %get3A_1017 = arith.constant 0 : i32
          %get3A_1018 = tpu.memref_slice %arg20[%rem3A_371, %get3A_1016, %get3A_1017] : memref<2x32x768xf32, #tpu.memory_space<vmem>> -> memref<1x32x768xf32, #tpu.memory_space<vmem>>
          %get3A_1019 = tpu.memref_squeeze %get3A_1018 : memref<1x32x768xf32, #tpu.memory_space<vmem>> -> memref<32x768xf32, #tpu.memory_space<vmem>>
          %get3A_1020 = arith.index_cast %add3A_571 : i32 to index
          %get3A_1021 = arith.constant 384 : index
          %get3A_1022 = tpu.vector_load %get3A_1019[%get3A_1020, %get3A_1021] {strides = array<i32>} : memref<32x768xf32, #tpu.memory_space<vmem>>, vector<1x16xf32>,
          %get3A_1023 = vector.shape_cast %get3A_1022 : vector<1x16xf32> to vector<16xf32>
          %get3A_1024 = arith.constant 0 : i32
          %get3A_1025 = arith.constant 0 : i32
          %get3A_1026 = tpu.memref_slice %arg24[%rem3A_371, %get3A_1024, %get3A_1025] : memref<2x32x128xf32, #tpu.memory_space<vmem>> -> memref<1x32x128xf32, #tpu.memory_space<vmem>>
          %get3A_1027 = tpu.memref_squeeze %get3A_1026 : memref<1x32x128xf32, #tpu.memory_space<vmem>> -> memref<32x128xf32, #tpu.memory_space<vmem>>
          %get3A_1028 = arith.index_cast %add3A_571 : i32 to index
          %get3A_1029 = arith.constant 0 : index
          %get3A_1030 = tpu.vector_load %get3A_1027[%get3A_1028, %get3A_1029] {strides = array<i32>} : memref<32x128xf32, #tpu.memory_space<vmem>>, vector<1x16xf32>,
          %get3A_1031 = vector.shape_cast %get3A_1030 : vector<1x16xf32> to vector<16xf32>
          %mul3A_1032 = arith.mulf %get3A_1023, %get3A_1031 : vector<16xf32>
          %add3A_1033 = arith.addf %add3A_997, %mul3A_1032 : vector<16xf32>
          %get3A_1034 = arith.constant 0 : i32
          %get3A_1035 = arith.constant 0 : i32
          %get3A_1036 = tpu.memref_slice %arg20[%rem3A_371, %get3A_1034, %get3A_1035] : memref<2x32x768xf32, #tpu.memory_space<vmem>> -> memref<1x32x768xf32, #tpu.memory_space<vmem>>
          %get3A_1037 = tpu.memref_squeeze %get3A_1036 : memref<1x32x768xf32, #tpu.memory_space<vmem>> -> memref<32x768xf32, #tpu.memory_space<vmem>>
          %get3A_1038 = arith.index_cast %add3A_571 : i32 to index
          %get3A_1039 = arith.constant 400 : index
          %get3A_1040 = tpu.vector_load %get3A_1037[%get3A_1038, %get3A_1039] {strides = array<i32>} : memref<32x768xf32, #tpu.memory_space<vmem>>, vector<1x16xf32>,
          %get3A_1041 = vector.shape_cast %get3A_1040 : vector<1x16xf32> to vector<16xf32>
          %get3A_1042 = arith.constant 0 : i32
          %get3A_1043 = arith.constant 0 : i32
          %get3A_1044 = tpu.memref_slice %arg24[%rem3A_371, %get3A_1042, %get3A_1043] : memref<2x32x128xf32, #tpu.memory_space<vmem>> -> memref<1x32x128xf32, #tpu.memory_space<vmem>>
          %get3A_1045 = tpu.memref_squeeze %get3A_1044 : memref<1x32x128xf32, #tpu.memory_space<vmem>> -> memref<32x128xf32, #tpu.memory_space<vmem>>
          %get3A_1046 = arith.index_cast %add3A_571 : i32 to index
          %get3A_1047 = arith.constant 16 : index
          %get3A_1048 = tpu.vector_load %get3A_1045[%get3A_1046, %get3A_1047] {strides = array<i32>} : memref<32x128xf32, #tpu.memory_space<vmem>>, vector<1x16xf32>,
          %get3A_1049 = vector.shape_cast %get3A_1048 : vector<1x16xf32> to vector<16xf32>
          %mul3A_1050 = arith.mulf %get3A_1041, %get3A_1049 : vector<16xf32>
          %add3A_1051 = arith.addf %add3A_1015, %mul3A_1050 : vector<16xf32>
          %get3A_1052 = arith.constant 0 : i32
          %get3A_1053 = arith.constant 0 : i32
          %get3A_1054 = tpu.memref_slice %arg20[%rem3A_371, %get3A_1052, %get3A_1053] : memref<2x32x768xf32, #tpu.memory_space<vmem>> -> memref<1x32x768xf32, #tpu.memory_space<vmem>>
          %get3A_1055 = tpu.memref_squeeze %get3A_1054 : memref<1x32x768xf32, #tpu.memory_space<vmem>> -> memref<32x768xf32, #tpu.memory_space<vmem>>
          %get3A_1056 = arith.index_cast %add3A_571 : i32 to index
          %get3A_1057 = arith.constant 416 : index
          %get3A_1058 = tpu.vector_load %get3A_1055[%get3A_1056, %get3A_1057] {strides = array<i32>} : memref<32x768xf32, #tpu.memory_space<vmem>>, vector<1x16xf32>,
          %get3A_1059 = vector.shape_cast %get3A_1058 : vector<1x16xf32> to vector<16xf32>
          %get3A_1060 = arith.constant 0 : i32
          %get3A_1061 = arith.constant 0 : i32
          %get3A_1062 = tpu.memref_slice %arg24[%rem3A_371, %get3A_1060, %get3A_1061] : memref<2x32x128xf32, #tpu.memory_space<vmem>> -> memref<1x32x128xf32, #tpu.memory_space<vmem>>
          %get3A_1063 = tpu.memref_squeeze %get3A_1062 : memref<1x32x128xf32, #tpu.memory_space<vmem>> -> memref<32x128xf32, #tpu.memory_space<vmem>>
          %get3A_1064 = arith.index_cast %add3A_571 : i32 to index
          %get3A_1065 = arith.constant 32 : index
          %get3A_1066 = tpu.vector_load %get3A_1063[%get3A_1064, %get3A_1065] {strides = array<i32>} : memref<32x128xf32, #tpu.memory_space<vmem>>, vector<1x16xf32>,
          %get3A_1067 = vector.shape_cast %get3A_1066 : vector<1x16xf32> to vector<16xf32>
          %mul3A_1068 = arith.mulf %get3A_1059, %get3A_1067 : vector<16xf32>
          %add3A_1069 = arith.addf %add3A_1033, %mul3A_1068 : vector<16xf32>
          %get3A_1070 = arith.constant 0 : i32
          %get3A_1071 = arith.constant 0 : i32
          %get3A_1072 = tpu.memref_slice %arg20[%rem3A_371, %get3A_1070, %get3A_1071] : memref<2x32x768xf32, #tpu.memory_space<vmem>> -> memref<1x32x768xf32, #tpu.memory_space<vmem>>
          %get3A_1073 = tpu.memref_squeeze %get3A_1072 : memref<1x32x768xf32, #tpu.memory_space<vmem>> -> memref<32x768xf32, #tpu.memory_space<vmem>>
          %get3A_1074 = arith.index_cast %add3A_571 : i32 to index
          %get3A_1075 = arith.constant 432 : index
          %get3A_1076 = tpu.vector_load %get3A_1073[%get3A_1074, %get3A_1075] {strides = array<i32>} : memref<32x768xf32, #tpu.memory_space<vmem>>, vector<1x16xf32>,
          %get3A_1077 = vector.shape_cast %get3A_1076 : vector<1x16xf32> to vector<16xf32>
          %get3A_1078 = arith.constant 0 : i32
          %get3A_1079 = arith.constant 0 : i32
          %get3A_1080 = tpu.memref_slice %arg24[%rem3A_371, %get3A_1078, %get3A_1079] : memref<2x32x128xf32, #tpu.memory_space<vmem>> -> memref<1x32x128xf32, #tpu.memory_space<vmem>>
          %get3A_1081 = tpu.memref_squeeze %get3A_1080 : memref<1x32x128xf32, #tpu.memory_space<vmem>> -> memref<32x128xf32, #tpu.memory_space<vmem>>
          %get3A_1082 = arith.index_cast %add3A_571 : i32 to index
          %get3A_1083 = arith.constant 48 : index
          %get3A_1084 = tpu.vector_load %get3A_1081[%get3A_1082, %get3A_1083] {strides = array<i32>} : memref<32x128xf32, #tpu.memory_space<vmem>>, vector<1x16xf32>,
          %get3A_1085 = vector.shape_cast %get3A_1084 : vector<1x16xf32> to vector<16xf32>
          %mul3A_1086 = arith.mulf %get3A_1077, %get3A_1085 : vector<16xf32>
          %add3A_1087 = arith.addf %add3A_1051, %mul3A_1086 : vector<16xf32>
          %get3A_1088 = arith.constant 0 : i32
          %get3A_1089 = arith.constant 0 : i32
          %get3A_1090 = tpu.memref_slice %arg20[%rem3A_371, %get3A_1088, %get3A_1089] : memref<2x32x768xf32, #tpu.memory_space<vmem>> -> memref<1x32x768xf32, #tpu.memory_space<vmem>>
          %get3A_1091 = tpu.memref_squeeze %get3A_1090 : memref<1x32x768xf32, #tpu.memory_space<vmem>> -> memref<32x768xf32, #tpu.memory_space<vmem>>
          %get3A_1092 = arith.index_cast %add3A_571 : i32 to index
          %get3A_1093 = arith.constant 448 : index
          %get3A_1094 = tpu.vector_load %get3A_1091[%get3A_1092, %get3A_1093] {strides = array<i32>} : memref<32x768xf32, #tpu.memory_space<vmem>>, vector<1x16xf32>,
          %get3A_1095 = vector.shape_cast %get3A_1094 : vector<1x16xf32> to vector<16xf32>
          %get3A_1096 = arith.constant 0 : i32
          %get3A_1097 = arith.constant 0 : i32
          %get3A_1098 = tpu.memref_slice %arg24[%rem3A_371, %get3A_1096, %get3A_1097] : memref<2x32x128xf32, #tpu.memory_space<vmem>> -> memref<1x32x128xf32, #tpu.memory_space<vmem>>
          %get3A_1099 = tpu.memref_squeeze %get3A_1098 : memref<1x32x128xf32, #tpu.memory_space<vmem>> -> memref<32x128xf32, #tpu.memory_space<vmem>>
          %get3A_1100 = arith.index_cast %add3A_571 : i32 to index
          %get3A_1101 = arith.constant 64 : index
          %get3A_1102 = tpu.vector_load %get3A_1099[%get3A_1100, %get3A_1101] {strides = array<i32>} : memref<32x128xf32, #tpu.memory_space<vmem>>, vector<1x16xf32>,
          %get3A_1103 = vector.shape_cast %get3A_1102 : vector<1x16xf32> to vector<16xf32>
          %mul3A_1104 = arith.mulf %get3A_1095, %get3A_1103 : vector<16xf32>
          %add3A_1105 = arith.addf %add3A_1069, %mul3A_1104 : vector<16xf32>
          %get3A_1106 = arith.constant 0 : i32
          %get3A_1107 = arith.constant 0 : i32
          %get3A_1108 = tpu.memref_slice %arg20[%rem3A_371, %get3A_1106, %get3A_1107] : memref<2x32x768xf32, #tpu.memory_space<vmem>> -> memref<1x32x768xf32, #tpu.memory_space<vmem>>
          %get3A_1109 = tpu.memref_squeeze %get3A_1108 : memref<1x32x768xf32, #tpu.memory_space<vmem>> -> memref<32x768xf32, #tpu.memory_space<vmem>>
          %get3A_1110 = arith.index_cast %add3A_571 : i32 to index
          %get3A_1111 = arith.constant 464 : index
          %get3A_1112 = tpu.vector_load %get3A_1109[%get3A_1110, %get3A_1111] {strides = array<i32>} : memref<32x768xf32, #tpu.memory_space<vmem>>, vector<1x16xf32>,
          %get3A_1113 = vector.shape_cast %get3A_1112 : vector<1x16xf32> to vector<16xf32>
          %get3A_1114 = arith.constant 0 : i32
          %get3A_1115 = arith.constant 0 : i32
          %get3A_1116 = tpu.memref_slice %arg24[%rem3A_371, %get3A_1114, %get3A_1115] : memref<2x32x128xf32, #tpu.memory_space<vmem>> -> memref<1x32x128xf32, #tpu.memory_space<vmem>>
          %get3A_1117 = tpu.memref_squeeze %get3A_1116 : memref<1x32x128xf32, #tpu.memory_space<vmem>> -> memref<32x128xf32, #tpu.memory_space<vmem>>
          %get3A_1118 = arith.index_cast %add3A_571 : i32 to index
          %get3A_1119 = arith.constant 80 : index
          %get3A_1120 = tpu.vector_load %get3A_1117[%get3A_1118, %get3A_1119] {strides = array<i32>} : memref<32x128xf32, #tpu.memory_space<vmem>>, vector<1x16xf32>,
          %get3A_1121 = vector.shape_cast %get3A_1120 : vector<1x16xf32> to vector<16xf32>
          %mul3A_1122 = arith.mulf %get3A_1113, %get3A_1121 : vector<16xf32>
          %add3A_1123 = arith.addf %add3A_1087, %mul3A_1122 : vector<16xf32>
          %get3A_1124 = arith.constant 0 : i32
          %get3A_1125 = arith.constant 0 : i32
          %get3A_1126 = tpu.memref_slice %arg20[%rem3A_371, %get3A_1124, %get3A_1125] : memref<2x32x768xf32, #tpu.memory_space<vmem>> -> memref<1x32x768xf32, #tpu.memory_space<vmem>>
          %get3A_1127 = tpu.memref_squeeze %get3A_1126 : memref<1x32x768xf32, #tpu.memory_space<vmem>> -> memref<32x768xf32, #tpu.memory_space<vmem>>
          %get3A_1128 = arith.index_cast %add3A_571 : i32 to index
          %get3A_1129 = arith.constant 480 : index
          %get3A_1130 = tpu.vector_load %get3A_1127[%get3A_1128, %get3A_1129] {strides = array<i32>} : memref<32x768xf32, #tpu.memory_space<vmem>>, vector<1x16xf32>,
          %get3A_1131 = vector.shape_cast %get3A_1130 : vector<1x16xf32> to vector<16xf32>
          %get3A_1132 = arith.constant 0 : i32
          %get3A_1133 = arith.constant 0 : i32
          %get3A_1134 = tpu.memref_slice %arg24[%rem3A_371, %get3A_1132, %get3A_1133] : memref<2x32x128xf32, #tpu.memory_space<vmem>> -> memref<1x32x128xf32, #tpu.memory_space<vmem>>
          %get3A_1135 = tpu.memref_squeeze %get3A_1134 : memref<1x32x128xf32, #tpu.memory_space<vmem>> -> memref<32x128xf32, #tpu.memory_space<vmem>>
          %get3A_1136 = arith.index_cast %add3A_571 : i32 to index
          %get3A_1137 = arith.constant 96 : index
          %get3A_1138 = tpu.vector_load %get3A_1135[%get3A_1136, %get3A_1137] {strides = array<i32>} : memref<32x128xf32, #tpu.memory_space<vmem>>, vector<1x16xf32>,
          %get3A_1139 = vector.shape_cast %get3A_1138 : vector<1x16xf32> to vector<16xf32>
          %mul3A_1140 = arith.mulf %get3A_1131, %get3A_1139 : vector<16xf32>
          %add3A_1141 = arith.addf %add3A_1105, %mul3A_1140 : vector<16xf32>
          %get3A_1142 = arith.constant 0 : i32
          %get3A_1143 = arith.constant 0 : i32
          %get3A_1144 = tpu.memref_slice %arg20[%rem3A_371, %get3A_1142, %get3A_1143] : memref<2x32x768xf32, #tpu.memory_space<vmem>> -> memref<1x32x768xf32, #tpu.memory_space<vmem>>
          %get3A_1145 = tpu.memref_squeeze %get3A_1144 : memref<1x32x768xf32, #tpu.memory_space<vmem>> -> memref<32x768xf32, #tpu.memory_space<vmem>>
          %get3A_1146 = arith.index_cast %add3A_571 : i32 to index
          %get3A_1147 = arith.constant 496 : index
          %get3A_1148 = tpu.vector_load %get3A_1145[%get3A_1146, %get3A_1147] {strides = array<i32>} : memref<32x768xf32, #tpu.memory_space<vmem>>, vector<1x16xf32>,
          %get3A_1149 = vector.shape_cast %get3A_1148 : vector<1x16xf32> to vector<16xf32>
          %get3A_1150 = arith.constant 0 : i32
          %get3A_1151 = arith.constant 0 : i32
          %get3A_1152 = tpu.memref_slice %arg24[%rem3A_371, %get3A_1150, %get3A_1151] : memref<2x32x128xf32, #tpu.memory_space<vmem>> -> memref<1x32x128xf32, #tpu.memory_space<vmem>>
          %get3A_1153 = tpu.memref_squeeze %get3A_1152 : memref<1x32x128xf32, #tpu.memory_space<vmem>> -> memref<32x128xf32, #tpu.memory_space<vmem>>
          %get3A_1154 = arith.index_cast %add3A_571 : i32 to index
          %get3A_1155 = arith.constant 112 : index
          %get3A_1156 = tpu.vector_load %get3A_1153[%get3A_1154, %get3A_1155] {strides = array<i32>} : memref<32x128xf32, #tpu.memory_space<vmem>>, vector<1x16xf32>,
          %get3A_1157 = vector.shape_cast %get3A_1156 : vector<1x16xf32> to vector<16xf32>
          %mul3A_1158 = arith.mulf %get3A_1149, %get3A_1157 : vector<16xf32>
          %add3A_1159 = arith.addf %add3A_1123, %mul3A_1158 : vector<16xf32>
          %get3A_1160 = arith.constant 0 : i32
          %get3A_1161 = arith.constant 0 : i32
          %get3A_1162 = tpu.memref_slice %arg20[%rem3A_371, %get3A_1160, %get3A_1161] : memref<2x32x768xf32, #tpu.memory_space<vmem>> -> memref<1x32x768xf32, #tpu.memory_space<vmem>>
          %get3A_1163 = tpu.memref_squeeze %get3A_1162 : memref<1x32x768xf32, #tpu.memory_space<vmem>> -> memref<32x768xf32, #tpu.memory_space<vmem>>
          %get3A_1164 = arith.index_cast %add3A_571 : i32 to index
          %get3A_1165 = arith.constant 512 : index
          %get3A_1166 = tpu.vector_load %get3A_1163[%get3A_1164, %get3A_1165] {strides = array<i32>} : memref<32x768xf32, #tpu.memory_space<vmem>>, vector<1x16xf32>,
          %get3A_1167 = vector.shape_cast %get3A_1166 : vector<1x16xf32> to vector<16xf32>
          %get3A_1168 = arith.constant 0 : i32
          %get3A_1169 = arith.constant 0 : i32
          %get3A_1170 = tpu.memref_slice %arg25[%rem3A_371, %get3A_1168, %get3A_1169] : memref<2x32x128xf32, #tpu.memory_space<vmem>> -> memref<1x32x128xf32, #tpu.memory_space<vmem>>
          %get3A_1171 = tpu.memref_squeeze %get3A_1170 : memref<1x32x128xf32, #tpu.memory_space<vmem>> -> memref<32x128xf32, #tpu.memory_space<vmem>>
          %get3A_1172 = arith.index_cast %add3A_571 : i32 to index
          %get3A_1173 = arith.constant 0 : index
          %get3A_1174 = tpu.vector_load %get3A_1171[%get3A_1172, %get3A_1173] {strides = array<i32>} : memref<32x128xf32, #tpu.memory_space<vmem>>, vector<1x16xf32>,
          %get3A_1175 = vector.shape_cast %get3A_1174 : vector<1x16xf32> to vector<16xf32>
          %mul3A_1176 = arith.mulf %get3A_1167, %get3A_1175 : vector<16xf32>
          %add3A_1177 = arith.addf %add3A_1141, %mul3A_1176 : vector<16xf32>
          %get3A_1178 = arith.constant 0 : i32
          %get3A_1179 = arith.constant 0 : i32
          %get3A_1180 = tpu.memref_slice %arg20[%rem3A_371, %get3A_1178, %get3A_1179] : memref<2x32x768xf32, #tpu.memory_space<vmem>> -> memref<1x32x768xf32, #tpu.memory_space<vmem>>
          %get3A_1181 = tpu.memref_squeeze %get3A_1180 : memref<1x32x768xf32, #tpu.memory_space<vmem>> -> memref<32x768xf32, #tpu.memory_space<vmem>>
          %get3A_1182 = arith.index_cast %add3A_571 : i32 to index
          %get3A_1183 = arith.constant 528 : index
          %get3A_1184 = tpu.vector_load %get3A_1181[%get3A_1182, %get3A_1183] {strides = array<i32>} : memref<32x768xf32, #tpu.memory_space<vmem>>, vector<1x16xf32>,
          %get3A_1185 = vector.shape_cast %get3A_1184 : vector<1x16xf32> to vector<16xf32>
          %get3A_1186 = arith.constant 0 : i32
          %get3A_1187 = arith.constant 0 : i32
          %get3A_1188 = tpu.memref_slice %arg25[%rem3A_371, %get3A_1186, %get3A_1187] : memref<2x32x128xf32, #tpu.memory_space<vmem>> -> memref<1x32x128xf32, #tpu.memory_space<vmem>>
          %get3A_1189 = tpu.memref_squeeze %get3A_1188 : memref<1x32x128xf32, #tpu.memory_space<vmem>> -> memref<32x128xf32, #tpu.memory_space<vmem>>
          %get3A_1190 = arith.index_cast %add3A_571 : i32 to index
          %get3A_1191 = arith.constant 16 : index
          %get3A_1192 = tpu.vector_load %get3A_1189[%get3A_1190, %get3A_1191] {strides = array<i32>} : memref<32x128xf32, #tpu.memory_space<vmem>>, vector<1x16xf32>,
          %get3A_1193 = vector.shape_cast %get3A_1192 : vector<1x16xf32> to vector<16xf32>
          %mul3A_1194 = arith.mulf %get3A_1185, %get3A_1193 : vector<16xf32>
          %add3A_1195 = arith.addf %add3A_1159, %mul3A_1194 : vector<16xf32>
          %get3A_1196 = arith.constant 0 : i32
          %get3A_1197 = arith.constant 0 : i32
          %get3A_1198 = tpu.memref_slice %arg20[%rem3A_371, %get3A_1196, %get3A_1197] : memref<2x32x768xf32, #tpu.memory_space<vmem>> -> memref<1x32x768xf32, #tpu.memory_space<vmem>>
          %get3A_1199 = tpu.memref_squeeze %get3A_1198 : memref<1x32x768xf32, #tpu.memory_space<vmem>> -> memref<32x768xf32, #tpu.memory_space<vmem>>
          %get3A_1200 = arith.index_cast %add3A_571 : i32 to index
          %get3A_1201 = arith.constant 544 : index
          %get3A_1202 = tpu.vector_load %get3A_1199[%get3A_1200, %get3A_1201] {strides = array<i32>} : memref<32x768xf32, #tpu.memory_space<vmem>>, vector<1x16xf32>,
          %get3A_1203 = vector.shape_cast %get3A_1202 : vector<1x16xf32> to vector<16xf32>
          %get3A_1204 = arith.constant 0 : i32
          %get3A_1205 = arith.constant 0 : i32
          %get3A_1206 = tpu.memref_slice %arg25[%rem3A_371, %get3A_1204, %get3A_1205] : memref<2x32x128xf32, #tpu.memory_space<vmem>> -> memref<1x32x128xf32, #tpu.memory_space<vmem>>
          %get3A_1207 = tpu.memref_squeeze %get3A_1206 : memref<1x32x128xf32, #tpu.memory_space<vmem>> -> memref<32x128xf32, #tpu.memory_space<vmem>>
          %get3A_1208 = arith.index_cast %add3A_571 : i32 to index
          %get3A_1209 = arith.constant 32 : index
          %get3A_1210 = tpu.vector_load %get3A_1207[%get3A_1208, %get3A_1209] {strides = array<i32>} : memref<32x128xf32, #tpu.memory_space<vmem>>, vector<1x16xf32>,
          %get3A_1211 = vector.shape_cast %get3A_1210 : vector<1x16xf32> to vector<16xf32>
          %mul3A_1212 = arith.mulf %get3A_1203, %get3A_1211 : vector<16xf32>
          %add3A_1213 = arith.addf %add3A_1177, %mul3A_1212 : vector<16xf32>
          %get3A_1214 = arith.constant 0 : i32
          %get3A_1215 = arith.constant 0 : i32
          %get3A_1216 = tpu.memref_slice %arg20[%rem3A_371, %get3A_1214, %get3A_1215] : memref<2x32x768xf32, #tpu.memory_space<vmem>> -> memref<1x32x768xf32, #tpu.memory_space<vmem>>
          %get3A_1217 = tpu.memref_squeeze %get3A_1216 : memref<1x32x768xf32, #tpu.memory_space<vmem>> -> memref<32x768xf32, #tpu.memory_space<vmem>>
          %get3A_1218 = arith.index_cast %add3A_571 : i32 to index
          %get3A_1219 = arith.constant 560 : index
          %get3A_1220 = tpu.vector_load %get3A_1217[%get3A_1218, %get3A_1219] {strides = array<i32>} : memref<32x768xf32, #tpu.memory_space<vmem>>, vector<1x16xf32>,
          %get3A_1221 = vector.shape_cast %get3A_1220 : vector<1x16xf32> to vector<16xf32>
          %get3A_1222 = arith.constant 0 : i32
          %get3A_1223 = arith.constant 0 : i32
          %get3A_1224 = tpu.memref_slice %arg25[%rem3A_371, %get3A_1222, %get3A_1223] : memref<2x32x128xf32, #tpu.memory_space<vmem>> -> memref<1x32x128xf32, #tpu.memory_space<vmem>>
          %get3A_1225 = tpu.memref_squeeze %get3A_1224 : memref<1x32x128xf32, #tpu.memory_space<vmem>> -> memref<32x128xf32, #tpu.memory_space<vmem>>
          %get3A_1226 = arith.index_cast %add3A_571 : i32 to index
          %get3A_1227 = arith.constant 48 : index
          %get3A_1228 = tpu.vector_load %get3A_1225[%get3A_1226, %get3A_1227] {strides = array<i32>} : memref<32x128xf32, #tpu.memory_space<vmem>>, vector<1x16xf32>,
          %get3A_1229 = vector.shape_cast %get3A_1228 : vector<1x16xf32> to vector<16xf32>
          %mul3A_1230 = arith.mulf %get3A_1221, %get3A_1229 : vector<16xf32>
          %add3A_1231 = arith.addf %add3A_1195, %mul3A_1230 : vector<16xf32>
          %get3A_1232 = arith.constant 0 : i32
          %get3A_1233 = arith.constant 0 : i32
          %get3A_1234 = tpu.memref_slice %arg20[%rem3A_371, %get3A_1232, %get3A_1233] : memref<2x32x768xf32, #tpu.memory_space<vmem>> -> memref<1x32x768xf32, #tpu.memory_space<vmem>>
          %get3A_1235 = tpu.memref_squeeze %get3A_1234 : memref<1x32x768xf32, #tpu.memory_space<vmem>> -> memref<32x768xf32, #tpu.memory_space<vmem>>
          %get3A_1236 = arith.index_cast %add3A_571 : i32 to index
          %get3A_1237 = arith.constant 576 : index
          %get3A_1238 = tpu.vector_load %get3A_1235[%get3A_1236, %get3A_1237] {strides = array<i32>} : memref<32x768xf32, #tpu.memory_space<vmem>>, vector<1x16xf32>,
          %get3A_1239 = vector.shape_cast %get3A_1238 : vector<1x16xf32> to vector<16xf32>
          %get3A_1240 = arith.constant 0 : i32
          %get3A_1241 = arith.constant 0 : i32
          %get3A_1242 = tpu.memref_slice %arg25[%rem3A_371, %get3A_1240, %get3A_1241] : memref<2x32x128xf32, #tpu.memory_space<vmem>> -> memref<1x32x128xf32, #tpu.memory_space<vmem>>
          %get3A_1243 = tpu.memref_squeeze %get3A_1242 : memref<1x32x128xf32, #tpu.memory_space<vmem>> -> memref<32x128xf32, #tpu.memory_space<vmem>>
          %get3A_1244 = arith.index_cast %add3A_571 : i32 to index
          %get3A_1245 = arith.constant 64 : index
          %get3A_1246 = tpu.vector_load %get3A_1243[%get3A_1244, %get3A_1245] {strides = array<i32>} : memref<32x128xf32, #tpu.memory_space<vmem>>, vector<1x16xf32>,
          %get3A_1247 = vector.shape_cast %get3A_1246 : vector<1x16xf32> to vector<16xf32>
          %mul3A_1248 = arith.mulf %get3A_1239, %get3A_1247 : vector<16xf32>
          %add3A_1249 = arith.addf %add3A_1213, %mul3A_1248 : vector<16xf32>
          %get3A_1250 = arith.constant 0 : i32
          %get3A_1251 = arith.constant 0 : i32
          %get3A_1252 = tpu.memref_slice %arg20[%rem3A_371, %get3A_1250, %get3A_1251] : memref<2x32x768xf32, #tpu.memory_space<vmem>> -> memref<1x32x768xf32, #tpu.memory_space<vmem>>
          %get3A_1253 = tpu.memref_squeeze %get3A_1252 : memref<1x32x768xf32, #tpu.memory_space<vmem>> -> memref<32x768xf32, #tpu.memory_space<vmem>>
          %get3A_1254 = arith.index_cast %add3A_571 : i32 to index
          %get3A_1255 = arith.constant 592 : index
          %get3A_1256 = tpu.vector_load %get3A_1253[%get3A_1254, %get3A_1255] {strides = array<i32>} : memref<32x768xf32, #tpu.memory_space<vmem>>, vector<1x16xf32>,
          %get3A_1257 = vector.shape_cast %get3A_1256 : vector<1x16xf32> to vector<16xf32>
          %get3A_1258 = arith.constant 0 : i32
          %get3A_1259 = arith.constant 0 : i32
          %get3A_1260 = tpu.memref_slice %arg25[%rem3A_371, %get3A_1258, %get3A_1259] : memref<2x32x128xf32, #tpu.memory_space<vmem>> -> memref<1x32x128xf32, #tpu.memory_space<vmem>>
          %get3A_1261 = tpu.memref_squeeze %get3A_1260 : memref<1x32x128xf32, #tpu.memory_space<vmem>> -> memref<32x128xf32, #tpu.memory_space<vmem>>
          %get3A_1262 = arith.index_cast %add3A_571 : i32 to index
          %get3A_1263 = arith.constant 80 : index
          %get3A_1264 = tpu.vector_load %get3A_1261[%get3A_1262, %get3A_1263] {strides = array<i32>} : memref<32x128xf32, #tpu.memory_space<vmem>>, vector<1x16xf32>,
          %get3A_1265 = vector.shape_cast %get3A_1264 : vector<1x16xf32> to vector<16xf32>
          %mul3A_1266 = arith.mulf %get3A_1257, %get3A_1265 : vector<16xf32>
          %add3A_1267 = arith.addf %add3A_1231, %mul3A_1266 : vector<16xf32>
          %get3A_1268 = arith.constant 0 : i32
          %get3A_1269 = arith.constant 0 : i32
          %get3A_1270 = tpu.memref_slice %arg20[%rem3A_371, %get3A_1268, %get3A_1269] : memref<2x32x768xf32, #tpu.memory_space<vmem>> -> memref<1x32x768xf32, #tpu.memory_space<vmem>>
          %get3A_1271 = tpu.memref_squeeze %get3A_1270 : memref<1x32x768xf32, #tpu.memory_space<vmem>> -> memref<32x768xf32, #tpu.memory_space<vmem>>
          %get3A_1272 = arith.index_cast %add3A_571 : i32 to index
          %get3A_1273 = arith.constant 608 : index
          %get3A_1274 = tpu.vector_load %get3A_1271[%get3A_1272, %get3A_1273] {strides = array<i32>} : memref<32x768xf32, #tpu.memory_space<vmem>>, vector<1x16xf32>,
          %get3A_1275 = vector.shape_cast %get3A_1274 : vector<1x16xf32> to vector<16xf32>
          %get3A_1276 = arith.constant 0 : i32
          %get3A_1277 = arith.constant 0 : i32
          %get3A_1278 = tpu.memref_slice %arg25[%rem3A_371, %get3A_1276, %get3A_1277] : memref<2x32x128xf32, #tpu.memory_space<vmem>> -> memref<1x32x128xf32, #tpu.memory_space<vmem>>
          %get3A_1279 = tpu.memref_squeeze %get3A_1278 : memref<1x32x128xf32, #tpu.memory_space<vmem>> -> memref<32x128xf32, #tpu.memory_space<vmem>>
          %get3A_1280 = arith.index_cast %add3A_571 : i32 to index
          %get3A_1281 = arith.constant 96 : index
          %get3A_1282 = tpu.vector_load %get3A_1279[%get3A_1280, %get3A_1281] {strides = array<i32>} : memref<32x128xf32, #tpu.memory_space<vmem>>, vector<1x16xf32>,
          %get3A_1283 = vector.shape_cast %get3A_1282 : vector<1x16xf32> to vector<16xf32>
          %mul3A_1284 = arith.mulf %get3A_1275, %get3A_1283 : vector<16xf32>
          %add3A_1285 = arith.addf %add3A_1249, %mul3A_1284 : vector<16xf32>
          %get3A_1286 = arith.constant 0 : i32
          %get3A_1287 = arith.constant 0 : i32
          %get3A_1288 = tpu.memref_slice %arg20[%rem3A_371, %get3A_1286, %get3A_1287] : memref<2x32x768xf32, #tpu.memory_space<vmem>> -> memref<1x32x768xf32, #tpu.memory_space<vmem>>
          %get3A_1289 = tpu.memref_squeeze %get3A_1288 : memref<1x32x768xf32, #tpu.memory_space<vmem>> -> memref<32x768xf32, #tpu.memory_space<vmem>>
          %get3A_1290 = arith.index_cast %add3A_571 : i32 to index
          %get3A_1291 = arith.constant 624 : index
          %get3A_1292 = tpu.vector_load %get3A_1289[%get3A_1290, %get3A_1291] {strides = array<i32>} : memref<32x768xf32, #tpu.memory_space<vmem>>, vector<1x16xf32>,
          %get3A_1293 = vector.shape_cast %get3A_1292 : vector<1x16xf32> to vector<16xf32>
          %get3A_1294 = arith.constant 0 : i32
          %get3A_1295 = arith.constant 0 : i32
          %get3A_1296 = tpu.memref_slice %arg25[%rem3A_371, %get3A_1294, %get3A_1295] : memref<2x32x128xf32, #tpu.memory_space<vmem>> -> memref<1x32x128xf32, #tpu.memory_space<vmem>>
          %get3A_1297 = tpu.memref_squeeze %get3A_1296 : memref<1x32x128xf32, #tpu.memory_space<vmem>> -> memref<32x128xf32, #tpu.memory_space<vmem>>
          %get3A_1298 = arith.index_cast %add3A_571 : i32 to index
          %get3A_1299 = arith.constant 112 : index
          %get3A_1300 = tpu.vector_load %get3A_1297[%get3A_1298, %get3A_1299] {strides = array<i32>} : memref<32x128xf32, #tpu.memory_space<vmem>>, vector<1x16xf32>,
          %get3A_1301 = vector.shape_cast %get3A_1300 : vector<1x16xf32> to vector<16xf32>
          %mul3A_1302 = arith.mulf %get3A_1293, %get3A_1301 : vector<16xf32>
          %add3A_1303 = arith.addf %add3A_1267, %mul3A_1302 : vector<16xf32>
          %get3A_1304 = arith.constant 0 : i32
          %get3A_1305 = arith.constant 0 : i32
          %get3A_1306 = tpu.memref_slice %arg20[%rem3A_371, %get3A_1304, %get3A_1305] : memref<2x32x768xf32, #tpu.memory_space<vmem>> -> memref<1x32x768xf32, #tpu.memory_space<vmem>>
          %get3A_1307 = tpu.memref_squeeze %get3A_1306 : memref<1x32x768xf32, #tpu.memory_space<vmem>> -> memref<32x768xf32, #tpu.memory_space<vmem>>
          %get3A_1308 = arith.index_cast %add3A_571 : i32 to index
          %get3A_1309 = arith.constant 640 : index
          %get3A_1310 = tpu.vector_load %get3A_1307[%get3A_1308, %get3A_1309] {strides = array<i32>} : memref<32x768xf32, #tpu.memory_space<vmem>>, vector<1x16xf32>,
          %get3A_1311 = vector.shape_cast %get3A_1310 : vector<1x16xf32> to vector<16xf32>
          %get3A_1312 = arith.constant 0 : i32
          %get3A_1313 = arith.constant 0 : i32
          %get3A_1314 = tpu.memref_slice %arg26[%rem3A_371, %get3A_1312, %get3A_1313] : memref<2x32x128xf32, #tpu.memory_space<vmem>> -> memref<1x32x128xf32, #tpu.memory_space<vmem>>
          %get3A_1315 = tpu.memref_squeeze %get3A_1314 : memref<1x32x128xf32, #tpu.memory_space<vmem>> -> memref<32x128xf32, #tpu.memory_space<vmem>>
          %get3A_1316 = arith.index_cast %add3A_571 : i32 to index
          %get3A_1317 = arith.constant 0 : index
          %get3A_1318 = tpu.vector_load %get3A_1315[%get3A_1316, %get3A_1317] {strides = array<i32>} : memref<32x128xf32, #tpu.memory_space<vmem>>, vector<1x16xf32>,
          %get3A_1319 = vector.shape_cast %get3A_1318 : vector<1x16xf32> to vector<16xf32>
          %mul3A_1320 = arith.mulf %get3A_1311, %get3A_1319 : vector<16xf32>
          %add3A_1321 = arith.addf %add3A_1285, %mul3A_1320 : vector<16xf32>
          %get3A_1322 = arith.constant 0 : i32
          %get3A_1323 = arith.constant 0 : i32
          %get3A_1324 = tpu.memref_slice %arg20[%rem3A_371, %get3A_1322, %get3A_1323] : memref<2x32x768xf32, #tpu.memory_space<vmem>> -> memref<1x32x768xf32, #tpu.memory_space<vmem>>
          %get3A_1325 = tpu.memref_squeeze %get3A_1324 : memref<1x32x768xf32, #tpu.memory_space<vmem>> -> memref<32x768xf32, #tpu.memory_space<vmem>>
          %get3A_1326 = arith.index_cast %add3A_571 : i32 to index
          %get3A_1327 = arith.constant 656 : index
          %get3A_1328 = tpu.vector_load %get3A_1325[%get3A_1326, %get3A_1327] {strides = array<i32>} : memref<32x768xf32, #tpu.memory_space<vmem>>, vector<1x16xf32>,
          %get3A_1329 = vector.shape_cast %get3A_1328 : vector<1x16xf32> to vector<16xf32>
          %get3A_1330 = arith.constant 0 : i32
          %get3A_1331 = arith.constant 0 : i32
          %get3A_1332 = tpu.memref_slice %arg26[%rem3A_371, %get3A_1330, %get3A_1331] : memref<2x32x128xf32, #tpu.memory_space<vmem>> -> memref<1x32x128xf32, #tpu.memory_space<vmem>>
          %get3A_1333 = tpu.memref_squeeze %get3A_1332 : memref<1x32x128xf32, #tpu.memory_space<vmem>> -> memref<32x128xf32, #tpu.memory_space<vmem>>
          %get3A_1334 = arith.index_cast %add3A_571 : i32 to index
          %get3A_1335 = arith.constant 16 : index
          %get3A_1336 = tpu.vector_load %get3A_1333[%get3A_1334, %get3A_1335] {strides = array<i32>} : memref<32x128xf32, #tpu.memory_space<vmem>>, vector<1x16xf32>,
          %get3A_1337 = vector.shape_cast %get3A_1336 : vector<1x16xf32> to vector<16xf32>
          %mul3A_1338 = arith.mulf %get3A_1329, %get3A_1337 : vector<16xf32>
          %add3A_1339 = arith.addf %add3A_1303, %mul3A_1338 : vector<16xf32>
          %get3A_1340 = arith.constant 0 : i32
          %get3A_1341 = arith.constant 0 : i32
          %get3A_1342 = tpu.memref_slice %arg20[%rem3A_371, %get3A_1340, %get3A_1341] : memref<2x32x768xf32, #tpu.memory_space<vmem>> -> memref<1x32x768xf32, #tpu.memory_space<vmem>>
          %get3A_1343 = tpu.memref_squeeze %get3A_1342 : memref<1x32x768xf32, #tpu.memory_space<vmem>> -> memref<32x768xf32, #tpu.memory_space<vmem>>
          %get3A_1344 = arith.index_cast %add3A_571 : i32 to index
          %get3A_1345 = arith.constant 672 : index
          %get3A_1346 = tpu.vector_load %get3A_1343[%get3A_1344, %get3A_1345] {strides = array<i32>} : memref<32x768xf32, #tpu.memory_space<vmem>>, vector<1x16xf32>,
          %get3A_1347 = vector.shape_cast %get3A_1346 : vector<1x16xf32> to vector<16xf32>
          %get3A_1348 = arith.constant 0 : i32
          %get3A_1349 = arith.constant 0 : i32
          %get3A_1350 = tpu.memref_slice %arg26[%rem3A_371, %get3A_1348, %get3A_1349] : memref<2x32x128xf32, #tpu.memory_space<vmem>> -> memref<1x32x128xf32, #tpu.memory_space<vmem>>
          %get3A_1351 = tpu.memref_squeeze %get3A_1350 : memref<1x32x128xf32, #tpu.memory_space<vmem>> -> memref<32x128xf32, #tpu.memory_space<vmem>>
          %get3A_1352 = arith.index_cast %add3A_571 : i32 to index
          %get3A_1353 = arith.constant 32 : index
          %get3A_1354 = tpu.vector_load %get3A_1351[%get3A_1352, %get3A_1353] {strides = array<i32>} : memref<32x128xf32, #tpu.memory_space<vmem>>, vector<1x16xf32>,
          %get3A_1355 = vector.shape_cast %get3A_1354 : vector<1x16xf32> to vector<16xf32>
          %mul3A_1356 = arith.mulf %get3A_1347, %get3A_1355 : vector<16xf32>
          %add3A_1357 = arith.addf %add3A_1321, %mul3A_1356 : vector<16xf32>
          %get3A_1358 = arith.constant 0 : i32
          %get3A_1359 = arith.constant 0 : i32
          %get3A_1360 = tpu.memref_slice %arg20[%rem3A_371, %get3A_1358, %get3A_1359] : memref<2x32x768xf32, #tpu.memory_space<vmem>> -> memref<1x32x768xf32, #tpu.memory_space<vmem>>
          %get3A_1361 = tpu.memref_squeeze %get3A_1360 : memref<1x32x768xf32, #tpu.memory_space<vmem>> -> memref<32x768xf32, #tpu.memory_space<vmem>>
          %get3A_1362 = arith.index_cast %add3A_571 : i32 to index
          %get3A_1363 = arith.constant 688 : index
          %get3A_1364 = tpu.vector_load %get3A_1361[%get3A_1362, %get3A_1363] {strides = array<i32>} : memref<32x768xf32, #tpu.memory_space<vmem>>, vector<1x16xf32>,
          %get3A_1365 = vector.shape_cast %get3A_1364 : vector<1x16xf32> to vector<16xf32>
          %get3A_1366 = arith.constant 0 : i32
          %get3A_1367 = arith.constant 0 : i32
          %get3A_1368 = tpu.memref_slice %arg26[%rem3A_371, %get3A_1366, %get3A_1367] : memref<2x32x128xf32, #tpu.memory_space<vmem>> -> memref<1x32x128xf32, #tpu.memory_space<vmem>>
          %get3A_1369 = tpu.memref_squeeze %get3A_1368 : memref<1x32x128xf32, #tpu.memory_space<vmem>> -> memref<32x128xf32, #tpu.memory_space<vmem>>
          %get3A_1370 = arith.index_cast %add3A_571 : i32 to index
          %get3A_1371 = arith.constant 48 : index
          %get3A_1372 = tpu.vector_load %get3A_1369[%get3A_1370, %get3A_1371] {strides = array<i32>} : memref<32x128xf32, #tpu.memory_space<vmem>>, vector<1x16xf32>,
          %get3A_1373 = vector.shape_cast %get3A_1372 : vector<1x16xf32> to vector<16xf32>
          %mul3A_1374 = arith.mulf %get3A_1365, %get3A_1373 : vector<16xf32>
          %add3A_1375 = arith.addf %add3A_1339, %mul3A_1374 : vector<16xf32>
          %get3A_1376 = arith.constant 0 : i32
          %get3A_1377 = arith.constant 0 : i32
          %get3A_1378 = tpu.memref_slice %arg20[%rem3A_371, %get3A_1376, %get3A_1377] : memref<2x32x768xf32, #tpu.memory_space<vmem>> -> memref<1x32x768xf32, #tpu.memory_space<vmem>>
          %get3A_1379 = tpu.memref_squeeze %get3A_1378 : memref<1x32x768xf32, #tpu.memory_space<vmem>> -> memref<32x768xf32, #tpu.memory_space<vmem>>
          %get3A_1380 = arith.index_cast %add3A_571 : i32 to index
          %get3A_1381 = arith.constant 704 : index
          %get3A_1382 = tpu.vector_load %get3A_1379[%get3A_1380, %get3A_1381] {strides = array<i32>} : memref<32x768xf32, #tpu.memory_space<vmem>>, vector<1x16xf32>,
          %get3A_1383 = vector.shape_cast %get3A_1382 : vector<1x16xf32> to vector<16xf32>
          %get3A_1384 = arith.constant 0 : i32
          %get3A_1385 = arith.constant 0 : i32
          %get3A_1386 = tpu.memref_slice %arg26[%rem3A_371, %get3A_1384, %get3A_1385] : memref<2x32x128xf32, #tpu.memory_space<vmem>> -> memref<1x32x128xf32, #tpu.memory_space<vmem>>
          %get3A_1387 = tpu.memref_squeeze %get3A_1386 : memref<1x32x128xf32, #tpu.memory_space<vmem>> -> memref<32x128xf32, #tpu.memory_space<vmem>>
          %get3A_1388 = arith.index_cast %add3A_571 : i32 to index
          %get3A_1389 = arith.constant 64 : index
          %get3A_1390 = tpu.vector_load %get3A_1387[%get3A_1388, %get3A_1389] {strides = array<i32>} : memref<32x128xf32, #tpu.memory_space<vmem>>, vector<1x16xf32>,
          %get3A_1391 = vector.shape_cast %get3A_1390 : vector<1x16xf32> to vector<16xf32>
          %mul3A_1392 = arith.mulf %get3A_1383, %get3A_1391 : vector<16xf32>
          %add3A_1393 = arith.addf %add3A_1357, %mul3A_1392 : vector<16xf32>
          %get3A_1394 = arith.constant 0 : i32
          %get3A_1395 = arith.constant 0 : i32
          %get3A_1396 = tpu.memref_slice %arg20[%rem3A_371, %get3A_1394, %get3A_1395] : memref<2x32x768xf32, #tpu.memory_space<vmem>> -> memref<1x32x768xf32, #tpu.memory_space<vmem>>
          %get3A_1397 = tpu.memref_squeeze %get3A_1396 : memref<1x32x768xf32, #tpu.memory_space<vmem>> -> memref<32x768xf32, #tpu.memory_space<vmem>>
          %get3A_1398 = arith.index_cast %add3A_571 : i32 to index
          %get3A_1399 = arith.constant 720 : index
          %get3A_1400 = tpu.vector_load %get3A_1397[%get3A_1398, %get3A_1399] {strides = array<i32>} : memref<32x768xf32, #tpu.memory_space<vmem>>, vector<1x16xf32>,
          %get3A_1401 = vector.shape_cast %get3A_1400 : vector<1x16xf32> to vector<16xf32>
          %get3A_1402 = arith.constant 0 : i32
          %get3A_1403 = arith.constant 0 : i32
          %get3A_1404 = tpu.memref_slice %arg26[%rem3A_371, %get3A_1402, %get3A_1403] : memref<2x32x128xf32, #tpu.memory_space<vmem>> -> memref<1x32x128xf32, #tpu.memory_space<vmem>>
          %get3A_1405 = tpu.memref_squeeze %get3A_1404 : memref<1x32x128xf32, #tpu.memory_space<vmem>> -> memref<32x128xf32, #tpu.memory_space<vmem>>
          %get3A_1406 = arith.index_cast %add3A_571 : i32 to index
          %get3A_1407 = arith.constant 80 : index
          %get3A_1408 = tpu.vector_load %get3A_1405[%get3A_1406, %get3A_1407] {strides = array<i32>} : memref<32x128xf32, #tpu.memory_space<vmem>>, vector<1x16xf32>,
          %get3A_1409 = vector.shape_cast %get3A_1408 : vector<1x16xf32> to vector<16xf32>
          %mul3A_1410 = arith.mulf %get3A_1401, %get3A_1409 : vector<16xf32>
          %add3A_1411 = arith.addf %add3A_1375, %mul3A_1410 : vector<16xf32>
          %get3A_1412 = arith.constant 0 : i32
          %get3A_1413 = arith.constant 0 : i32
          %get3A_1414 = tpu.memref_slice %arg20[%rem3A_371, %get3A_1412, %get3A_1413] : memref<2x32x768xf32, #tpu.memory_space<vmem>> -> memref<1x32x768xf32, #tpu.memory_space<vmem>>
          %get3A_1415 = tpu.memref_squeeze %get3A_1414 : memref<1x32x768xf32, #tpu.memory_space<vmem>> -> memref<32x768xf32, #tpu.memory_space<vmem>>
          %get3A_1416 = arith.index_cast %add3A_571 : i32 to index
          %get3A_1417 = arith.constant 736 : index
          %get3A_1418 = tpu.vector_load %get3A_1415[%get3A_1416, %get3A_1417] {strides = array<i32>} : memref<32x768xf32, #tpu.memory_space<vmem>>, vector<1x16xf32>,
          %get3A_1419 = vector.shape_cast %get3A_1418 : vector<1x16xf32> to vector<16xf32>
          %get3A_1420 = arith.constant 0 : i32
          %get3A_1421 = arith.constant 0 : i32
          %get3A_1422 = tpu.memref_slice %arg26[%rem3A_371, %get3A_1420, %get3A_1421] : memref<2x32x128xf32, #tpu.memory_space<vmem>> -> memref<1x32x128xf32, #tpu.memory_space<vmem>>
          %get3A_1423 = tpu.memref_squeeze %get3A_1422 : memref<1x32x128xf32, #tpu.memory_space<vmem>> -> memref<32x128xf32, #tpu.memory_space<vmem>>
          %get3A_1424 = arith.index_cast %add3A_571 : i32 to index
          %get3A_1425 = arith.constant 96 : index
          %get3A_1426 = tpu.vector_load %get3A_1423[%get3A_1424, %get3A_1425] {strides = array<i32>} : memref<32x128xf32, #tpu.memory_space<vmem>>, vector<1x16xf32>,
          %get3A_1427 = vector.shape_cast %get3A_1426 : vector<1x16xf32> to vector<16xf32>
          %mul3A_1428 = arith.mulf %get3A_1419, %get3A_1427 : vector<16xf32>
          %add3A_1429 = arith.addf %add3A_1393, %mul3A_1428 : vector<16xf32>
          %get3A_1430 = arith.constant 0 : i32
          %get3A_1431 = arith.constant 0 : i32
          %get3A_1432 = tpu.memref_slice %arg20[%rem3A_371, %get3A_1430, %get3A_1431] : memref<2x32x768xf32, #tpu.memory_space<vmem>> -> memref<1x32x768xf32, #tpu.memory_space<vmem>>
          %get3A_1433 = tpu.memref_squeeze %get3A_1432 : memref<1x32x768xf32, #tpu.memory_space<vmem>> -> memref<32x768xf32, #tpu.memory_space<vmem>>
          %get3A_1434 = arith.index_cast %add3A_571 : i32 to index
          %get3A_1435 = arith.constant 752 : index
          %get3A_1436 = tpu.vector_load %get3A_1433[%get3A_1434, %get3A_1435] {strides = array<i32>} : memref<32x768xf32, #tpu.memory_space<vmem>>, vector<1x16xf32>,
          %get3A_1437 = vector.shape_cast %get3A_1436 : vector<1x16xf32> to vector<16xf32>
          %get3A_1438 = arith.constant 0 : i32
          %get3A_1439 = arith.constant 0 : i32
          %get3A_1440 = tpu.memref_slice %arg26[%rem3A_371, %get3A_1438, %get3A_1439] : memref<2x32x128xf32, #tpu.memory_space<vmem>> -> memref<1x32x128xf32, #tpu.memory_space<vmem>>
          %get3A_1441 = tpu.memref_squeeze %get3A_1440 : memref<1x32x128xf32, #tpu.memory_space<vmem>> -> memref<32x128xf32, #tpu.memory_space<vmem>>
          %get3A_1442 = arith.index_cast %add3A_571 : i32 to index
          %get3A_1443 = arith.constant 112 : index
          %get3A_1444 = tpu.vector_load %get3A_1441[%get3A_1442, %get3A_1443] {strides = array<i32>} : memref<32x128xf32, #tpu.memory_space<vmem>>, vector<1x16xf32>,
          %get3A_1445 = vector.shape_cast %get3A_1444 : vector<1x16xf32> to vector<16xf32>
          %mul3A_1446 = arith.mulf %get3A_1437, %get3A_1445 : vector<16xf32>
          %add3A_1447 = arith.addf %add3A_1411, %mul3A_1446 : vector<16xf32>
          %add3A_1448 = arith.addf %add3A_1429, %add3A_1447 : vector<16xf32>
          %max3A = arith.constant 0.000000e+00 : f32
          %max3A_1449 = vector.broadcast %max3A : f32 to vector<16xf32>
          %max3A_1450 = arith.maximumf %add3A_1448, %max3A_1449 : vector<16xf32>
          %xor3A = arith.constant 8 : i32
          %xor3A_1451 = vector.broadcast %xor3A : i32 to vector<16xi32>
          %xor3A_1452 = arith.xori %iota3A, %xor3A_1451 : vector<16xi32>
          %lt3A = arith.constant 0 : i32
          %lt3A_1453 = vector.broadcast %lt3A : i32 to vector<16xi32>
          %lt3A_1454 = arith.cmpi slt, %xor3A_1452, %lt3A_1453 : vector<16xi32>
          %add3A_1455 = arith.constant 16 : i32
          %add3A_1456 = vector.broadcast %add3A_1455 : i32 to vector<16xi32>
          %add3A_1457 = arith.addi %xor3A_1452, %add3A_1456 : vector<16xi32>
          %select_n3A = arith.select %lt3A_1454, %add3A_1457, %xor3A_1452 : vector<16xi1>, vector<16xi32>
          %broadcast_in_dim3A_1458 = vector.shape_cast %select_n3A : vector<16xi32> to vector<16x1xi32>
          %gather3A = vector.shape_cast %broadcast_in_dim3A_1458 : vector<16x1xi32> to vector<16xi32>
          %gather3A_1459 = tpu.dynamic_gather %max3A_1450[%gather3A] in [0] : vector<16xf32>, vector<16xi32> -> vector<16xf32>
          %add3A_1460 = arith.addf %max3A_1450, %gather3A_1459 : vector<16xf32>
          %xor3A_1461 = arith.constant 4 : i32
          %xor3A_1462 = vector.broadcast %xor3A_1461 : i32 to vector<16xi32>
          %xor3A_1463 = arith.xori %iota3A, %xor3A_1462 : vector<16xi32>
          %lt3A_1464 = arith.constant 0 : i32
          %lt3A_1465 = vector.broadcast %lt3A_1464 : i32 to vector<16xi32>
          %lt3A_1466 = arith.cmpi slt, %xor3A_1463, %lt3A_1465 : vector<16xi32>
          %add3A_1467 = arith.constant 16 : i32
          %add3A_1468 = vector.broadcast %add3A_1467 : i32 to vector<16xi32>
          %add3A_1469 = arith.addi %xor3A_1463, %add3A_1468 : vector<16xi32>
          %select_n3A_1470 = arith.select %lt3A_1466, %add3A_1469, %xor3A_1463 : vector<16xi1>, vector<16xi32>
          %broadcast_in_dim3A_1471 = vector.shape_cast %select_n3A_1470 : vector<16xi32> to vector<16x1xi32>
          %gather3A_1472 = vector.shape_cast %broadcast_in_dim3A_1471 : vector<16x1xi32> to vector<16xi32>
          %gather3A_1473 = tpu.dynamic_gather %add3A_1460[%gather3A_1472] in [0] : vector<16xf32>, vector<16xi32> -> vector<16xf32>
          %add3A_1474 = arith.addf %add3A_1460, %gather3A_1473 : vector<16xf32>
          %xor3A_1475 = arith.constant 2 : i32
          %xor3A_1476 = vector.broadcast %xor3A_1475 : i32 to vector<16xi32>
          %xor3A_1477 = arith.xori %iota3A, %xor3A_1476 : vector<16xi32>
          %lt3A_1478 = arith.constant 0 : i32
          %lt3A_1479 = vector.broadcast %lt3A_1478 : i32 to vector<16xi32>
          %lt3A_1480 = arith.cmpi slt, %xor3A_1477, %lt3A_1479 : vector<16xi32>
          %add3A_1481 = arith.constant 16 : i32
          %add3A_1482 = vector.broadcast %add3A_1481 : i32 to vector<16xi32>
          %add3A_1483 = arith.addi %xor3A_1477, %add3A_1482 : vector<16xi32>
          %select_n3A_1484 = arith.select %lt3A_1480, %add3A_1483, %xor3A_1477 : vector<16xi1>, vector<16xi32>
          %broadcast_in_dim3A_1485 = vector.shape_cast %select_n3A_1484 : vector<16xi32> to vector<16x1xi32>
          %gather3A_1486 = vector.shape_cast %broadcast_in_dim3A_1485 : vector<16x1xi32> to vector<16xi32>
          %gather3A_1487 = tpu.dynamic_gather %add3A_1474[%gather3A_1486] in [0] : vector<16xf32>, vector<16xi32> -> vector<16xf32>
          %add3A_1488 = arith.addf %add3A_1474, %gather3A_1487 : vector<16xf32>
          %xor3A_1489 = arith.constant 1 : i32
          %xor3A_1490 = vector.broadcast %xor3A_1489 : i32 to vector<16xi32>
          %xor3A_1491 = arith.xori %iota3A, %xor3A_1490 : vector<16xi32>
          %lt3A_1492 = arith.constant 0 : i32
          %lt3A_1493 = vector.broadcast %lt3A_1492 : i32 to vector<16xi32>
          %lt3A_1494 = arith.cmpi slt, %xor3A_1491, %lt3A_1493 : vector<16xi32>
          %add3A_1495 = arith.constant 16 : i32
          %add3A_1496 = vector.broadcast %add3A_1495 : i32 to vector<16xi32>
          %add3A_1497 = arith.addi %xor3A_1491, %add3A_1496 : vector<16xi32>
          %select_n3A_1498 = arith.select %lt3A_1494, %add3A_1497, %xor3A_1491 : vector<16xi1>, vector<16xi32>
          %broadcast_in_dim3A_1499 = vector.shape_cast %select_n3A_1498 : vector<16xi32> to vector<16x1xi32>
          %gather3A_1500 = vector.shape_cast %broadcast_in_dim3A_1499 : vector<16x1xi32> to vector<16xi32>
          %gather3A_1501 = tpu.dynamic_gather %add3A_1488[%gather3A_1500] in [0] : vector<16xf32>, vector<16xi32> -> vector<16xf32>
          %add3A_1502 = arith.addf %add3A_1488, %gather3A_1501 : vector<16xf32>
          %eq3A = vector.broadcast %scan3A_567 : i32 to vector<16xi32>
          %eq3A_1503 = arith.cmpi eq, %iota3A, %eq3A : vector<16xi32>
          %select_n3A_1504 = arith.select %eq3A_1503, %add3A_1502, %scan3A_568 : vector<16xi1>, vector<16xf32>
          scf.yield %select_n3A_1504 : vector<16xf32>
        }
        %scan3A_558 = arith.constant 16 : i32
        %mul3A_559 = arith.constant 32 : i32
        %mul3A_560 = arith.muli %scan3A_370, %mul3A_559 : i32
        %mul3A_561 = arith.constant 16 : i32
        %mul3A_562 = arith.muli %scan3A_551, %mul3A_561 : i32
        %add3A_563 = arith.addi %mul3A_560, %mul3A_562 : i32
        %swap3A = arith.index_cast %add3A_563 : i32 to index
        %swap3A_564 = tpu.vector_load %arg28[%swap3A] {strides = array<i32>} : memref<512xf32, #tpu.memory_space<vmem>>, vector<16xf32>,
        %swap3A_565 = vector.shape_cast %swap3A_564 : vector<16xf32> to vector<16xf32>
        %swap3A_566 = vector.shape_cast %scan3A_557 : vector<16xf32> to vector<16xf32>
        tpu.vector_store %arg28[%swap3A], %swap3A_566 {strides = array<i32>} : memref<512xf32, #tpu.memory_space<vmem>>, vector<16xf32>,
      }
      %scan3A_550 = arith.constant 2 : i32
    }
    %scan3A_278 = arith.constant 16 : i32
    %dma_wait3A_279 = arith.constant 0 : i32
    %dma_wait3A_280 = arith.constant 0 : i32
    %dma_wait3A_281 = arith.constant 0 : i32
    %dma_wait3A_282 = arith.constant 0 : i32
    %dma_wait3A_283 = tpu.memref_slice %arg20[%dma_wait3A_279, %dma_wait3A_281, %dma_wait3A_282] : memref<2x32x768xf32, #tpu.memory_space<vmem>> -> memref<1x32x768xf32, #tpu.memory_space<vmem>>
    %dma_wait3A_284 = tpu.memref_squeeze %dma_wait3A_283 : memref<1x32x768xf32, #tpu.memory_space<vmem>> -> memref<32x768xf32, #tpu.memory_space<vmem>>
    %dma_wait3A_285 = arith.constant 0 : i32
    %dma_wait3A_286 = tpu.memref_slice %arg13[%dma_wait3A_285] : memref<528xi32, #tpu.memory_space<vmem>> -> memref<32xi32, #tpu.memory_space<vmem>>
    %dma_wait3A_287 = arith.constant 0 : i32
    %dma_wait3A_288 = arith.constant 0 : i32
    %dma_wait3A_289 = tpu.memref_slice %arg10[%dma_wait3A_287, %dma_wait3A_288] : memref<1000x768xf32, #tpu.memory_space<hbm>> -> memref<1000x768xf32, #tpu.memory_space<hbm>>
    %dma_wait3A_290 = tpu.memref_slice %arg31[%dma_wait3A_280] : memref<2x!tpu.dma_semaphore, #tpu.memory_space<semaphore_mem>> -> memref<1x!tpu.dma_semaphore, #tpu.memory_space<semaphore_mem>>
    %dma_wait3A_291 = tpu.memref_squeeze %dma_wait3A_290 : memref<1x!tpu.dma_semaphore, #tpu.memory_space<semaphore_mem>> -> memref<!tpu.dma_semaphore, #tpu.memory_space<semaphore_mem>>
    tpu.wait_indirect_dma semaphore(%dma_wait3A_291 : memref<!tpu.dma_semaphore, #tpu.memory_space<semaphore_mem>>) src(%dma_wait3A_289 : memref<1000x768xf32, #tpu.memory_space<hbm>>) dst(%dma_wait3A_284 : memref<32x768xf32, #tpu.memory_space<vmem>>)
    %dma_wait3A_292 = arith.constant 0 : i32
    %dma_wait3A_293 = arith.constant 0 : i32
    %dma_wait3A_294 = arith.constant 0 : i32
    %dma_wait3A_295 = arith.constant 0 : i32
    %dma_wait3A_296 = tpu.memref_slice %arg21[%dma_wait3A_292, %dma_wait3A_294, %dma_wait3A_295] : memref<2x32x128xf32, #tpu.memory_space<vmem>> -> memref<1x32x128xf32, #tpu.memory_space<vmem>>
    %dma_wait3A_297 = tpu.memref_squeeze %dma_wait3A_296 : memref<1x32x128xf32, #tpu.memory_space<vmem>> -> memref<32x128xf32, #tpu.memory_space<vmem>>
    %dma_wait3A_298 = arith.constant 0 : i32
    %dma_wait3A_299 = tpu.memref_slice %arg14[%dma_wait3A_298] : memref<512xi32, #tpu.memory_space<vmem>> -> memref<32xi32, #tpu.memory_space<vmem>>
    %dma_wait3A_300 = arith.constant 0 : i32
    %dma_wait3A_301 = arith.constant 0 : i32
    %dma_wait3A_302 = tpu.memref_slice %arg9[%dma_wait3A_300, %dma_wait3A_301] : memref<1000000x128xf32, #tpu.memory_space<hbm>> -> memref<1000000x128xf32, #tpu.memory_space<hbm>>
    %dma_wait3A_303 = tpu.memref_slice %arg31[%dma_wait3A_293] : memref<2x!tpu.dma_semaphore, #tpu.memory_space<semaphore_mem>> -> memref<1x!tpu.dma_semaphore, #tpu.memory_space<semaphore_mem>>
    %dma_wait3A_304 = tpu.memref_squeeze %dma_wait3A_303 : memref<1x!tpu.dma_semaphore, #tpu.memory_space<semaphore_mem>> -> memref<!tpu.dma_semaphore, #tpu.memory_space<semaphore_mem>>
    tpu.wait_indirect_dma semaphore(%dma_wait3A_304 : memref<!tpu.dma_semaphore, #tpu.memory_space<semaphore_mem>>) src(%dma_wait3A_302 : memref<1000000x128xf32, #tpu.memory_space<hbm>>) dst(%dma_wait3A_297 : memref<32x128xf32, #tpu.memory_space<vmem>>)
    %dma_wait3A_305 = arith.constant 0 : i32
    %dma_wait3A_306 = arith.constant 0 : i32
    %dma_wait3A_307 = arith.constant 0 : i32
    %dma_wait3A_308 = arith.constant 0 : i32
    %dma_wait3A_309 = tpu.memref_slice %arg22[%dma_wait3A_305, %dma_wait3A_307, %dma_wait3A_308] : memref<2x32x128xf32, #tpu.memory_space<vmem>> -> memref<1x32x128xf32, #tpu.memory_space<vmem>>
    %dma_wait3A_310 = tpu.memref_squeeze %dma_wait3A_309 : memref<1x32x128xf32, #tpu.memory_space<vmem>> -> memref<32x128xf32, #tpu.memory_space<vmem>>
    %dma_wait3A_311 = arith.constant 0 : i32
    %dma_wait3A_312 = tpu.memref_slice %arg15[%dma_wait3A_311] : memref<512xi32, #tpu.memory_space<vmem>> -> memref<32xi32, #tpu.memory_space<vmem>>
    %dma_wait3A_313 = arith.constant 0 : i32
    %dma_wait3A_314 = arith.constant 0 : i32
    %dma_wait3A_315 = tpu.memref_slice %arg9[%dma_wait3A_313, %dma_wait3A_314] : memref<1000000x128xf32, #tpu.memory_space<hbm>> -> memref<1000000x128xf32, #tpu.memory_space<hbm>>
    %dma_wait3A_316 = tpu.memref_slice %arg31[%dma_wait3A_306] : memref<2x!tpu.dma_semaphore, #tpu.memory_space<semaphore_mem>> -> memref<1x!tpu.dma_semaphore, #tpu.memory_space<semaphore_mem>>
    %dma_wait3A_317 = tpu.memref_squeeze %dma_wait3A_316 : memref<1x!tpu.dma_semaphore, #tpu.memory_space<semaphore_mem>> -> memref<!tpu.dma_semaphore, #tpu.memory_space<semaphore_mem>>
    tpu.wait_indirect_dma semaphore(%dma_wait3A_317 : memref<!tpu.dma_semaphore, #tpu.memory_space<semaphore_mem>>) src(%dma_wait3A_315 : memref<1000000x128xf32, #tpu.memory_space<hbm>>) dst(%dma_wait3A_310 : memref<32x128xf32, #tpu.memory_space<vmem>>)
    %dma_wait3A_318 = arith.constant 0 : i32
    %dma_wait3A_319 = arith.constant 0 : i32
    %dma_wait3A_320 = arith.constant 0 : i32
    %dma_wait3A_321 = arith.constant 0 : i32
    %dma_wait3A_322 = tpu.memref_slice %arg23[%dma_wait3A_318, %dma_wait3A_320, %dma_wait3A_321] : memref<2x32x128xf32, #tpu.memory_space<vmem>> -> memref<1x32x128xf32, #tpu.memory_space<vmem>>
    %dma_wait3A_323 = tpu.memref_squeeze %dma_wait3A_322 : memref<1x32x128xf32, #tpu.memory_space<vmem>> -> memref<32x128xf32, #tpu.memory_space<vmem>>
    %dma_wait3A_324 = arith.constant 0 : i32
    %dma_wait3A_325 = tpu.memref_slice %arg16[%dma_wait3A_324] : memref<512xi32, #tpu.memory_space<vmem>> -> memref<32xi32, #tpu.memory_space<vmem>>
    %dma_wait3A_326 = arith.constant 0 : i32
    %dma_wait3A_327 = arith.constant 0 : i32
    %dma_wait3A_328 = tpu.memref_slice %arg9[%dma_wait3A_326, %dma_wait3A_327] : memref<1000000x128xf32, #tpu.memory_space<hbm>> -> memref<1000000x128xf32, #tpu.memory_space<hbm>>
    %dma_wait3A_329 = tpu.memref_slice %arg31[%dma_wait3A_319] : memref<2x!tpu.dma_semaphore, #tpu.memory_space<semaphore_mem>> -> memref<1x!tpu.dma_semaphore, #tpu.memory_space<semaphore_mem>>
    %dma_wait3A_330 = tpu.memref_squeeze %dma_wait3A_329 : memref<1x!tpu.dma_semaphore, #tpu.memory_space<semaphore_mem>> -> memref<!tpu.dma_semaphore, #tpu.memory_space<semaphore_mem>>
    tpu.wait_indirect_dma semaphore(%dma_wait3A_330 : memref<!tpu.dma_semaphore, #tpu.memory_space<semaphore_mem>>) src(%dma_wait3A_328 : memref<1000000x128xf32, #tpu.memory_space<hbm>>) dst(%dma_wait3A_323 : memref<32x128xf32, #tpu.memory_space<vmem>>)
    %dma_wait3A_331 = arith.constant 0 : i32
    %dma_wait3A_332 = arith.constant 0 : i32
    %dma_wait3A_333 = arith.constant 0 : i32
    %dma_wait3A_334 = arith.constant 0 : i32
    %dma_wait3A_335 = tpu.memref_slice %arg24[%dma_wait3A_331, %dma_wait3A_333, %dma_wait3A_334] : memref<2x32x128xf32, #tpu.memory_space<vmem>> -> memref<1x32x128xf32, #tpu.memory_space<vmem>>
    %dma_wait3A_336 = tpu.memref_squeeze %dma_wait3A_335 : memref<1x32x128xf32, #tpu.memory_space<vmem>> -> memref<32x128xf32, #tpu.memory_space<vmem>>
    %dma_wait3A_337 = arith.constant 0 : i32
    %dma_wait3A_338 = tpu.memref_slice %arg17[%dma_wait3A_337] : memref<512xi32, #tpu.memory_space<vmem>> -> memref<32xi32, #tpu.memory_space<vmem>>
    %dma_wait3A_339 = arith.constant 0 : i32
    %dma_wait3A_340 = arith.constant 0 : i32
    %dma_wait3A_341 = tpu.memref_slice %arg9[%dma_wait3A_339, %dma_wait3A_340] : memref<1000000x128xf32, #tpu.memory_space<hbm>> -> memref<1000000x128xf32, #tpu.memory_space<hbm>>
    %dma_wait3A_342 = tpu.memref_slice %arg31[%dma_wait3A_332] : memref<2x!tpu.dma_semaphore, #tpu.memory_space<semaphore_mem>> -> memref<1x!tpu.dma_semaphore, #tpu.memory_space<semaphore_mem>>
    %dma_wait3A_343 = tpu.memref_squeeze %dma_wait3A_342 : memref<1x!tpu.dma_semaphore, #tpu.memory_space<semaphore_mem>> -> memref<!tpu.dma_semaphore, #tpu.memory_space<semaphore_mem>>
    tpu.wait_indirect_dma semaphore(%dma_wait3A_343 : memref<!tpu.dma_semaphore, #tpu.memory_space<semaphore_mem>>) src(%dma_wait3A_341 : memref<1000000x128xf32, #tpu.memory_space<hbm>>) dst(%dma_wait3A_336 : memref<32x128xf32, #tpu.memory_space<vmem>>)
    %dma_wait3A_344 = arith.constant 0 : i32
    %dma_wait3A_345 = arith.constant 0 : i32
    %dma_wait3A_346 = arith.constant 0 : i32
    %dma_wait3A_347 = arith.constant 0 : i32
    %dma_wait3A_348 = tpu.memref_slice %arg25[%dma_wait3A_344, %dma_wait3A_346, %dma_wait3A_347] : memref<2x32x128xf32, #tpu.memory_space<vmem>> -> memref<1x32x128xf32, #tpu.memory_space<vmem>>
    %dma_wait3A_349 = tpu.memref_squeeze %dma_wait3A_348 : memref<1x32x128xf32, #tpu.memory_space<vmem>> -> memref<32x128xf32, #tpu.memory_space<vmem>>
    %dma_wait3A_350 = arith.constant 0 : i32
    %dma_wait3A_351 = tpu.memref_slice %arg18[%dma_wait3A_350] : memref<512xi32, #tpu.memory_space<vmem>> -> memref<32xi32, #tpu.memory_space<vmem>>
    %dma_wait3A_352 = arith.constant 0 : i32
    %dma_wait3A_353 = arith.constant 0 : i32
    %dma_wait3A_354 = tpu.memref_slice %arg9[%dma_wait3A_352, %dma_wait3A_353] : memref<1000000x128xf32, #tpu.memory_space<hbm>> -> memref<1000000x128xf32, #tpu.memory_space<hbm>>
    %dma_wait3A_355 = tpu.memref_slice %arg31[%dma_wait3A_345] : memref<2x!tpu.dma_semaphore, #tpu.memory_space<semaphore_mem>> -> memref<1x!tpu.dma_semaphore, #tpu.memory_space<semaphore_mem>>
    %dma_wait3A_356 = tpu.memref_squeeze %dma_wait3A_355 : memref<1x!tpu.dma_semaphore, #tpu.memory_space<semaphore_mem>> -> memref<!tpu.dma_semaphore, #tpu.memory_space<semaphore_mem>>
    tpu.wait_indirect_dma semaphore(%dma_wait3A_356 : memref<!tpu.dma_semaphore, #tpu.memory_space<semaphore_mem>>) src(%dma_wait3A_354 : memref<1000000x128xf32, #tpu.memory_space<hbm>>) dst(%dma_wait3A_349 : memref<32x128xf32, #tpu.memory_space<vmem>>)
    %dma_wait3A_357 = arith.constant 0 : i32
    %dma_wait3A_358 = arith.constant 0 : i32
    %dma_wait3A_359 = arith.constant 0 : i32
    %dma_wait3A_360 = arith.constant 0 : i32
    %dma_wait3A_361 = tpu.memref_slice %arg26[%dma_wait3A_357, %dma_wait3A_359, %dma_wait3A_360] : memref<2x32x128xf32, #tpu.memory_space<vmem>> -> memref<1x32x128xf32, #tpu.memory_space<vmem>>
    %dma_wait3A_362 = tpu.memref_squeeze %dma_wait3A_361 : memref<1x32x128xf32, #tpu.memory_space<vmem>> -> memref<32x128xf32, #tpu.memory_space<vmem>>
    %dma_wait3A_363 = arith.constant 0 : i32
    %dma_wait3A_364 = tpu.memref_slice %arg19[%dma_wait3A_363] : memref<512xi32, #tpu.memory_space<vmem>> -> memref<32xi32, #tpu.memory_space<vmem>>
    %dma_wait3A_365 = arith.constant 0 : i32
    %dma_wait3A_366 = arith.constant 0 : i32
    %dma_wait3A_367 = tpu.memref_slice %arg9[%dma_wait3A_365, %dma_wait3A_366] : memref<1000000x128xf32, #tpu.memory_space<hbm>> -> memref<1000000x128xf32, #tpu.memory_space<hbm>>
    %dma_wait3A_368 = tpu.memref_slice %arg31[%dma_wait3A_358] : memref<2x!tpu.dma_semaphore, #tpu.memory_space<semaphore_mem>> -> memref<1x!tpu.dma_semaphore, #tpu.memory_space<semaphore_mem>>
    %dma_wait3A_369 = tpu.memref_squeeze %dma_wait3A_368 : memref<1x!tpu.dma_semaphore, #tpu.memory_space<semaphore_mem>> -> memref<!tpu.dma_semaphore, #tpu.memory_space<semaphore_mem>>
    tpu.wait_indirect_dma semaphore(%dma_wait3A_369 : memref<!tpu.dma_semaphore, #tpu.memory_space<semaphore_mem>>) src(%dma_wait3A_367 : memref<1000000x128xf32, #tpu.memory_space<hbm>>) dst(%dma_wait3A_362 : memref<32x128xf32, #tpu.memory_space<vmem>>)
    "tpu.region"() ({
      %run_scoped3A = tpu.sem_alloc : memref<!tpu.dma_semaphore, #tpu.memory_space<semaphore_mem>>
      %dma_start3A_370 = tpu.memref_slice %arg12[%mul3A_2] : memref<16384xf32, #tpu.memory_space<hbm>> -> memref<512xf32, #tpu.memory_space<hbm>>
      %dma_start3A_371 = tpu.memref_slice %arg12[%mul3A_2] : memref<16384xf32, #tpu.memory_space<hbm>> -> memref<512xf32, #tpu.memory_space<hbm>>
      tpu.enqueue_dma source(%arg28 : memref<512xf32, #tpu.memory_space<vmem>>) target(%dma_start3A_371 : memref<512xf32, #tpu.memory_space<hbm>>) target_semaphore(%run_scoped3A : memref<!tpu.dma_semaphore, #tpu.memory_space<semaphore_mem>>)
      %dma_wait3A_372 = tpu.memref_slice %arg12[%mul3A_2] : memref<16384xf32, #tpu.memory_space<hbm>> -> memref<512xf32, #tpu.memory_space<hbm>>
      %dma_wait3A_373 = tpu.memref_slice %arg12[%mul3A_2] : memref<16384xf32, #tpu.memory_space<hbm>> -> memref<512xf32, #tpu.memory_space<hbm>>
      tpu.wait_dma2 semaphore(%run_scoped3A : memref<!tpu.dma_semaphore, #tpu.memory_space<semaphore_mem>>) src(%arg28 : memref<512xf32, #tpu.memory_space<vmem>>) dst(%dma_wait3A_373 : memref<512xf32, #tpu.memory_space<hbm>>)
      tpu.yield
    }) : () -> ()
    return
  }
}

</mosaic_0001>

<sc_bundles>
// kernel: kernel.3.cloned.1.call-start
scs
__scs_entry_jumppad:
0x0: {  	(pc) =	sbr.rel $0x88, $3  }
0x1: {  	(tag) =	ssettag $0x0;
	lr =	simm.s32 $0x1  }
0x2: {  	[smem:$0x3F97] =	sst lr;
	_ =	strace $0xD0000000  }
0x3: {  	_ = 	snop  }
0x4: {  	_ = 	snop  }
0x5: {  	_ = 	snop  }
0x6: {  	_ = 	snop  }
0x7: {  	_ = 	snop  }
__scs_overlays_trampoline_lowered:
0x8: {  	[smem:$0x3FA6] =	sst s0  }
0x9: {  	[smem:$0x3FA7] =	sst s1  }
0xa: {  	[smem:$0x3FA8] =	sst s2  }
0xb: {  	[smem:$0x3FA9] =	sst s3  }
0xc: {  	[smem:$0x3FAA] =	sst s4  }
0xd: {  	[smem:$0x3FAB] =	sst s5  }
0xe: {  	[smem:$0x3FAC] =	sst s6  }
0xf: {  	[smem:$0x3FAD] =	sst s7  }
0x10: {  	[smem:$0x3FAE] =	sst s8  }
0x11: {  	[smem:$0x3FAF] =	sst s9;
	s0 =	simm.s32 @!p0 $0x0  }
0x12: {  	s1 =	sld [smem:$0x3F95];
	s0 =	simm.s32 @p0 $0x1  }
0x13: {  	[smem:$0x3FB0] =	sst s0;
	s0 =	simm.s32 @!p1 $0x0  }
0x14: {  	s2 =	sld [smem:$0x3F94];
	s0 =	simm.s32 @p1 $0x1  }
0x15: {  	[smem:$0x3FB1] =	sst s0;
	s0 =	simm.s32 @!p2 $0x0  }
0x16: {  	s3 =	sld [smem:$0x3FDB];
	s0 =	simm.s32 @p2 $0x1  }
0x17: {  	s4 =	simm.s32 $0x1BF5;
	[smem:$0x3FB3] =	sst s0  }
0x18: {  	s0 =	sld [smem:$0x3F96];
	_ =	swait.ge [sflag:s4], $0x0  }
0x19: {  	s7 =	sld [smem:$0x3F97]  }
0x1a: {  	s8 =	sadd.s32 $0xFFFFE003, lr  }
0x1b: {  	s9 =	sadd.s32 $0xFFFFFEF7, lr;
	s5 =	simm.s32 $0xFFFFFFFF;
	p2 =	slt.u32 s8, $0xFFFFF086  }
0x1c: {  	p1 =	slt.u32 s9, $0xF7A;
	s5 =	simm.s32 @!p2 $0x0  }
0x1d: {  	s5 =	simm.s32 @p1 $0x1;
	p0 =	seq.s32 s7, s2  }
0x1e: {  	s7 =	smul.u32 @!p0 $0xF7A, s2;
	p2 =	seq.s32 @!p0 s5, $0x0  }
0x1f: {  	s9 =	smul.u32 $0xF7A, s1;
	s8 =	simm.s32 @!p0 $0x1BF5;
	p2 =	por !p2, p0  }
0x20: {  	[sflag:s8] =	ssyncset.s32 @!p0 $0xFFFFF086;
	s6 =	sadd.s32 @!p0 s3, s7;
	s7 =	simm.s32 @!p0 $0x108  }
0x21: {  	s3 =	sadd.s32 s3, s9;
	s6 =	sadd.s32 @!p0 $0x88, s6;
	s7 =	simm.s32 @p2 $0x1082  }
0x22: {  	[simem:s7], [sflag:s8] =	dma.local @!p0 [hbm:s6], $0xF7A  }
0x23: {  	s9 =	sor.u32 $0xD0000000, s2;
	s6 =	simm.s32 $0x108;
	_ =	swait.ge @!p0 [sflag:s8], $0x0  }
0x24: {  	s3 =	sadd.s32 $0x88, s3;
	s6 =	simm.s32 @!p1 $0x1082;
	[sflag:s4] =	ssyncset.s32 $0xFFFFF086  }
0x25: {  	[simem:s6], [sflag:s4] =	dma.local [hbm:s3], $0xF7A  }
0x26: {  	[smem:$0x3F97] =	sst s1;
	(tag) =	ssettag s2;
	_ =	strace s9  }
0x27: {  	s1 =	sld [smem:$0x3FA7]  }
0x28: {  	s2 =	sld [smem:$0x3FA8]  }
0x29: {  	s4 =	sld [smem:$0x3FAA]  }
0x2a: {  	p0 =	seq.s32 s5, $0x0;
	s5 =	sld [smem:$0x3FAB]  }
0x2b: {  	s6 =	sld [smem:$0x3FAC]  }
0x2c: {  	s7 =	sld [smem:$0x3FAD]  }
0x2d: {  	s3 =	simm.s32 $0x108;
	s8 =	sld [smem:$0x3FAE]  }
0x2e: {  	s3 =	simm.s32 @!p0 $0x1082;
	s9 =	sld [smem:$0x3FAF]  }
0x2f: {  	lr =	sadd.s32 s0, s3;
	s0 =	sld [smem:$0x3FA6]  }
0x30: {  	s3 =	sld [smem:$0x3FA9]  }
0x31: {  	[smem:$0x3FB2] =	sst s10  }
0x32: {  	s10 =	sld [smem:$0x3FB0];
	_ =	sdelay $0x3  }
0x33: {  	p0 =	seq.s32 s10, $0x1;
	s10 =	sld [smem:$0x3FB2];
	_ =	sdelay $0x3  }
0x34: {  	[smem:$0x3FB2] =	sst s10  }
0x35: {  	s10 =	sld [smem:$0x3FB1];
	_ =	sdelay $0x3  }
0x36: {  	p1 =	seq.s32 s10, $0x1;
	s10 =	sld [smem:$0x3FB2];
	_ =	sdelay $0x3  }
0x37: {  	[smem:$0x3FB2] =	sst s10  }
0x38: {  	s10 =	sld [smem:$0x3FB3]  }
0x39: {  	_ = 	snop;
	(pc) =	sbr.ind lr, $3  }
0x3a: {  	_ = 	snop  }
0x3b: {  	_ = 	snop  }
0x3c: {  	p2 =	seq.s32 s10, $0x1;
	s10 =	sld [smem:$0x3FB2]  }
0x3d: {  	_ =	shalt  }
0x3e: {  	_ =	shalt  }
0x3f: {  	_ =	shalt  }
0x40: {  	_ =	shalt  }
0x41: {  	_ =	shalt  }
0x42: {  	_ =	shalt  }
0x43: {  	_ =	shalt  }
0x44: {  	_ =	shalt  }
0x45: {  	_ =	shalt  }
0x46: {  	_ =	shalt  }
0x47: {  	_ =	shalt  }
0x48: {  	_ =	shalt  }
0x49: {  	_ =	shalt  }
0x4a: {  	_ =	shalt  }
0x4b: {  	_ =	shalt  }
0x4c: {  	_ =	shalt  }
0x4d: {  	_ =	shalt  }
0x4e: {  	_ =	shalt  }
0x4f: {  	_ =	shalt  }
0x50: {  	_ =	shalt  }
0x51: {  	_ =	shalt  }
0x52: {  	_ =	shalt  }
0x53: {  	_ =	shalt  }
0x54: {  	_ =	shalt  }
0x55: {  	_ =	shalt  }
0x56: {  	_ =	shalt  }
0x57: {  	_ =	shalt  }
0x58: {  	_ =	shalt  }
0x59: {  	_ =	shalt  }
0x5a: {  	_ =	shalt  }
0x5b: {  	_ =	shalt  }
0x5c: {  	_ =	shalt  }
0x5d: {  	_ =	shalt  }
0x5e: {  	_ =	shalt  }
0x5f: {  	_ =	shalt  }
0x60: {  	_ =	shalt  }
0x61: {  	_ =	shalt  }
0x62: {  	_ =	shalt  }
0x63: {  	_ =	shalt  }
0x64: {  	_ =	shalt  }
0x65: {  	_ =	shalt  }
0x66: {  	_ =	shalt  }
0x67: {  	_ =	shalt  }
0x68: {  	_ =	shalt  }
0x69: {  	_ =	shalt  }
0x6a: {  	_ =	shalt  }
0x6b: {  	_ =	shalt  }
0x6c: {  	_ =	shalt  }
0x6d: {  	_ =	shalt  }
0x6e: {  	_ =	shalt  }
0x6f: {  	_ =	shalt  }
0x70: {  	_ =	shalt  }
0x71: {  	_ =	shalt  }
0x72: {  	_ =	shalt  }
0x73: {  	_ =	shalt  }
0x74: {  	_ =	shalt  }
0x75: {  	_ =	shalt  }
0x76: {  	_ =	shalt  }
0x77: {  	_ =	shalt  }
0x78: {  	_ =	shalt  }
0x79: {  	_ =	shalt  }
0x7a: {  	_ =	shalt  }
0x7b: {  	_ =	shalt  }
0x7c: {  	_ =	shalt  }
0x7d: {  	_ =	shalt  }
0x7e: {  	_ =	shalt  }
0x7f: {  	_ =	shalt  }
0x80: {  	_ =	shalt  }
0x81: {  	_ =	shalt  }
0x82: {  	_ =	shalt  }
0x83: {  	_ =	shalt  }
0x84: {  	_ =	shalt  }
0x85: {  	_ =	shalt  }
0x86: {  	_ =	shalt  }
0x87: {  	_ =	shalt  }
.Lfunc_end0:
.L_simem_size_0:
called_computation_lowered:
.L_overlay_start_0:
0x88: {  	s2 =	sld [smem:$0x3FD9]  }
0x89: {  	s3 =	sld [smem:$0x3FFE];
	_ =	sdelay $0x1  }
0x8a: {  	s1 =	srdreg.scid  }
0x8b: {  	s0 =	sand.u32 $0x1, s1  }
0x8c: {  	s17 =	sshll.u32 s0, $0xA;
	s2 =	sadd.s32 s3, s2  }
0x8d: {  	s2 =	sadd.s32 s2, s17  }
0x8e: {  	[smem:$0x3FBE] =	sst s2  }
0x8f: {  	_ = 	snop  }
0x90: {  	s2 =	sld [smem:$0x3FC9]  }
0x91: {  	s18 =	sld [smem:$0x3FC8]  }
0x92: {  	s4 =	sld [smem:$0x3FC7]  }
0x93: {  	s5 =	sld [smem:$0x3FC6]  }
0x94: {  	s6 =	sld [smem:$0x3FC5]  }
0x95: {  	s7 =	sld [smem:$0x3FC4]  }
0x96: {  	s8 =	sld [smem:$0x3FC3]  }
0x97: {  	s9 =	sld [smem:$0x3FC2]  }
0x98: {  	s10 =	sld [smem:$0x3FC1]  }
0x99: {  	s11 =	sld [smem:$0x3FD0];
	(tm) =	ssettm $0x1  }
0x9a: {  	s12 =	sld [smem:$0x3FFB];
	_ =	sdelay $0x3  }
0x9b: {  	_ =	strace s12  }
0x9c: {  	s12 =	sld [smem:$0x3FFC];
	_ =	sdelay $0x3  }
0x9d: {  	_ =	strace s12  }
0x9e: {  	s12 =	sld [smem:$0x3FFD];
	_ =	sdelay $0x3  }
0x9f: {  	_ =	strace s12  }
0xa0: {  	_ =	strace $0x8FFFFFFF  }
0xa1: {  	s19 =	sld [smem:$0x3FDB];
	_ =	sdelay $0x1  }
0xa2: {  	s13 =	simm.s32 $_scs_section_size  }
0xa3: {  	s14 =	simm.s32 $_size__tile_overlayer_lowered;
	s15 =	simm.s32 $_tile_overlayer_lowered  }
0xa4: {  	s22 =	simm.s32 $0x1BFF;
	s21 =	sshll.u32 s15, $0x1;
	s12 =	sadd.s32 s13, s19  }
0xa5: {  	s16 =	simm.s32 $0x0;
	s20 =	sshll.u32 s14, $0x1;
	s14 =	sadd.s32 s21, s12  }
0xa6: {  	[timem:s16], [sflag:s22] =	dma.local [hbm:s14], s20  }
0xa7: {  	_ =	swait.ge [sflag:s22], s20  }
0xa8: {  	s13 =	ssub.s32 $0x0, s20;
	[sflag:s22] =	ssyncset.done $0x0  }
0xa9: {  	[sflag:s22] =	ssyncadd.s32 s13;
	_ =	sdelay $0x1  }
0xaa: {  	s23 =	simm.s32 $0x1B8B  }
0xab: {  	_ =	swait.ge [sflag:s23], $0x1  }
0xac: {  	[sflag:s23] =	ssyncset.done $0x0  }
0xad: {  	s25 =	simm.s32 $0x1B8E;
	s24 =	sld [smem:$0x3FFE];
	[sflag:s23] =	ssyncadd.s32 $0xFFFFFFFF  }
0xae: {  	s26 =	simm.s32 $execute0_lowered;
	[smem:$0x3FD2] =	sst s25  }
0xaf: {  	s14 =	sshll.u32 s26, $0x1;
	_ =	strace $0x80000046;
	[dreg:$0x1] =	wrdreg $0xFFFFFFFF  }
0xb0: {  	s28 =	simm.s32 $_size_execute0_lowered;
	s12 =	sadd.s32 s12, s14;
	[dreg:$0x0] =	wrdreg $0x0  }
0xb1: {  	s14 =	sshll.u32 s28, $0x1;
	[dreg:$0x2] =	wrdreg s12  }
0xb2: {  	[dreg:$0x3] =	wrdreg s14  }
0xb3: {  	[dreg:$0x4] =	wrdreg $0xC0  }
0xb4: {  	_ =	task [dreg:s16], $0x5FFFF  }
0xb5: {  	[dreg:$0x1] =	wrdreg $0xFFFFFFFF  }
0xb6: {  	[dreg:$0x0] =	wrdreg $0x60  }
0xb7: {  	[dreg:$0x2] =	wrdreg s2  }
0xb8: {  	[dreg:$0x3] =	wrdreg s18  }
0xb9: {  	[dreg:$0x4] =	wrdreg s4  }
0xba: {  	[dreg:$0x5] =	wrdreg s5  }
0xbb: {  	[dreg:$0x6] =	wrdreg s6  }
0xbc: {  	[dreg:$0x7] =	wrdreg s7  }
0xbd: {  	[dreg:$0x8] =	wrdreg s8  }
0xbe: {  	[dreg:$0x9] =	wrdreg s9  }
0xbf: {  	[dreg:$0xa] =	wrdreg s10  }
0xc0: {  	[dreg:$0xb] =	wrdreg s24  }
0xc1: {  	[dreg:$0xc] =	wrdreg s11  }
0xc2: {  	[dreg:$0xd] =	wrdreg $0x9  }
0xc3: {  	_ =	task.clear_ibuf [dreg:s16], $0xEFFFF;
	_ =	strace $0x90000046  }
0xc4: {  	s29 =	simm.s32 $0x9;
	_ =	strace $0x80000048  }
0xc5: {  	_ =	swait.ge [sflag:s29], $0x1  }
0xc6: {  	[sflag:s29] =	ssyncadd.s32 $0xFFFFFFFF  }
0xc7: {  	_ =	strace $0x90000048  }
0xc8: {  	_ =	sfence  }
0xc9: {  	s30 =	sld [smem:$0x0];
	_ =	sdelay $0x2  }
0xca: {  	s31 =	sshll.u32 s1, $0xD;
	s1 =	sshrl.u32 s1, $0x2  }
0xcb: {  	s3 =	sand.u32 $0x4000, s31;
	s1 =	sadd.s32 s1, s30  }
0xcc: {  	s0 =	sor.u32 s3, s0;
	s1 =	sshll.u32 s1, $0x11  }
0xcd: {  	s0 =	sor.u32 s1, s0  }
0xce: {  	s0 =	sadd.s32 $0x8F2B, s0  }
0xcf: {  	[sflag:s0] =	ssyncadd.remote.s32 $0x1  }
0xd0: {  	_ =	sfence.sel $0xFFFF  }
0xd1: {  	[dreg:$0x0] =	wrdreg $0xFFFFFFFF;
	(pc) =	sbr.abs _section_cstart, $3  }
0xd2: {  	[dreg:$0x1] =	wrdreg $0xFFFFFFFF  }
0xd3: {  	_ =	task.clear_ibuf [dreg:s16], $0x2FFFF;
	_ =	strace $0x9FFFFFFF  }
0xd4: {  	(tm) =	ssettm $0x7FFFFFFF  }
0xd5: {  	_ =	shalt  }
tec
execute0_lowered:
.L_overlay_start_1:
0x0: {  	(tag) =	ssettag $0x1  }
0x1: {  	s0 =	rddreg [dreg:$0x0]  }
0x2: {  	s4 =	rddreg [dreg:$0x1]  }
0x3: {  	s5 =	rddreg [dreg:$0x2]  }
0x4: {  	s6 =	rddreg [dreg:$0x3]  }
0x5: {  	s7 =	rddreg [dreg:$0x4]  }
0x6: {  	s8 =	rddreg [dreg:$0x5]  }
0x7: {  	s9 =	rddreg [dreg:$0x6]  }
0x8: {  	s1 =	rddreg [dreg:$0x7]  }
0x9: {  	s2 =	rddreg [dreg:$0x8]  }
0xa: {  	s10 =	rddreg [dreg:$0x9]  }
0xb: {  	s11 =	rddreg [dreg:$0xa];
	s12 =	srdreg.scid  }
0xc: {  	s3 =	simm.s32 $0x0;
	s15 =	stileid.u32;
	s12 =	sand.u32 $0x1, s12  }
0xd: {  	s15 =	sshll.u32 s15, $0x7;
	s13 =	ssub.s32 $0x2, s12;
	s12 =	sshll.u32 s12, $0x6  }
0xe: {  	[smem:$0x7FF] =	sst s3;
	s10 =	sadd.s32 $0x400, s10;
	s12 =	sor.u32 s12, s15  }
0xf: {  	_ =	strace $0x80000047;
	[dreg:$0xc] =	wrdreg s10;
	s15 =	sadd.s32 s0, s12  }
0x10: {  	s16 =	sadd.s32 s4, s12;
	[dreg:$0xd] =	wrdreg s15  }
0x11: {  	v0 =	vimm.s32 $0xFEDCBA98;
	s17 =	sadd.s32 s5, s12;
	[dreg:$0xe] =	wrdreg s16  }
0x12: {  	v1 =	vimm.s32 $0x76543210;
	v3 =	vimm.s32 $0xBA98FEDC;
	v4 =	vimm.s32 $0x32107654;
	s18 =	sadd.s32 s6, s12;
	[dreg:$0xf] =	wrdreg s17  }
0x13: {  	v5 =	vimm.s32 $0xDCFE98BA;
	v6 =	vimm.s32 $0x54761032;
	v0 =	vunpack.c.l.s4.s8 v0;
	s19 =	sadd.s32 s7, s12;
	[dreg:$0x10] =	wrdreg s18  }
0x14: {  	s31 =	simm.s32 $0x20;
	v7 =	vimm.s32 $0x67452301;
	v1 =	vunpack.c.l.s4.s8 v1;
	v3 =	vunpack.c.l.s4.s8 v3;
	s21 =	sadd.s32 s8, s12;
	[dreg:$0x11] =	wrdreg s19  }
0x15: {  	v4 =	vunpack.c.l.s4.s8 v4;
	v5 =	vunpack.c.l.s4.s8 v5;
	s14 =	sshrl.u32 s13, $0x1;
	v2 =	vunpack.c.0.s8.s32 v0;
	s22 =	sadd.s32 s9, s12;
	[dreg:$0x12] =	wrdreg s21  }
0x16: {  	v6 =	vunpack.c.l.s4.s8 v6;
	v7 =	vunpack.c.l.s4.s8 v7;
	v1 =	vunpack.c.0.s8.s32 v1;
	s20 =	sor.u32 $0x4, s12;
	s30 =	sadd.s32 s11, s12;
	[dreg:$0x13] =	wrdreg s22  }
0x17: {  	v0 =	vlaneseq.u32;
	v5 =	vunpack.c.0.s8.s32 v5;
	s10 =	ssub.s32 s13, s14;
	s0 =	sadd.s32 s0, s20;
	[dreg:$0x1b] =	wrdreg s30;
	v2 =	vand.u32 $0xF, v2  }
0x18: {  	v6 =	vunpack.c.0.s8.s32 v6;
	v8 =	vshrl.u32 v0, $0x3;
	s23 =	sadd.s32 s4, s20;
	s24 =	sadd.s32 s5, s20;
	[dreg:$0x14] =	wrdreg s0;
	v59 =	vcombine.low v2, v1  }
0x19: {  	s25 =	sadd.s32 s6, s20;
	s26 =	sadd.s32 s7, s20;
	[dreg:$0x15] =	wrdreg s23;
	v2 =	vunpack.c.0.s8.s32 v3;
	v3 =	vimm.s32 $0xEFCDAB89;
	v1 =	vand.u32 $0x7, v0  }
0x1a: {  	s28 =	sadd.s32 s8, s20;
	s29 =	sadd.s32 s9, s20;
	v60 =	vcombine.low v6, v5;
	[dreg:$0x16] =	wrdreg s24;
	v0 =	vor.u32 $0x8, v0;
	v3 =	vunpack.c.l.s4.s8 v3;
	[tilespmem:$0x1FFB0] =	vst v1  }
0x1b: {  	v4 =	vunpack.c.0.s8.s32 v4;
	s20 =	sadd.s32 $0x100, s2;
	s21 =	sadd.s32 $0x200, s2;
	[dreg:$0x17] =	wrdreg s25;
	[tilespmem:$0x1FFD0] =	vst v0  }
0x1c: {  	v7 =	vunpack.c.0.s8.s32 v7;
	s4 =	simm.s32 $0x1;
	s5 =	simm.s32 $0x3;
	[dreg:$0x18] =	wrdreg s26;
	v1 =	vmul.u32 $0x8, v8;
	[tilespmem:$0x1FFF0] =	vst v60;
	v9 =	vunpack.c.0.s8.s32 v3  }
0x1d: {  	s6 =	simm.s32 $0x5;
	s7 =	simm.s32 $0x0;
	[dreg:$0x19] =	wrdreg s28;
	[tilespmem:$0x1FFE0] =	vst v59  }
0x1e: {  	vm0 =	vmmov $0xffff;
	[dreg:$0x1a] =	wrdreg s29;
	s23 =	smax.u32 s10, $0x1;
	s0 =	simm.s32 $0x2;
	v2 =	vcombine.low v4, v2;
	[tilespmem:$0x1FFC0] =	vst v1;
	v61 =	vcombine.low v7, v9  }
.LBB2_1:
0x1f: {  	s8 =	rddreg [dreg:$0xd]  }
0x20: {  	[tilespmem:s3], [sflag:$0x1] =	stream.linear.gather [hbm4b:s8+s3], $0x20, $0x38;
	[tilespmem:$0x1CF00] =	vst v63  }
0x21: {  	s13 =	rddreg [dreg:$0xe];
	s9 =	simm.s32 $0x280  }
0x22: {  	[tilespmem:s9], [sflag:$0x1] =	stream.linear.gather [hbm4b:s13+s3], $0x20, $0x38;
	[tilespmem:$0x1CF00] =	vst v63  }
0x23: {  	s14 =	rddreg [dreg:$0xf];
	s10 =	simm.s32 $0x480  }
0x24: {  	[tilespmem:s10], [sflag:$0x1] =	stream.linear.gather [hbm4b:s14+s3], $0x20, $0x38;
	[tilespmem:$0x1CF00] =	vst v63  }
0x25: {  	s15 =	rddreg [dreg:$0x10];
	s11 =	simm.s32 $0x680  }
0x26: {  	[tilespmem:s11], [sflag:$0x1] =	stream.linear.gather [hbm4b:s15+s3], $0x20, $0x38;
	[tilespmem:$0x1CF00] =	vst v63  }
0x27: {  	s16 =	rddreg [dreg:$0x11];
	s12 =	simm.s32 $0x880  }
0x28: {  	[tilespmem:s12], [sflag:$0x1] =	stream.linear.gather [hbm4b:s16+s3], $0x20, $0x38;
	[tilespmem:$0x1CF00] =	vst v63  }
0x29: {  	s17 =	rddreg [dreg:$0x12];
	s13 =	simm.s32 $0xA80  }
0x2a: {  	[tilespmem:s13], [sflag:$0x1] =	stream.linear.gather [hbm4b:s17+s3], $0x20, $0x38;
	[tilespmem:$0x1CF00] =	vst v63  }
0x2b: {  	s18 =	rddreg [dreg:$0x13];
	s14 =	simm.s32 $0xC80  }
0x2c: {  	[tilespmem:s14], [sflag:$0x1] =	stream.linear.gather [hbm4b:s18+s3], $0x20, $0x38;
	[tilespmem:$0x1CF00] =	vst v63  }
0x2d: {  	s19 =	rddreg [dreg:$0x14]  }
0x2e: {  	[tilespmem:s31], [sflag:$0x2] =	stream.linear.gather [hbm4b:s19+s3], $0x1E0, $0x38;
	[tilespmem:$0x1CF00] =	vst v63  }
0x2f: {  	s22 =	rddreg [dreg:$0x15];
	s15 =	simm.s32 $0x2A0  }
0x30: {  	[tilespmem:s15], [sflag:$0x2] =	stream.linear.gather [hbm4b:s22+s3], $0x1E0, $0x38;
	[tilespmem:$0x1CF00] =	vst v63  }
0x31: {  	s24 =	rddreg [dreg:$0x16];
	s25 =	simm.s32 $0x4A0  }
0x32: {  	[tilespmem:s25], [sflag:$0x2] =	stream.linear.gather [hbm4b:s24+s3], $0x1E0, $0x38;
	[tilespmem:$0x1CF00] =	vst v63  }
0x33: {  	s26 =	rddreg [dreg:$0x17];
	s28 =	simm.s32 $0x6A0  }
0x34: {  	[tilespmem:s28], [sflag:$0x2] =	stream.linear.gather [hbm4b:s26+s3], $0x1E0, $0x38;
	[tilespmem:$0x1CF00] =	vst v63  }
0x35: {  	s29 =	rddreg [dreg:$0x18];
	s30 =	simm.s32 $0x8A0  }
0x36: {  	[tilespmem:s30], [sflag:$0x2] =	stream.linear.gather [hbm4b:s29+s3], $0x1E0, $0x38;
	[tilespmem:$0x1CF00] =	vst v63  }
0x37: {  	s16 =	simm.s32 $0xAA0;
	s15 =	rddreg [dreg:$0x19]  }
0x38: {  	[tilespmem:s16], [sflag:$0x2] =	stream.linear.gather [hbm4b:s15+s3], $0x1E0, $0x38;
	[tilespmem:$0x1CF00] =	vst v63  }
0x39: {  	s17 =	rddreg [dreg:$0x1a];
	s18 =	simm.s32 $0xCA0  }
0x3a: {  	[tilespmem:s18], [sflag:$0x2] =	stream.linear.gather [hbm4b:s17+s3], $0x1E0, $0x38;
	[tilespmem:$0x1CF00] =	vst v63  }
0x3b: {  	s19 =	rddreg [dreg:$0xc];
	s22 =	simm.s32 $0x18E80  }
0x3c: {  	[tilespmem:s22], [sflag:$0x2] =	stream.linear.gather [hbm4b:s19+s3], $0x3E80, $0x38;
	[tilespmem:$0x1CF00] =	vst v63  }
0x3d: {  	_ =	swait.ge [sflag:s4], $0x20  }
0x3e: {  	[sflag:s4] =	ssyncset.done $0x0  }
0x3f: {  	[sflag:s4] =	ssyncadd.s32 $0xFFFFFFE0  }
0x40: {  	_ =	swait.ge [sflag:s4], $0x20  }
0x41: {  	[sflag:s4] =	ssyncset.done $0x0  }
0x42: {  	[sflag:s4] =	ssyncadd.s32 $0xFFFFFFE0  }
0x43: {  	_ =	swait.ge [sflag:s4], $0x20  }
0x44: {  	[sflag:s4] =	ssyncset.done $0x0  }
0x45: {  	[sflag:s4] =	ssyncadd.s32 $0xFFFFFFE0  }
0x46: {  	_ =	swait.ge [sflag:s4], $0x20  }
0x47: {  	[sflag:s4] =	ssyncset.done $0x0  }
0x48: {  	[sflag:s4] =	ssyncadd.s32 $0xFFFFFFE0  }
0x49: {  	_ =	swait.ge [sflag:s4], $0x20  }
0x4a: {  	[sflag:s4] =	ssyncset.done $0x0  }
0x4b: {  	[sflag:s4] =	ssyncadd.s32 $0xFFFFFFE0  }
0x4c: {  	_ =	swait.ge [sflag:s4], $0x20  }
0x4d: {  	[sflag:s4] =	ssyncset.done $0x0  }
0x4e: {  	[sflag:s4] =	ssyncadd.s32 $0xFFFFFFE0  }
0x4f: {  	_ =	swait.ge [sflag:s4], $0x20  }
0x50: {  	[sflag:s4] =	ssyncset.done $0x0  }
0x51: {  	[sflag:s4] =	ssyncadd.s32 $0xFFFFFFE0  }
0x52: {  	v8 =	vld [tilespmem:$0x0];
	_ =	sdelay $0x3  }
0x53: {  	v0 =	vld [tilespmem:$0x1FFB0]  }
0x54: {  	v9 =	vshrl.u32 v8, $0x3  }
0x55: {  	v1 =	vld [tilespmem:$0x1FFC0];
	v9 =	vmul.u32 $0x30, v9  }
0x56: {  	v8 =	vand.u32 $0x7, v8  }
0x57: {  	v8 =	vor.u32 v8, v9  }
0x58: {  	v9 =	vperm.xlane v8, v0  }
0x59: {  	v3 =	vld [tilespmem:$0x1FFD0]  }
0x5a: {  	v9 =	vadd.s32 v1, v9;
	_ =	sdelay $0x3  }
0x5b: {  	s24 =	simm.s32 $0xE80;
	v8 =	vperm.xlane v8, v3  }
0x5c: {  	[tilespmem:s24], [sflag:$0x3] =	stream.indirect_vreg.gather [hbm4b:s2+s3], $0x80, v9, vm0, $0xb8;
	[tilespmem:$0x1CF00] =	vst v63  }
0x5d: {  	s25 =	simm.s32 $0x1680;
	v8 =	vadd.s32 v1, v8  }
0x5e: {  	[tilespmem:s25], [sflag:$0x3] =	stream.indirect_vreg.gather [hbm4b:s20+s3], $0x80, v9, vm0, $0xb8;
	[tilespmem:$0x1CF00] =	vst v63  }
0x5f: {  	s26 =	simm.s32 $0x1E80  }
0x60: {  	[tilespmem:s26], [sflag:$0x3] =	stream.indirect_vreg.gather [hbm4b:s21+s3], $0x80, v9, vm0, $0xb8;
	[tilespmem:$0x1CF00] =	vst v63  }
0x61: {  	s28 =	simm.s32 $0x2680  }
0x62: {  	[tilespmem:s28], [sflag:$0x3] =	stream.indirect_vreg.gather [hbm4b:s2+s3], $0x80, v8, vm0, $0xb8;
	[tilespmem:$0x1CF00] =	vst v63  }
0x63: {  	s29 =	simm.s32 $0x2E80  }
0x64: {  	[tilespmem:s29], [sflag:$0x3] =	stream.indirect_vreg.gather [hbm4b:s20+s3], $0x80, v8, vm0, $0xb8;
	[tilespmem:$0x1CF00] =	vst v63  }
0x65: {  	s30 =	simm.s32 $0x3680  }
0x66: {  	[tilespmem:s30], [sflag:$0x3] =	stream.indirect_vreg.gather [hbm4b:s21+s3], $0x80, v8, vm0, $0xb8;
	[tilespmem:$0x1CF00] =	vst v63  }
0x67: {  	v8 =	vld [tilespmem:$0x10];
	_ =	sdelay $0x4  }
0x68: {  	v63 =	vshrl.u32 v8, $0x3  }
0x69: {  	v9 =	vmul.u32 $0x30, v63  }
0x6a: {  	v8 =	vand.u32 $0x7, v8  }
0x6b: {  	v8 =	vor.u32 v8, v9  }
0x6c: {  	v9 =	vperm.xlane v8, v0;
	_ =	sdelay $0x1  }
0x6d: {  	v9 =	vadd.s32 v1, v9;
	_ =	sdelay $0x3  }
0x6e: {  	s15 =	simm.s32 $0x3E80;
	v8 =	vperm.xlane v8, v3  }
0x6f: {  	[tilespmem:s15], [sflag:$0x3] =	stream.indirect_vreg.gather [hbm4b:s2+s3], $0x80, v9, vm0, $0xb8;
	[tilespmem:$0x1CF00] =	vst v63  }
0x70: {  	s16 =	simm.s32 $0x4680;
	v8 =	vadd.s32 v1, v8  }
0x71: {  	[tilespmem:s16], [sflag:$0x3] =	stream.indirect_vreg.gather [hbm4b:s20+s3], $0x80, v9, vm0, $0xb8;
	[tilespmem:$0x1CF00] =	vst v63  }
0x72: {  	s17 =	simm.s32 $0x4E80  }
0x73: {  	[tilespmem:s17], [sflag:$0x3] =	stream.indirect_vreg.gather [hbm4b:s21+s3], $0x80, v9, vm0, $0xb8;
	[tilespmem:$0x1CF00] =	vst v63  }
0x74: {  	s18 =	simm.s32 $0x5680  }
0x75: {  	[tilespmem:s18], [sflag:$0x3] =	stream.indirect_vreg.gather [hbm4b:s2+s3], $0x80, v8, vm0, $0xb8;
	[tilespmem:$0x1CF00] =	vst v63  }
0x76: {  	s19 =	simm.s32 $0x5E80  }
0x77: {  	[tilespmem:s19], [sflag:$0x3] =	stream.indirect_vreg.gather [hbm4b:s20+s3], $0x80, v8, vm0, $0xb8;
	[tilespmem:$0x1CF00] =	vst v63  }
0x78: {  	s22 =	simm.s32 $0x6680  }
0x79: {  	[tilespmem:s22], [sflag:$0x3] =	stream.indirect_vreg.gather [hbm4b:s21+s3], $0x80, v8, vm0, $0xb8;
	[tilespmem:$0x1CF00] =	vst v63  }
0x7a: {  	s24 =	simm.s32 $0xCE80  }
0x7b: {  	[tilespmem:s24], [sflag:$0x3] =	stream.indirect.gather [hbm4b:s1+s31], $0x80, s9, s31, $0xb8;
	[tilespmem:$0x1CF00] =	vst v63  }
0x7c: {  	s25 =	simm.s32 $0xEE80  }
0x7d: {  	[tilespmem:s25], [sflag:$0x3] =	stream.indirect.gather [hbm4b:s1+s31], $0x80, s10, s31, $0xb8;
	[tilespmem:$0x1CF00] =	vst v63  }
0x7e: {  	s26 =	simm.s32 $0x10E80  }
0x7f: {  	[tilespmem:s26], [sflag:$0x3] =	stream.indirect.gather [hbm4b:s1+s31], $0x80, s11, s31, $0xb8;
	[tilespmem:$0x1CF00] =	vst v63  }
0x80: {  	s28 =	simm.s32 $0x12E80  }
0x81: {  	[tilespmem:s28], [sflag:$0x3] =	stream.indirect.gather [hbm4b:s1+s31], $0x80, s12, s31, $0xb8;
	[tilespmem:$0x1CF00] =	vst v63  }
0x82: {  	s29 =	simm.s32 $0x14E80  }
0x83: {  	[tilespmem:s29], [sflag:$0x3] =	stream.indirect.gather [hbm4b:s1+s31], $0x80, s13, s31, $0xb8;
	[tilespmem:$0x1CF00] =	vst v63  }
0x84: {  	s30 =	simm.s32 $0x16E80  }
0x85: {  	[tilespmem:s30], [sflag:$0x3] =	stream.indirect.gather [hbm4b:s1+s31], $0x80, s14, s31, $0xb8;
	[tilespmem:$0x1CF00] =	vst v63  }
0x86: {  	_ =	swait.ge [sflag:s0], $0x1E0  }
0x87: {  	[sflag:s0] =	ssyncset.done $0x0  }
0x88: {  	[sflag:s0] =	ssyncadd.s32 $0xFFFFFE20  }
0x89: {  	_ =	swait.ge [sflag:s0], $0x1E0  }
0x8a: {  	[sflag:s0] =	ssyncset.done $0x0  }
0x8b: {  	[sflag:s0] =	ssyncadd.s32 $0xFFFFFE20  }
0x8c: {  	_ =	swait.ge [sflag:s0], $0x1E0  }
0x8d: {  	[sflag:s0] =	ssyncset.done $0x0  }
0x8e: {  	[sflag:s0] =	ssyncadd.s32 $0xFFFFFE20  }
0x8f: {  	_ =	swait.ge [sflag:s0], $0x1E0  }
0x90: {  	[sflag:s0] =	ssyncset.done $0x0  }
0x91: {  	[sflag:s0] =	ssyncadd.s32 $0xFFFFFE20  }
0x92: {  	_ =	swait.ge [sflag:s0], $0x1E0  }
0x93: {  	[sflag:s0] =	ssyncset.done $0x0  }
0x94: {  	[sflag:s0] =	ssyncadd.s32 $0xFFFFFE20  }
0x95: {  	_ =	swait.ge [sflag:s0], $0x1E0  }
0x96: {  	[sflag:s0] =	ssyncset.done $0x0  }
0x97: {  	[sflag:s0] =	ssyncadd.s32 $0xFFFFFE20  }
0x98: {  	_ =	swait.ge [sflag:s0], $0x1E0  }
0x99: {  	[sflag:s0] =	ssyncset.done $0x0  }
0x9a: {  	[sflag:s0] =	ssyncadd.s32 $0xFFFFFE20  }
0x9b: {  	_ =	swait.ge [sflag:s0], $0x3E80  }
0x9c: {  	p0 =	por $0x0, $0x0;
	[sflag:s0] =	ssyncset.done $0x0  }
0x9d: {  	s8 =	simm.s32 $0x0;
	s24 =	simm.s32 $0x0;
	[sflag:s0] =	ssyncadd.s32 $0xFFFFC180  }
.LBB2_3:
0x9e: {  	s10 =	smov.u32 s24;
	s24 =	sadd.s32 $0x1, s24  }
0x9f: {  	s9 =	sshll.u32 s24, $0x5  }
0xa0: {  	s12 =	sand.u32 $0x1E0, s9  }
0xa1: {  	v8 =	vld [tilespmem:s12+$0x0];
	_ =	sdelay $0x3  }
0xa2: {  	v0 =	vld [tilespmem:$0x1FFB0]  }
0xa3: {  	v9 =	vshrl.u32 v8, $0x3  }
0xa4: {  	v1 =	vld [tilespmem:$0x1FFC0];
	v9 =	vmul.u32 $0x30, v9  }
0xa5: {  	v8 =	vand.u32 $0x7, v8  }
0xa6: {  	v8 =	vor.u32 v8, v9  }
0xa7: {  	v9 =	vperm.xlane v8, v0  }
0xa8: {  	v3 =	vld [tilespmem:$0x1FFD0];
	s11 =	sand.u32 $0x1, s10  }
0xa9: {  	s13 =	sxor.u32 $0x1, s11;
	v9 =	vadd.s32 v1, v9  }
0xaa: {  	s18 =	smul.u32 $0x18000, s13;
	_ =	sdelay $0x1  }
0xab: {  	s14 =	sshrl.u32 s18, $0x2  }
0xac: {  	s9 =	simm.s32 $0x0;
	s16 =	sadd.s32 $0x3, s13;
	s15 =	sor.u32 $0xE80, s14;
	v8 =	vperm.xlane v8, v3  }
0xad: {  	[tilespmem:s15], [sflag:s16] =	stream.indirect_vreg.gather [hbm4b:s2+s9], $0x80, v9, vm0, $0xb8;
	[tilespmem:$0x1CF00] =	vst v63  }
0xae: {  	s19 =	sor.u32 $0x1680, s14;
	v8 =	vadd.s32 v1, v8  }
0xaf: {  	[tilespmem:s19], [sflag:s16] =	stream.indirect_vreg.gather [hbm4b:s20+s9], $0x80, v9, vm0, $0xb8;
	[tilespmem:$0x1CF00] =	vst v63  }
0xb0: {  	s22 =	sor.u32 $0x1E80, s14  }
0xb1: {  	[tilespmem:s22], [sflag:s16] =	stream.indirect_vreg.gather [hbm4b:s21+s9], $0x80, v9, vm0, $0xb8;
	[tilespmem:$0x1CF00] =	vst v63  }
0xb2: {  	s25 =	sadd.s32 $0x2680, s14  }
0xb3: {  	[tilespmem:s25], [sflag:s16] =	stream.indirect_vreg.gather [hbm4b:s2+s9], $0x80, v8, vm0, $0xb8;
	[tilespmem:$0x1CF00] =	vst v63  }
0xb4: {  	s26 =	sadd.s32 $0x2E80, s14  }
0xb5: {  	[tilespmem:s26], [sflag:s16] =	stream.indirect_vreg.gather [hbm4b:s20+s9], $0x80, v8, vm0, $0xb8;
	[tilespmem:$0x1CF00] =	vst v63  }
0xb6: {  	s29 =	sadd.s32 $0x3680, s14  }
0xb7: {  	[tilespmem:s29], [sflag:s16] =	stream.indirect_vreg.gather [hbm4b:s21+s9], $0x80, v8, vm0, $0xb8;
	[tilespmem:$0x1CF00] =	vst v63  }
0xb8: {  	v8 =	vld [tilespmem:s12+$0x10];
	_ =	sdelay $0x4  }
0xb9: {  	v63 =	vshrl.u32 v8, $0x3  }
0xba: {  	v9 =	vmul.u32 $0x30, v63  }
0xbb: {  	v8 =	vand.u32 $0x7, v8  }
0xbc: {  	v8 =	vor.u32 v8, v9  }
0xbd: {  	v9 =	vperm.xlane v8, v0;
	_ =	sdelay $0x1  }
0xbe: {  	v9 =	vadd.s32 v1, v9;
	_ =	sdelay $0x3  }
0xbf: {  	s30 =	sadd.s32 $0x3E80, s14;
	v8 =	vperm.xlane v8, v3  }
0xc0: {  	[tilespmem:s30], [sflag:s16] =	stream.indirect_vreg.gather [hbm4b:s2+s9], $0x80, v9, vm0, $0xb8;
	[tilespmem:$0x1CF00] =	vst v63  }
0xc1: {  	s17 =	sadd.s32 $0x4680, s14;
	v8 =	vadd.s32 v1, v8  }
0xc2: {  	[tilespmem:s17], [sflag:s16] =	stream.indirect_vreg.gather [hbm4b:s20+s9], $0x80, v9, vm0, $0xb8;
	[tilespmem:$0x1CF00] =	vst v63  }
0xc3: {  	s18 =	sadd.s32 $0x4E80, s14  }
0xc4: {  	[tilespmem:s18], [sflag:s16] =	stream.indirect_vreg.gather [hbm4b:s21+s9], $0x80, v9, vm0, $0xb8;
	[tilespmem:$0x1CF00] =	vst v63  }
0xc5: {  	s19 =	sadd.s32 $0x5680, s14  }
0xc6: {  	[tilespmem:s19], [sflag:s16] =	stream.indirect_vreg.gather [hbm4b:s2+s9], $0x80, v8, vm0, $0xb8;
	[tilespmem:$0x1CF00] =	vst v63  }
0xc7: {  	s22 =	sadd.s32 $0x5E80, s14  }
0xc8: {  	[tilespmem:s22], [sflag:s16] =	stream.indirect_vreg.gather [hbm4b:s20+s9], $0x80, v8, vm0, $0xb8;
	[tilespmem:$0x1CF00] =	vst v63  }
0xc9: {  	s13 =	sshll.u32 s13, $0xC;
	s14 =	sadd.s32 $0x6680, s14  }
0xca: {  	[tilespmem:s14], [sflag:s16] =	stream.indirect_vreg.gather [hbm4b:s21+s9], $0x80, v8, vm0, $0xb8;
	[tilespmem:$0x1CF00] =	vst v63  }
0xcb: {  	s25 =	sor.u32 $0xCE80, s13;
	s26 =	sadd.s32 $0x280, s12  }
0xcc: {  	[tilespmem:s25], [sflag:s16] =	stream.indirect.gather [hbm4b:s1+s31], $0x80, s26, s31, $0xb8;
	[tilespmem:$0x1CF00] =	vst v63  }
0xcd: {  	s29 =	sor.u32 $0xEE80, s13;
	s30 =	sadd.s32 $0x480, s12  }
0xce: {  	[tilespmem:s29], [sflag:s16] =	stream.indirect.gather [hbm4b:s1+s31], $0x80, s30, s31, $0xb8;
	[tilespmem:$0x1CF00] =	vst v63  }
0xcf: {  	s15 =	sor.u32 $0x10E80, s13;
	s17 =	sadd.s32 $0x680, s12  }
0xd0: {  	[tilespmem:s15], [sflag:s16] =	stream.indirect.gather [hbm4b:s1+s31], $0x80, s17, s31, $0xb8;
	[tilespmem:$0x1CF00] =	vst v63  }
0xd1: {  	s18 =	sor.u32 $0x12E80, s13;
	s19 =	sadd.s32 $0x880, s12  }
0xd2: {  	[tilespmem:s18], [sflag:s16] =	stream.indirect.gather [hbm4b:s1+s31], $0x80, s19, s31, $0xb8;
	[tilespmem:$0x1CF00] =	vst v63  }
0xd3: {  	s22 =	sor.u32 $0x14E80, s13;
	s25 =	sadd.s32 $0xA80, s12  }
0xd4: {  	[tilespmem:s22], [sflag:s16] =	stream.indirect.gather [hbm4b:s1+s31], $0x80, s25, s31, $0xb8;
	[tilespmem:$0x1CF00] =	vst v63  }
0xd5: {  	s13 =	sor.u32 $0x16E80, s13;
	s12 =	sadd.s32 $0xC80, s12;
	s26 =	sadd.s32 $0x3, s11  }
0xd6: {  	[tilespmem:s13], [sflag:s16] =	stream.indirect.gather [hbm4b:s1+s31], $0x80, s12, s31, $0xb8;
	[tilespmem:$0x1CF00] =	vst v63  }
0xd7: {  	_ =	swait.ge [sflag:s26], $0x6000  }
0xd8: {  	[sflag:s26] =	ssyncset.done $0x0  }
0xd9: {  	[sflag:s26] =	ssyncadd.s32 $0xFFFFA000  }
0xda: {  	_ =	swait.ge [sflag:s26], $0x1000  }
0xdb: {  	[sflag:s26] =	ssyncset.done $0x0  }
0xdc: {  	[sflag:s26] =	ssyncadd.s32 $0xFFFFF000  }
0xdd: {  	_ =	swait.ge [sflag:s26], $0x1000  }
0xde: {  	[sflag:s26] =	ssyncset.done $0x0  }
0xdf: {  	[sflag:s26] =	ssyncadd.s32 $0xFFFFF000  }
0xe0: {  	_ =	swait.ge [sflag:s26], $0x1000  }
0xe1: {  	[sflag:s26] =	ssyncset.done $0x0  }
0xe2: {  	[sflag:s26] =	ssyncadd.s32 $0xFFFFF000  }
0xe3: {  	p2 =	por $0x1, $0x1;
	_ =	swait.ge [sflag:s26], $0x1000  }
0xe4: {  	s10 =	sshll.u32 s10, $0x5;
	s11 =	smul.u32 $0x18000, s11;
	[sflag:s26] =	ssyncset.done $0x0  }
0xe5: {  	s10 =	sand.u32 $0x3FFFFFE0, s10;
	s14 =	simm.s32 $0x0;
	[sflag:s26] =	ssyncadd.s32 $0xFFFFF000  }
0xe6: {  	s11 =	sshrl.u32 s11, $0x2;
	s13 =	simm.s32 $0x1;
	_ =	swait.ge [sflag:s26], $0x1000  }
0xe7: {  	s30 =	sadd.s32 $0x1CD00, s10;
	s13 =	simm.s32 @!p0 $0x0;
	[sflag:s26] =	ssyncset.done $0x0  }
0xe8: {  	s25 =	sor.u32 $0xE80, s11;
	s29 =	sshll.u32 s13, $0xC;
	[sflag:s26] =	ssyncadd.s32 $0xFFFFF000  }
0xe9: {  	s10 =	sor.u32 $0x10EC0, s29;
	s11 =	sor.u32 $0x12EF0, s29;
	_ =	swait.ge [sflag:s26], $0x1000  }
0xea: {  	v0 =	vmov s30;
	s12 =	sor.u32 $0x14EF0, s29;
	s13 =	sor.u32 $0xEEC0, s29;
	[sflag:s26] =	ssyncset.done $0x0  }
0xeb: {  	s28 =	sor.u32 $0xCEC0, s29;
	[tilespmem:$0x1FFA0] =	vst v0;
	[sflag:s26] =	ssyncadd.s32 $0xFFFFF000;
	s26 =	sor.u32 $0x16EF0, s29  }
.LBB2_4:
0xec: {  	s15 =	sshll.u32 s14, $0xB  }
0xed: {  	s16 =	sand.u32 $0x3FFFF800, s15  }
0xee: {  	s15 =	sadd.s32 s16, s26  }
0xef: {  	v9 =	vmov s15  }
0xf0: {  	s29 =	sshll.u32 s14, $0x4  }
0xf1: {  	s14 =	sand.u32 $0x3FFFFFF0, s29  }
0xf2: {  	s15 =	sadd.s32 s14, s8  }
0xf3: {  	s17 =	simm.s32 $0x0;
	v12 =	vld [tilespmem:s15+$0x0]  }
0xf4: {  	v0 =	vld.idx.msk [tilespmem:v9+s17+$0xFFFFFFF0 ss:$0x1], $0xffff  }
0xf5: {  	v7 =	vld.idx.msk [tilespmem:v9+s17+$0x0 ss:$0x1], $0xffff  }
0xf6: {  	s18 =	sadd.s32 s16, s12;
	v57 =	vld.idx.msk [tilespmem:v9+s17+$0xFFFFFFD0 ss:$0x1], $0xffff  }
0xf7: {  	v10 =	vmov s18;
	v58 =	vld.idx.msk [tilespmem:v9+s17+$0xFFFFFFE0 ss:$0x1], $0xffff  }
0xf8: {  	v22 =	vld.idx.msk [tilespmem:v9+s17+$0xFFFFFFB0 ss:$0x1], $0xffff  }
0xf9: {  	v59 =	vld.idx.msk [tilespmem:v9+s17+$0xFFFFFFC0 ss:$0x1], $0xffff  }
0xfa: {  	v20 =	vld.idx.msk [tilespmem:v9+s17+$0xFFFFFF90 ss:$0x1], $0xffff  }
0xfb: {  	v21 =	vld.idx.msk [tilespmem:v9+s17+$0xFFFFFFA0 ss:$0x1], $0xffff  }
0xfc: {  	v24 =	vld.idx.msk [tilespmem:v10+s17+$0xFFFFFFF0 ss:$0x1], $0xffff  }
0xfd: {  	v23 =	vld.idx.msk [tilespmem:v10+s17+$0x0 ss:$0x1], $0xffff  }
0xfe: {  	s19 =	sadd.s32 s16, s11;
	v26 =	vld.idx.msk [tilespmem:v10+s17+$0xFFFFFFD0 ss:$0x1], $0xffff  }
0xff: {  	v11 =	vmov s19;
	v25 =	vld.idx.msk [tilespmem:v10+s17+$0xFFFFFFE0 ss:$0x1], $0xffff  }
0x100: {  	v28 =	vld.idx.msk [tilespmem:v10+s17+$0xFFFFFFB0 ss:$0x1], $0xffff  }
0x101: {  	v27 =	vld.idx.msk [tilespmem:v10+s17+$0xFFFFFFC0 ss:$0x1], $0xffff  }
0x102: {  	v30 =	vld.idx.msk [tilespmem:v10+s17+$0xFFFFFF90 ss:$0x1], $0xffff  }
0x103: {  	v29 =	vld.idx.msk [tilespmem:v10+s17+$0xFFFFFFA0 ss:$0x1], $0xffff  }
0x104: {  	v32 =	vld.idx.msk [tilespmem:v11+s17+$0xFFFFFFF0 ss:$0x1], $0xffff  }
0x105: {  	v31 =	vld.idx.msk [tilespmem:v11+s17+$0x0 ss:$0x1], $0xffff  }
0x106: {  	s22 =	sadd.s32 s16, s10;
	v34 =	vld.idx.msk [tilespmem:v11+s17+$0xFFFFFFD0 ss:$0x1], $0xffff  }
0x107: {  	v13 =	vmov s22;
	v33 =	vld.idx.msk [tilespmem:v11+s17+$0xFFFFFFE0 ss:$0x1], $0xffff  }
0x108: {  	v36 =	vld.idx.msk [tilespmem:v11+s17+$0xFFFFFFB0 ss:$0x1], $0xffff  }
0x109: {  	v35 =	vld.idx.msk [tilespmem:v11+s17+$0xFFFFFFC0 ss:$0x1], $0xffff  }
0x10a: {  	v37 =	vld.idx.msk [tilespmem:v11+s17+$0xFFFFFF90 ss:$0x1], $0xffff  }
0x10b: {  	v38 =	vld.idx.msk [tilespmem:v11+s17+$0xFFFFFFA0 ss:$0x1], $0xffff  }
0x10c: {  	v39 =	vld.idx.msk [tilespmem:v13+s17+$0x20 ss:$0x1], $0xffff  }
0x10d: {  	v40 =	vld.idx.msk [tilespmem:v13+s17+$0x30 ss:$0x1], $0xffff  }
0x10e: {  	s18 =	sadd.s32 s16, s13;
	v41 =	vld.idx.msk [tilespmem:v13+s17+$0x0 ss:$0x1], $0xffff  }
0x10f: {  	v14 =	vmov s18;
	v42 =	vld.idx.msk [tilespmem:v13+s17+$0x10 ss:$0x1], $0xffff  }
0x110: {  	v43 =	vld.idx.msk [tilespmem:v13+s17+$0xFFFFFFE0 ss:$0x1], $0xffff  }
0x111: {  	v44 =	vld.idx.msk [tilespmem:v13+s17+$0xFFFFFFF0 ss:$0x1], $0xffff  }
0x112: {  	v45 =	vld.idx.msk [tilespmem:v13+s17+$0xFFFFFFC0 ss:$0x1], $0xffff  }
0x113: {  	v46 =	vld.idx.msk [tilespmem:v13+s17+$0xFFFFFFD0 ss:$0x1], $0xffff  }
0x114: {  	v47 =	vld.idx.msk [tilespmem:v14+s17+$0x20 ss:$0x1], $0xffff  }
0x115: {  	v48 =	vld.idx.msk [tilespmem:v14+s17+$0x30 ss:$0x1], $0xffff  }
0x116: {  	s16 =	sadd.s32 s16, s28;
	v49 =	vld.idx.msk [tilespmem:v14+s17+$0x0 ss:$0x1], $0xffff  }
0x117: {  	(v2sf) =	vpush v12, $0x0;
	v12 =	vmov s16;
	v50 =	vld.idx.msk [tilespmem:v14+s17+$0x10 ss:$0x1], $0xffff  }
0x118: {  	v51 =	vld.idx.msk [tilespmem:v14+s17+$0xFFFFFFE0 ss:$0x1], $0xffff  }
0x119: {  	v52 =	vld.idx.msk [tilespmem:v14+s17+$0xFFFFFFF0 ss:$0x1], $0xffff  }
0x11a: {  	v53 =	vld.idx.msk [tilespmem:v14+s17+$0xFFFFFFC0 ss:$0x1], $0xffff  }
0x11b: {  	v54 =	vld.idx.msk [tilespmem:v14+s17+$0xFFFFFFD0 ss:$0x1], $0xffff  }
0x11c: {  	v55 =	vld.idx.msk [tilespmem:v12+s17+$0x20 ss:$0x1], $0xffff  }
0x11d: {  	s19 =	sadd.s32 $0x0, s29;
	v56 =	vld.idx.msk [tilespmem:v12+s17+$0x30 ss:$0x1], $0xffff  }
0x11e: {  	s16 =	sshrl.u32 s19, $0x3;
	[tilespmem:$0x1FF70] =	vst v57;
	v57 =	vld.idx.msk [tilespmem:v12+s17+$0x0 ss:$0x1], $0xffff  }
0x11f: {  	s16 =	smul.u32 $0x6000, s16;
	[tilespmem:$0x1FF80] =	vst v58;
	v58 =	vld.idx.msk [tilespmem:v12+s17+$0x10 ss:$0x1], $0xffff  }
0x120: {  	[tilespmem:$0x1FF60] =	vst v59;
	v59 =	vld.idx.msk [tilespmem:v12+s17+$0xFFFFFFE0 ss:$0x1], $0xffff  }
0x121: {  	s16 =	sshra.s32 s16, $0x2;
	v60 =	vld.idx.msk [tilespmem:v12+s17+$0xFFFFFFF0 ss:$0x1], $0xffff  }
0x122: {  	v5 =	vmov v61;
	s18 =	sand.u32 $0x380, s9;
	s16 =	sadd.s32 s16, s25;
	v61 =	vld.idx.msk [tilespmem:v12+s17+$0xFFFFFFC0 ss:$0x1], $0xffff  }
0x123: {  	s16 =	sadd.s32 s18, s16;
	v62 =	vld.idx.msk [tilespmem:v12+s17+$0xFFFFFFD0 ss:$0x1], $0xffff  }
0x124: {  	v6 =	vld [tilespmem:s16+$0x10]  }
0x125: {  	v63 =	vld [tilespmem:s16+$0x20]  }
0x126: {  	v4 =	vld [tilespmem:s16+$0x30];
	s22 =	spop (v2sf)  }
0x127: {  	v3 =	vld [tilespmem:s16+$0x0];
	s17 =	sshll.u32 s22, $0x6  }
0x128: {  	v16 =	vld [tilespmem:s16+$0x50];
	s17 =	sshra.s32 s17, $0x2  }
0x129: {  	v6 =	vmul.f32 v62, v6;
	v8 =	vld [tilespmem:s17+$0x18E80]  }
0x12a: {  	v18 =	vld [tilespmem:s16+$0x70]  }
0x12b: {  	v15 =	vld [tilespmem:s16+$0x40];
	v4 =	vmul.f32 v60, v4;
	v6 =	vadd.f32 $0.0e+00, v6  }
0x12c: {  	v3 =	vmul.f32 v61, v3;
	v61 =	vld [tilespmem:s16+$0x410]  }
0x12d: {  	v17 =	vld [tilespmem:s16+$0x60];
	v4 =	vadd.f32 v4, v6;
	v6 =	vmul.f32 v58, v16  }
0x12e: {  	v59 =	vmul.f32 v59, v63;
	v3 =	vadd.f32 v3, v8;
	v8 =	vld [tilespmem:s16+$0x430]  }
0x12f: {  	v4 =	vadd.f32 v6, v4;
	v6 =	vmul.f32 v56, v18  }
0x130: {  	v15 =	vmul.f32 v57, v15;
	v16 =	vld [tilespmem:s16+$0x450];
	v3 =	vadd.f32 v59, v3  }
0x131: {  	v4 =	vadd.f32 v6, v4;
	v6 =	vmul.f32 v54, v61  }
0x132: {  	v17 =	vmul.f32 v55, v17;
	v3 =	vadd.f32 v15, v3;
	v15 =	vld [tilespmem:s16+$0x470]  }
0x133: {  	v4 =	vadd.f32 v6, v4;
	v6 =	vmul.f32 v52, v8  }
0x134: {  	v3 =	vadd.f32 v17, v3;
	v17 =	vld [tilespmem:s16+$0x810]  }
0x135: {  	v19 =	vld [tilespmem:s16+$0x400];
	v4 =	vadd.f32 v6, v4;
	v6 =	vmul.f32 v50, v16  }
0x136: {  	v8 =	vld [tilespmem:s16+$0x830]  }
0x137: {  	v62 =	vld [tilespmem:s16+$0x420];
	v4 =	vadd.f32 v6, v4;
	v6 =	vmul.f32 v48, v15  }
0x138: {  	v16 =	vld [tilespmem:s16+$0x850]  }
0x139: {  	v57 =	vld [tilespmem:s16+$0x440];
	v4 =	vadd.f32 v6, v4;
	v6 =	vmul.f32 v46, v17  }
0x13a: {  	v15 =	vld [tilespmem:s16+$0x870]  }
0x13b: {  	v60 =	vld [tilespmem:s16+$0x460];
	v18 =	vmul.f32 v53, v19;
	v4 =	vadd.f32 v6, v4;
	v6 =	vmul.f32 v44, v8  }
0x13c: {  	v51 =	vmul.f32 v51, v62;
	v17 =	vld [tilespmem:s16+$0xC10]  }
0x13d: {  	v19 =	vld [tilespmem:s16+$0x800];
	v3 =	vadd.f32 v18, v3;
	v4 =	vadd.f32 v6, v4;
	v6 =	vmul.f32 v42, v16  }
0x13e: {  	v18 =	vmul.f32 v49, v57;
	v8 =	vld [tilespmem:s16+$0xC30]  }
0x13f: {  	v63 =	vld [tilespmem:s16+$0x820];
	v3 =	vadd.f32 v51, v3;
	v4 =	vadd.f32 v6, v4;
	v6 =	vmul.f32 v40, v15  }
0x140: {  	v47 =	vmul.f32 v47, v60;
	v16 =	vld [tilespmem:s16+$0xC50]  }
0x141: {  	v56 =	vld [tilespmem:s16+$0x840];
	v3 =	vadd.f32 v18, v3;
	v4 =	vadd.f32 v6, v4;
	v6 =	vmul.f32 v38, v17  }
0x142: {  	v18 =	vmul.f32 v45, v19;
	v15 =	vld [tilespmem:s16+$0xC70]  }
0x143: {  	v57 =	vld [tilespmem:s16+$0x860];
	v3 =	vadd.f32 v47, v3;
	v4 =	vadd.f32 v6, v4;
	v6 =	vmul.f32 v35, v8  }
0x144: {  	v43 =	vmul.f32 v43, v63;
	v17 =	vld [tilespmem:s16+$0x1010]  }
0x145: {  	v19 =	vld [tilespmem:s16+$0xC00];
	v3 =	vadd.f32 v18, v3;
	v4 =	vadd.f32 v6, v4;
	v6 =	vmul.f32 v33, v16  }
0x146: {  	v18 =	vmul.f32 v41, v56;
	v8 =	vld [tilespmem:s16+$0x1030]  }
0x147: {  	v58 =	vld [tilespmem:s16+$0xC20];
	v3 =	vadd.f32 v43, v3;
	v4 =	vadd.f32 v6, v4;
	v6 =	vmul.f32 v31, v15  }
0x148: {  	v39 =	vmul.f32 v39, v57;
	v16 =	vld [tilespmem:s16+$0x1050]  }
0x149: {  	v59 =	vld [tilespmem:s16+$0xC40];
	v3 =	vadd.f32 v18, v3;
	v4 =	vadd.f32 v6, v4;
	v6 =	vmul.f32 v29, v17  }
0x14a: {  	v18 =	vmul.f32 v37, v19;
	v15 =	vld [tilespmem:s16+$0x1070]  }
0x14b: {  	v60 =	vld [tilespmem:s16+$0xC60];
	v3 =	vadd.f32 v39, v3;
	v4 =	vadd.f32 v6, v4;
	v6 =	vmul.f32 v27, v8  }
0x14c: {  	v36 =	vmul.f32 v36, v58;
	v17 =	vld [tilespmem:s16+$0x1410]  }
0x14d: {  	v3 =	vadd.f32 v18, v3;
	v4 =	vadd.f32 v6, v4;
	v6 =	vmul.f32 v25, v16  }
0x14e: {  	v19 =	vld [tilespmem:s16+$0x1000];
	v18 =	vmul.f32 v34, v59  }
0x14f: {  	v62 =	vld [tilespmem:s16+$0x1040];
	v3 =	vadd.f32 v36, v3;
	v4 =	vadd.f32 v6, v4;
	v6 =	vmul.f32 v23, v15  }
0x150: {  	v61 =	vld [tilespmem:s16+$0x1020];
	v32 =	vmul.f32 v32, v60  }
0x151: {  	v63 =	vld [tilespmem:s16+$0x1060];
	v3 =	vadd.f32 v18, v3;
	v4 =	vadd.f32 v6, v4;
	v6 =	vmul.f32 v21, v17  }
0x152: {  	v8 =	vld [tilespmem:s16+$0x1430]  }
0x153: {  	v18 =	vmul.f32 v30, v19;
	v3 =	vadd.f32 v32, v3;
	v4 =	vadd.f32 v6, v4;
	v6 =	vld [tilespmem:$0x1FF60]  }
0x154: {  	v29 =	vld [tilespmem:s16+$0x1420]  }
0x155: {  	v28 =	vmul.f32 v28, v61;
	v19 =	vld [tilespmem:s16+$0x1400];
	v3 =	vadd.f32 v18, v3  }
0x156: {  	v27 =	vld [tilespmem:s16+$0x1460]  }
0x157: {  	v25 =	vld [tilespmem:s16+$0x1450];
	v18 =	vmul.f32 v26, v62;
	v3 =	vadd.f32 v28, v3  }
0x158: {  	v26 =	vld [tilespmem:s16+$0x1440];
	v6 =	vmul.f32 v6, v8  }
0x159: {  	v24 =	vmul.f32 v24, v63;
	v3 =	vadd.f32 v18, v3;
	v8 =	vld [tilespmem:$0x1FF70]  }
0x15a: {  	[tilespmem:$0x1FF90] =	vst v0;
	v4 =	vadd.f32 v6, v4;
	v6 =	vld [tilespmem:$0x1FF80]  }
0x15b: {  	v21 =	vld [tilespmem:$0x1FF90];
	v18 =	vmul.f32 v20, v19;
	v3 =	vadd.f32 v24, v3  }
0x15c: {  	s30 =	sadd.s32 $0x1, s15;
	v23 =	vld [tilespmem:s16+$0x1470]  }
0x15d: {  	s18 =	simm.s32 $0x80;
	v46 =	vld [tilespmem:s30+$0x0];
	v19 =	vmul.f32 v22, v29;
	v3 =	vadd.f32 v18, v3  }
0x15e: {  	v45 =	vld.idx.msk [tilespmem:v13+s18+$0xFFFFFFE0 ss:$0x1], $0xffff  }
0x15f: {  	v44 =	vld.idx.msk [tilespmem:v13+s18+$0xFFFFFFF0 ss:$0x1], $0xffff;
	v3 =	vadd.f32 v19, v3;
	v8 =	vmul.f32 v8, v26;
	v6 =	vmul.f32 v6, v25  }
0x160: {  	v42 =	vld.idx.msk [tilespmem:v13+s18+$0x10 ss:$0x1], $0xffff;
	v21 =	vmul.f32 v21, v27  }
0x161: {  	v41 =	vld.idx.msk [tilespmem:v13+s18+$0x20 ss:$0x1], $0xffff;
	v3 =	vadd.f32 v8, v3;
	v4 =	vadd.f32 v6, v4;
	v6 =	vmul.f32 v7, v23  }
0x162: {  	v40 =	vld.idx.msk [tilespmem:v13+s18+$0x30 ss:$0x1], $0xffff  }
0x163: {  	v43 =	vld.idx.msk [tilespmem:v13+s18+$0x0 ss:$0x1], $0xffff;
	v3 =	vadd.f32 v21, v3;
	v4 =	vadd.f32 v6, v4  }
0x164: {  	v38 =	vld.idx.msk [tilespmem:v11+s18+$0xFFFFFFA0 ss:$0x1], $0xffff  }
0x165: {  	v3 =	vadd.f32 v4, v3;
	v4 =	vld [tilespmem:$0x1FFE0]  }
0x166: {  	v37 =	vld.idx.msk [tilespmem:v11+s18+$0xFFFFFFB0 ss:$0x1], $0xffff  }
0x167: {  	v35 =	vld.idx.msk [tilespmem:v11+s18+$0xFFFFFFD0 ss:$0x1], $0xffff  }
0x168: {  	v39 =	vld.idx.msk [tilespmem:v11+s18+$0xFFFFFF90 ss:$0x1], $0xffff  }
0x169: {  	v33 =	vld.idx.msk [tilespmem:v11+s18+$0xFFFFFFF0 ss:$0x1], $0xffff;
	v3 =	vmax.f32 v3, $0.0e+00  }
0x16a: {  	v34 =	vld.idx.msk [tilespmem:v11+s18+$0xFFFFFFE0 ss:$0x1], $0xffff;
	v4 =	vperm.xlane v3, v4  }
0x16b: {  	v31 =	vld.idx.msk [tilespmem:v10+s18+$0xFFFFFF90 ss:$0x1], $0xffff  }
0x16c: {  	v36 =	vld.idx.msk [tilespmem:v11+s18+$0xFFFFFFC0 ss:$0x1], $0xffff;
	v3 =	vadd.f32 v3, v4  }
0x16d: {  	v30 =	vld.idx.msk [tilespmem:v10+s18+$0xFFFFFFA0 ss:$0x1], $0xffff  }
0x16e: {  	v32 =	vld.idx.msk [tilespmem:v11+s18+$0x0 ss:$0x1], $0xffff;
	v4 =	vperm.xlane v3, v2  }
0x16f: {  	v16 =	vld.idx.msk [tilespmem:v9+s18+$0xFFFFFFF0 ss:$0x1], $0xffff  }
0x170: {  	v3 =	vadd.f32 v3, v4;
	v4 =	vld [tilespmem:$0x1FFF0]  }
0x171: {  	v15 =	vld.idx.msk [tilespmem:v9+s18+$0x0 ss:$0x1], $0xffff  }
0x172: {  	v28 =	vld.idx.msk [tilespmem:v10+s18+$0xFFFFFFC0 ss:$0x1], $0xffff  }
0x173: {  	v17 =	vld.idx.msk [tilespmem:v9+s18+$0xFFFFFFD0 ss:$0x1], $0xffff  }
0x174: {  	v20 =	vld.idx.msk [tilespmem:v9+s18+$0xFFFFFFB0 ss:$0x1], $0xffff  }
0x175: {  	v22 =	vld.idx.msk [tilespmem:v9+s18+$0xFFFFFF90 ss:$0x1], $0xffff;
	v4 =	vperm.xlane v3, v4  }
0x176: {  	v29 =	vld.idx.msk [tilespmem:v10+s18+$0xFFFFFFB0 ss:$0x1], $0xffff  }
0x177: {  	v24 =	vld.idx.msk [tilespmem:v10+s18+$0x0 ss:$0x1], $0xffff;
	v3 =	vadd.f32 v3, v4  }
0x178: {  	v18 =	vld.idx.msk [tilespmem:v9+s18+$0xFFFFFFE0 ss:$0x1], $0xffff  }
0x179: {  	v27 =	vld.idx.msk [tilespmem:v10+s18+$0xFFFFFFD0 ss:$0x1], $0xffff;
	v4 =	vperm.xlane v3, v5  }
0x17a: {  	v19 =	vld.idx.msk [tilespmem:v9+s18+$0xFFFFFFC0 ss:$0x1], $0xffff  }
0x17b: {  	v0 =	vlaneseq.u32;
	v26 =	vld.idx.msk [tilespmem:v10+s18+$0xFFFFFFE0 ss:$0x1], $0xffff;
	v3 =	vadd.f32 v3, v4;
	v4 =	vmov s9  }
0x17c: {  	p1 =	por p2, p2;
	v25 =	vld.idx.msk [tilespmem:v10+s18+$0xFFFFFFF0 ss:$0x1], $0xffff;
	v6 =	vimm.f32 $0.0e+00;
	vm1 =	veq.s32 v4, v0  }
0x17d: {  	s15 =	simm.s32 $0x0;
	s17 =	simm.s32 $0x400;
	s16 =	simm.s32 $0x0;
	v23 =	vld.idx.msk [tilespmem:v9+s18+$0xFFFFFFA0 ss:$0x1], $0xffff;
	v7 =	vmov v2;
	v21 =	vsel vm1, v3, v6  }
.LBB2_5:
0x17e: {  	v3 =	vld.idx.msk [tilespmem:v13+s18+$0xFFFFFFC0 ss:$0x1], $0xffff  }
0x17f: {  	v4 =	vld.idx.msk [tilespmem:v13+s18+$0xFFFFFFD0 ss:$0x1], $0xffff  }
0x180: {  	v6 =	vld.idx.msk [tilespmem:v14+s18+$0x20 ss:$0x1], $0xffff  }
0x181: {  	v8 =	vld.idx.msk [tilespmem:v14+s18+$0x30 ss:$0x1], $0xffff  }
0x182: {  	v47 =	vld.idx.msk [tilespmem:v14+s18+$0x0 ss:$0x1], $0xffff  }
0x183: {  	v48 =	vld.idx.msk [tilespmem:v14+s18+$0xFFFFFFE0 ss:$0x1], $0xffff  }
0x184: {  	v49 =	vld.idx.msk [tilespmem:v14+s18+$0xFFFFFFF0 ss:$0x1], $0xffff  }
0x185: {  	v50 =	vld.idx.msk [tilespmem:v14+s18+$0xFFFFFFC0 ss:$0x1], $0xffff  }
0x186: {  	v51 =	vld.idx.msk [tilespmem:v14+s18+$0xFFFFFFD0 ss:$0x1], $0xffff  }
0x187: {  	v52 =	vld.idx.msk [tilespmem:v12+s18+$0x20 ss:$0x1], $0xffff;
	(v2sf) =	vpush v46, $0x0  }
0x188: {  	s16 =	sadd.s32 $0x1, s16;
	v53 =	vld.idx.msk [tilespmem:v12+s18+$0x30 ss:$0x1], $0xffff  }
0x189: {  	v54 =	vld.idx.msk [tilespmem:v12+s18+$0x0 ss:$0x1], $0xffff;
	s19 =	sadd.s32 s16, s29  }
0x18a: {  	v55 =	vld.idx.msk [tilespmem:v12+s18+$0x10 ss:$0x1], $0xffff;
	s19 =	sshrl.u32 s19, $0x3  }
0x18b: {  	v56 =	vld.idx.msk [tilespmem:v12+s18+$0xFFFFFFE0 ss:$0x1], $0xffff;
	s19 =	smul.u32 $0x6000, s19  }
0x18c: {  	v57 =	vld.idx.msk [tilespmem:v12+s18+$0xFFFFFFF0 ss:$0x1], $0xffff  }
0x18d: {  	s15 =	sadd.s32 $0x80, s15;
	v58 =	vld.idx.msk [tilespmem:v12+s18+$0xFFFFFFC0 ss:$0x1], $0xffff;
	s19 =	sshra.s32 s19, $0x2  }
0x18e: {  	v59 =	vld.idx.msk [tilespmem:v12+s18+$0xFFFFFFD0 ss:$0x1], $0xffff;
	s22 =	sand.u32 $0x380, s15;
	s19 =	sadd.s32 s19, s25  }
0x18f: {  	v46 =	vld.idx.msk [tilespmem:v14+s18+$0x10 ss:$0x1], $0xffff;
	s19 =	sadd.s32 s22, s19  }
0x190: {  	v61 =	vld [tilespmem:s19+$0x0]  }
0x191: {  	v62 =	vld [tilespmem:s19+$0x10]  }
0x192: {  	v1 =	vld [tilespmem:s19+$0x40]  }
0x193: {  	v2 =	vld [tilespmem:s19+$0x50]  }
0x194: {  	v63 =	vld [tilespmem:s19+$0x30]  }
0x195: {  	v60 =	vld [tilespmem:s19+$0x20]  }
0x196: {  	v58 =	vmul.f32 v58, v61;
	v61 =	vld [tilespmem:s19+$0x60];
	s22 =	spop (v2sf)  }
0x197: {  	v59 =	vmul.f32 v59, v62;
	v1 =	vmul.f32 v54, v1;
	v54 =	vld [tilespmem:s19+$0x410];
	s18 =	sshll.u32 s22, $0x6  }
0x198: {  	v2 =	vmul.f32 v55, v2;
	v55 =	vld [tilespmem:s19+$0x420];
	s18 =	sshra.s32 s18, $0x2  }
0x199: {  	v57 =	vmul.f32 v57, v63;
	v62 =	vadd.f32 $0.0e+00, v59;
	v0 =	vld [tilespmem:s18+$0x18E80]  }
0x19a: {  	v59 =	vld [tilespmem:s19+$0x400]  }
0x19b: {  	v63 =	vadd.f32 v57, v62;
	v57 =	vld [tilespmem:s19+$0x430]  }
0x19c: {  	v56 =	vmul.f32 v56, v60;
	v60 =	vld [tilespmem:s19+$0x70]  }
0x19d: {  	v52 =	vmul.f32 v52, v61;
	v61 =	vld [tilespmem:s19+$0x450]  }
0x19e: {  	v48 =	vmul.f32 v48, v55;
	v55 =	vld [tilespmem:s19+$0x800];
	v0 =	vadd.f32 v58, v0  }
0x19f: {  	v50 =	vmul.f32 v50, v59;
	v59 =	vld [tilespmem:$0x1FFE0]  }
0x1a0: {  	v62 =	vmul.f32 v51, v54;
	v54 =	vmul.f32 v49, v57;
	v57 =	vld [tilespmem:s19+$0x810];
	v0 =	vadd.f32 v56, v0  }
0x1a1: {  	v49 =	vld [tilespmem:s19+$0x1030]  }
0x1a2: {  	v0 =	vadd.f32 v1, v0;
	v1 =	vadd.f32 v2, v63;
	v2 =	vmul.f32 v53, v60;
	v53 =	vld [tilespmem:s19+$0x440]  }
0x1a3: {  	v63 =	vld [tilespmem:s19+$0x460]  }
0x1a4: {  	v3 =	vmul.f32 v3, v55;
	v55 =	vld [tilespmem:s19+$0x870];
	v0 =	vadd.f32 v52, v0;
	v1 =	vadd.f32 v2, v1  }
0x1a5: {  	v52 =	vld [tilespmem:s19+$0x470]  }
0x1a6: {  	v60 =	vld [tilespmem:$0x1FFF0];
	v0 =	vadd.f32 v50, v0;
	v1 =	vadd.f32 v62, v1  }
0x1a7: {  	v61 =	vmul.f32 v46, v61;
	v62 =	vld [tilespmem:s19+$0x820];
	v47 =	vmul.f32 v47, v53  }
0x1a8: {  	v6 =	vmul.f32 v6, v63;
	v63 =	vld [tilespmem:s19+$0x830];
	v0 =	vadd.f32 v48, v0;
	v1 =	vadd.f32 v54, v1  }
0x1a9: {  	v53 =	vld [tilespmem:s19+$0x850];
	v54 =	vmul.f32 v4, v57  }
0x1aa: {  	v4 =	vld [tilespmem:s19+$0x860];
	v52 =	vmul.f32 v8, v52;
	v0 =	vadd.f32 v47, v0;
	v1 =	vadd.f32 v61, v1  }
0x1ab: {  	v8 =	vld [tilespmem:s19+$0x840]  }
0x1ac: {  	v57 =	vld [tilespmem:s19+$0xC10];
	v0 =	vadd.f32 v6, v0;
	v1 =	vadd.f32 v52, v1  }
0x1ad: {  	v47 =	vld [tilespmem:s19+$0x1010];
	v6 =	vmul.f32 v45, v62  }
0x1ae: {  	v56 =	vmul.f32 v44, v63;
	v62 =	vld [tilespmem:s19+$0xC30];
	v0 =	vadd.f32 v3, v0;
	v1 =	vadd.f32 v54, v1  }
0x1af: {  	v61 =	vmul.f32 v42, v53;
	v3 =	vld [tilespmem:s19+$0xC00]  }
0x1b0: {  	v42 =	vld [tilespmem:s19+$0xC50];
	v8 =	vmul.f32 v43, v8;
	v0 =	vadd.f32 v6, v0;
	v1 =	vadd.f32 v56, v1  }
0x1b1: {  	v63 =	vmul.f32 v40, v55;
	v6 =	vld [tilespmem:s19+$0xC20]  }
0x1b2: {  	v45 =	vld [tilespmem:s19+$0xC70];
	v4 =	vmul.f32 v41, v4;
	v0 =	vadd.f32 v8, v0;
	v1 =	vadd.f32 v61, v1  }
0x1b3: {  	s18 =	sshra.s32 s17, $0x2;
	v52 =	vmul.f32 v28, v49;
	v44 =	vmul.f32 v38, v57;
	v8 =	vld [tilespmem:s19+$0xC40]  }
0x1b4: {  	v28 =	vld.idx.msk [tilespmem:v10+s18+$0xFFFFFFC0 ss:$0x1], $0xffff;
	v3 =	vmul.f32 v39, v3;
	v0 =	vadd.f32 v4, v0;
	v1 =	vadd.f32 v63, v1  }
0x1b5: {  	v46 =	vmul.f32 v36, v62;
	v4 =	vld [tilespmem:s19+$0xC60]  }
0x1b6: {  	v6 =	vmul.f32 v37, v6;
	v0 =	vadd.f32 v3, v0;
	v1 =	vadd.f32 v44, v1;
	v3 =	vld [tilespmem:s19+$0x1000]  }
0x1b7: {  	v40 =	vld.idx.msk [tilespmem:v13+s18+$0x30 ss:$0x1], $0xffff;
	v48 =	vmul.f32 v34, v42  }
0x1b8: {  	v8 =	vmul.f32 v35, v8;
	v0 =	vadd.f32 v6, v0;
	v1 =	vadd.f32 v46, v1;
	v6 =	vld [tilespmem:s19+$0x1020]  }
0x1b9: {  	v38 =	vld.idx.msk [tilespmem:v11+s18+$0xFFFFFFA0 ss:$0x1], $0xffff;
	v50 =	vmul.f32 v32, v45  }
0x1ba: {  	v4 =	vmul.f32 v33, v4;
	v0 =	vadd.f32 v8, v0;
	v1 =	vadd.f32 v48, v1;
	v8 =	vld [tilespmem:s19+$0x1040]  }
0x1bb: {  	v3 =	vmul.f32 v31, v3;
	v31 =	vld [tilespmem:s19+$0x1050]  }
0x1bc: {  	v51 =	vmul.f32 v30, v47;
	v0 =	vadd.f32 v4, v0;
	v1 =	vadd.f32 v50, v1;
	v4 =	vld [tilespmem:s19+$0x1060]  }
0x1bd: {  	v6 =	vmul.f32 v29, v6;
	v29 =	vld [tilespmem:s19+$0x1070]  }
0x1be: {  	v0 =	vadd.f32 v3, v0;
	v1 =	vadd.f32 v51, v1;
	v3 =	vld [tilespmem:s19+$0x1400]  }
0x1bf: {  	v8 =	vmul.f32 v27, v8;
	v27 =	vld [tilespmem:s19+$0x1410]  }
0x1c0: {  	v0 =	vadd.f32 v6, v0;
	v1 =	vadd.f32 v52, v1;
	v53 =	vmul.f32 v26, v31;
	v6 =	vld [tilespmem:s19+$0x1420]  }
0x1c1: {  	v4 =	vmul.f32 v25, v4;
	v25 =	vld [tilespmem:s19+$0x1430]  }
0x1c2: {  	v0 =	vadd.f32 v8, v0;
	v1 =	vadd.f32 v53, v1;
	v54 =	vmul.f32 v24, v29;
	v8 =	vld [tilespmem:s19+$0x1440]  }
0x1c3: {  	v3 =	vmul.f32 v22, v3;
	v22 =	vld [tilespmem:s19+$0x1450]  }
0x1c4: {  	v0 =	vadd.f32 v4, v0;
	v1 =	vadd.f32 v54, v1;
	v55 =	vmul.f32 v23, v27;
	v4 =	vld [tilespmem:s19+$0x1460]  }
0x1c5: {  	v23 =	vld [tilespmem:s19+$0x1470];
	v6 =	vmul.f32 v20, v6  }
0x1c6: {  	v41 =	vld.idx.msk [tilespmem:v13+s18+$0x20 ss:$0x1], $0xffff;
	v0 =	vadd.f32 v3, v0;
	v1 =	vadd.f32 v55, v1;
	v56 =	vmul.f32 v19, v25  }
0x1c7: {  	v43 =	vld.idx.msk [tilespmem:v13+s18+$0x0 ss:$0x1], $0xffff;
	v8 =	vmul.f32 v17, v8  }
0x1c8: {  	v30 =	vld.idx.msk [tilespmem:v10+s18+$0xFFFFFFA0 ss:$0x1], $0xffff;
	v0 =	vadd.f32 v6, v0;
	v1 =	vadd.f32 v56, v1;
	v57 =	vmul.f32 v18, v22  }
0x1c9: {  	v32 =	vld.idx.msk [tilespmem:v11+s18+$0x0 ss:$0x1], $0xffff;
	v4 =	vmul.f32 v16, v4  }
0x1ca: {  	v34 =	vld.idx.msk [tilespmem:v11+s18+$0xFFFFFFE0 ss:$0x1], $0xffff;
	v61 =	vmul.f32 v15, v23;
	v0 =	vadd.f32 v8, v0;
	v1 =	vadd.f32 v57, v1  }
0x1cb: {  	v36 =	vld.idx.msk [tilespmem:v11+s18+$0xFFFFFFC0 ss:$0x1], $0xffff  }
0x1cc: {  	v42 =	vld.idx.msk [tilespmem:v13+s18+$0x10 ss:$0x1], $0xffff;
	v0 =	vadd.f32 v4, v0;
	v1 =	vadd.f32 v61, v1  }
0x1cd: {  	v45 =	vld.idx.msk [tilespmem:v13+s18+$0xFFFFFFE0 ss:$0x1], $0xffff  }
0x1ce: {  	v39 =	vld.idx.msk [tilespmem:v11+s18+$0xFFFFFF90 ss:$0x1], $0xffff;
	v0 =	vadd.f32 v1, v0  }
0x1cf: {  	v37 =	vld.idx.msk [tilespmem:v11+s18+$0xFFFFFFB0 ss:$0x1], $0xffff  }
0x1d0: {  	v44 =	vld.idx.msk [tilespmem:v13+s18+$0xFFFFFFF0 ss:$0x1], $0xffff;
	v0 =	vmax.f32 v0, $0.0e+00  }
0x1d1: {  	s30 =	sadd.s32 $0x1, s30;
	v35 =	vld.idx.msk [tilespmem:v11+s18+$0xFFFFFFD0 ss:$0x1], $0xffff;
	v62 =	vperm.xlane v0, v59  }
0x1d2: {  	v46 =	vld [tilespmem:s30+$0x0]  }
0x1d3: {  	v33 =	vld.idx.msk [tilespmem:v11+s18+$0xFFFFFFF0 ss:$0x1], $0xffff;
	v0 =	vadd.f32 v0, v62  }
0x1d4: {  	v26 =	vld.idx.msk [tilespmem:v10+s18+$0xFFFFFFE0 ss:$0x1], $0xffff  }
0x1d5: {  	v31 =	vld.idx.msk [tilespmem:v10+s18+$0xFFFFFF90 ss:$0x1], $0xffff;
	v1 =	vperm.xlane v0, v7  }
0x1d6: {  	v24 =	vld.idx.msk [tilespmem:v9+s18+$0xFFFFFFF0 ss:$0x1], $0xffff  }
0x1d7: {  	v29 =	vld.idx.msk [tilespmem:v10+s18+$0xFFFFFFB0 ss:$0x1], $0xffff;
	v0 =	vadd.f32 v0, v1  }
0x1d8: {  	v27 =	vld.idx.msk [tilespmem:v10+s18+$0xFFFFFFD0 ss:$0x1], $0xffff  }
0x1d9: {  	v20 =	vld.idx.msk [tilespmem:v9+s18+$0xFFFFFFB0 ss:$0x1], $0xffff;
	v1 =	vperm.xlane v0, v60  }
0x1da: {  	v3 =	vld.idx.msk [tilespmem:v9+s18+$0x0 ss:$0x1], $0xffff  }
0x1db: {  	v19 =	vld.idx.msk [tilespmem:v9+s18+$0xFFFFFFC0 ss:$0x1], $0xffff;
	v0 =	vadd.f32 v0, v1  }
0x1dc: {  	p2 =	sne.s32 s17, $0x1E00;
	v25 =	vld.idx.msk [tilespmem:v10+s18+$0xFFFFFFF0 ss:$0x1], $0xffff  }
.Ltmp0:
0x1dd: {  	v17 =	vld.idx.msk [tilespmem:v9+s18+$0xFFFFFFD0 ss:$0x1], $0xffff;
	v1 =	vperm.xlane v0, v5;
	(pc) =	sbr.rel @p2 .LBB2_5-.Ltmp0, $4  }
0x1de: {  	v18 =	vld.idx.msk [tilespmem:v9+s18+$0xFFFFFFE0 ss:$0x1], $0xffff  }
0x1df: {  	v58 =	vlaneseq.u32;
	v63 =	vmov s16;
	v22 =	vld.idx.msk [tilespmem:v9+s18+$0xFFFFFF90 ss:$0x1], $0xffff;
	v0 =	vadd.f32 v0, v1  }
0x1e0: {  	vm1 =	veq.s32 v63, v58;
	v23 =	vld.idx.msk [tilespmem:v9+s18+$0xFFFFFFA0 ss:$0x1], $0xffff  }
0x1e1: {  	s17 =	sadd.s32 $0x200, s17;
	v16 =	vmov v24;
	v24 =	vld.idx.msk [tilespmem:v10+s18+$0x0 ss:$0x1], $0xffff;
	v15 =	vmov v3;
	v21 =	vsel vm1, v0, v21  }
0x1e2: {  	_ =	sdelay $0x3  }
0x1e3: {  	v0 =	vld.idx.msk [tilespmem:v13+s18+$0xFFFFFFC0 ss:$0x1], $0xffff  }
0x1e4: {  	v1 =	vld.idx.msk [tilespmem:v13+s18+$0xFFFFFFD0 ss:$0x1], $0xffff  }
0x1e5: {  	v2 =	vld.idx.msk [tilespmem:v14+s18+$0x20 ss:$0x1], $0xffff  }
0x1e6: {  	v3 =	vld.idx.msk [tilespmem:v14+s18+$0x30 ss:$0x1], $0xffff  }
0x1e7: {  	v4 =	vld.idx.msk [tilespmem:v14+s18+$0x0 ss:$0x1], $0xffff;
	(v2sf) =	vpush v46, $0x0  }
0x1e8: {  	v6 =	vld.idx.msk [tilespmem:v14+s18+$0x10 ss:$0x1], $0xffff  }
0x1e9: {  	v8 =	vld.idx.msk [tilespmem:v14+s18+$0xFFFFFFE0 ss:$0x1], $0xffff  }
0x1ea: {  	v9 =	vld.idx.msk [tilespmem:v14+s18+$0xFFFFFFF0 ss:$0x1], $0xffff  }
0x1eb: {  	v10 =	vld.idx.msk [tilespmem:v14+s18+$0xFFFFFFC0 ss:$0x1], $0xffff  }
0x1ec: {  	v11 =	vld.idx.msk [tilespmem:v14+s18+$0xFFFFFFD0 ss:$0x1], $0xffff  }
0x1ed: {  	v13 =	vld.idx.msk [tilespmem:v12+s18+$0x20 ss:$0x1], $0xffff;
	s16 =	sadd.s32 $0x1, s16  }
0x1ee: {  	v14 =	vld.idx.msk [tilespmem:v12+s18+$0x30 ss:$0x1], $0xffff;
	s17 =	sadd.s32 s16, s29  }
0x1ef: {  	v46 =	vld.idx.msk [tilespmem:v12+s18+$0x0 ss:$0x1], $0xffff;
	s17 =	sshrl.u32 s17, $0x3  }
0x1f0: {  	v47 =	vld.idx.msk [tilespmem:v12+s18+$0x10 ss:$0x1], $0xffff;
	s17 =	smul.u32 $0x6000, s17  }
0x1f1: {  	v48 =	vld.idx.msk [tilespmem:v12+s18+$0xFFFFFFE0 ss:$0x1], $0xffff  }
0x1f2: {  	v49 =	vld.idx.msk [tilespmem:v12+s18+$0xFFFFFFF0 ss:$0x1], $0xffff;
	s15 =	sadd.s32 $0x80, s15;
	s17 =	sshra.s32 s17, $0x2  }
0x1f3: {  	v50 =	vld.idx.msk [tilespmem:v12+s18+$0xFFFFFFC0 ss:$0x1], $0xffff;
	s15 =	sand.u32 $0x380, s15;
	s17 =	sadd.s32 s17, s25  }
0x1f4: {  	v63 =	vld.idx.msk [tilespmem:v12+s18+$0xFFFFFFD0 ss:$0x1], $0xffff;
	s15 =	sadd.s32 s15, s17  }
0x1f5: {  	v51 =	vld [tilespmem:s15+$0x20]  }
0x1f6: {  	v52 =	vld [tilespmem:s15+$0x0];
	s30 =	spop (v2sf)  }
0x1f7: {  	v53 =	vld [tilespmem:s15+$0x10];
	s17 =	sshll.u32 s30, $0x6  }
0x1f8: {  	v54 =	vld [tilespmem:s15+$0x30];
	s17 =	sshra.s32 s17, $0x2  }
0x1f9: {  	v55 =	vld [tilespmem:s17+$0x18E80]  }
0x1fa: {  	v56 =	vld [tilespmem:s15+$0x40]  }
0x1fb: {  	v57 =	vld [tilespmem:s15+$0x50]  }
0x1fc: {  	v50 =	vmul.f32 v50, v52;
	v12 =	vmul.f32 v63, v53;
	v52 =	vld [tilespmem:s15+$0x60]  }
0x1fd: {  	v48 =	vmul.f32 v48, v51;
	v51 =	vld [tilespmem:s15+$0x70]  }
0x1fe: {  	v62 =	vld [tilespmem:s15+$0x400];
	v49 =	vmul.f32 v49, v54;
	v12 =	vadd.f32 $0.0e+00, v12;
	v50 =	vadd.f32 v50, v55  }
0x1ff: {  	v46 =	vmul.f32 v46, v56;
	v63 =	vld [tilespmem:s15+$0x410]  }
0x200: {  	v47 =	vmul.f32 v47, v57;
	v56 =	vld [tilespmem:s15+$0x430];
	v12 =	vadd.f32 v49, v12;
	v48 =	vadd.f32 v48, v50  }
0x201: {  	v13 =	vmul.f32 v13, v52;
	v55 =	vld [tilespmem:s15+$0x420]  }
0x202: {  	v57 =	vld [tilespmem:s15+$0x440];
	v14 =	vmul.f32 v14, v51;
	v12 =	vadd.f32 v47, v12;
	v46 =	vadd.f32 v46, v48  }
0x203: {  	v10 =	vmul.f32 v10, v62;
	v62 =	vld [tilespmem:s15+$0x450]  }
0x204: {  	v11 =	vmul.f32 v11, v63;
	v63 =	vld [tilespmem:s15+$0x460];
	v12 =	vadd.f32 v14, v12;
	v13 =	vadd.f32 v13, v46  }
0x205: {  	v51 =	vld [tilespmem:s15+$0x470];
	v9 =	vmul.f32 v9, v56  }
0x206: {  	v53 =	vld [tilespmem:s15+$0x810];
	v11 =	vadd.f32 v11, v12;
	v8 =	vmul.f32 v8, v55;
	v10 =	vadd.f32 v10, v13  }
0x207: {  	v52 =	vld [tilespmem:s15+$0x800];
	v4 =	vmul.f32 v4, v57  }
0x208: {  	v54 =	vld [tilespmem:s15+$0x820];
	v6 =	vmul.f32 v6, v62;
	v9 =	vadd.f32 v9, v11;
	v8 =	vadd.f32 v8, v10  }
0x209: {  	v2 =	vmul.f32 v2, v63;
	v55 =	vld [tilespmem:s15+$0x830]  }
0x20a: {  	v56 =	vld [tilespmem:s15+$0x840];
	v3 =	vmul.f32 v3, v51;
	v6 =	vadd.f32 v6, v9;
	v4 =	vadd.f32 v4, v8  }
0x20b: {  	v57 =	vld [tilespmem:s15+$0x850];
	v1 =	vmul.f32 v1, v53  }
0x20c: {  	v62 =	vld [tilespmem:s15+$0x860];
	v0 =	vmul.f32 v0, v52;
	v3 =	vadd.f32 v3, v6;
	v2 =	vadd.f32 v2, v4  }
0x20d: {  	v63 =	vmul.f32 v45, v54;
	v12 =	vld [tilespmem:s15+$0x870]  }
0x20e: {  	v1 =	vadd.f32 v1, v3;
	v3 =	vld [tilespmem:s15+$0xC00];
	v0 =	vadd.f32 v0, v2;
	v2 =	vmul.f32 v44, v55  }
0x20f: {  	v13 =	vld [tilespmem:s15+$0xC10];
	v8 =	vmul.f32 v43, v56  }
0x210: {  	v14 =	vld [tilespmem:s15+$0xC20];
	v0 =	vadd.f32 v63, v0;
	v1 =	vadd.f32 v2, v1;
	v2 =	vmul.f32 v42, v57  }
0x211: {  	v4 =	vmul.f32 v41, v62;
	v41 =	vld [tilespmem:s15+$0xC30]  }
0x212: {  	v42 =	vld [tilespmem:s15+$0xC40];
	v0 =	vadd.f32 v8, v0;
	v1 =	vadd.f32 v2, v1;
	v2 =	vmul.f32 v40, v12  }
0x213: {  	v43 =	vld [tilespmem:s15+$0xC50];
	v3 =	vmul.f32 v39, v3  }
0x214: {  	v44 =	vld [tilespmem:s15+$0xC60];
	v0 =	vadd.f32 v4, v0;
	v1 =	vadd.f32 v2, v1;
	v2 =	vmul.f32 v38, v13  }
0x215: {  	v45 =	vld [tilespmem:s15+$0xC70];
	v6 =	vmul.f32 v37, v14  }
0x216: {  	v0 =	vadd.f32 v3, v0;
	v1 =	vadd.f32 v2, v1;
	v2 =	vmul.f32 v36, v41;
	v3 =	vld [tilespmem:s15+$0x1000]  }
0x217: {  	v46 =	vld [tilespmem:s15+$0x1010];
	v8 =	vmul.f32 v35, v42  }
0x218: {  	v47 =	vld [tilespmem:s15+$0x1020];
	v0 =	vadd.f32 v6, v0;
	v1 =	vadd.f32 v2, v1;
	v2 =	vmul.f32 v34, v43  }
0x219: {  	v48 =	vld [tilespmem:s15+$0x1030];
	v4 =	vmul.f32 v33, v44  }
0x21a: {  	v49 =	vld [tilespmem:s15+$0x1040];
	v0 =	vadd.f32 v8, v0;
	v1 =	vadd.f32 v2, v1;
	v2 =	vmul.f32 v32, v45  }
0x21b: {  	v50 =	vld [tilespmem:s15+$0x1050];
	v3 =	vmul.f32 v31, v3  }
0x21c: {  	v51 =	vld [tilespmem:s15+$0x1060];
	v0 =	vadd.f32 v4, v0;
	v1 =	vadd.f32 v2, v1;
	v2 =	vmul.f32 v30, v46  }
0x21d: {  	v52 =	vld [tilespmem:s15+$0x1070];
	v6 =	vmul.f32 v29, v47  }
0x21e: {  	v0 =	vadd.f32 v3, v0;
	v1 =	vadd.f32 v2, v1;
	v2 =	vmul.f32 v28, v48;
	v3 =	vld [tilespmem:s15+$0x1400]  }
0x21f: {  	v53 =	vld [tilespmem:s15+$0x1410];
	v8 =	vmul.f32 v27, v49  }
0x220: {  	v54 =	vld [tilespmem:s15+$0x1420];
	v0 =	vadd.f32 v6, v0;
	v1 =	vadd.f32 v2, v1;
	v2 =	vmul.f32 v26, v50  }
0x221: {  	v55 =	vld [tilespmem:s15+$0x1430];
	v4 =	vmul.f32 v25, v51  }
0x222: {  	v56 =	vld [tilespmem:s15+$0x1440];
	v0 =	vadd.f32 v8, v0;
	v1 =	vadd.f32 v2, v1;
	v2 =	vmul.f32 v24, v52  }
0x223: {  	v57 =	vld [tilespmem:s15+$0x1450];
	v3 =	vmul.f32 v22, v3  }
0x224: {  	v62 =	vld [tilespmem:s15+$0x1460];
	v0 =	vadd.f32 v4, v0;
	v1 =	vadd.f32 v2, v1;
	v2 =	vmul.f32 v23, v53  }
0x225: {  	v63 =	vld [tilespmem:s15+$0x1470];
	v6 =	vmul.f32 v20, v54  }
0x226: {  	v0 =	vadd.f32 v3, v0;
	v1 =	vadd.f32 v2, v1;
	v2 =	vmul.f32 v19, v55  }
0x227: {  	v3 =	vmul.f32 v17, v56  }
0x228: {  	v0 =	vadd.f32 v6, v0;
	v1 =	vadd.f32 v2, v1;
	v2 =	vmul.f32 v18, v57  }
0x229: {  	v4 =	vmul.f32 v16, v62  }
0x22a: {  	v0 =	vadd.f32 v3, v0;
	v1 =	vadd.f32 v2, v1;
	v2 =	vmul.f32 v15, v63;
	_ =	sdelay $0x1  }
0x22b: {  	v0 =	vadd.f32 v4, v0;
	v1 =	vadd.f32 v2, v1;
	_ =	sdelay $0x1  }
0x22c: {  	v0 =	vadd.f32 v1, v0;
	_ =	sdelay $0x1  }
0x22d: {  	v0 =	vmax.f32 v0, $0.0e+00  }
0x22e: {  	v1 =	vperm.xlane v0, v59;
	_ =	sdelay $0x1  }
0x22f: {  	v0 =	vadd.f32 v0, v1;
	_ =	sdelay $0x1  }
0x230: {  	v1 =	vperm.xlane v0, v7;
	_ =	sdelay $0x1  }
0x231: {  	v0 =	vadd.f32 v0, v1;
	_ =	sdelay $0x1  }
0x232: {  	v1 =	vperm.xlane v0, v60;
	_ =	sdelay $0x1  }
0x233: {  	v0 =	vadd.f32 v0, v1;
	_ =	sdelay $0x1  }
0x234: {  	v1 =	vperm.xlane v0, v5;
	_ =	sdelay $0x1  }
0x235: {  	v0 =	vadd.f32 v0, v1;
	v1 =	vmov s16  }
0x236: {  	vm1 =	veq.s32 v1, v58;
	v1 =	vld [tilespmem:$0x1FFA0];
	_ =	sdelay $0x3  }
.Ltmp1:
0x237: {  	_ = 	snop;
	(pc) =	sbr.rel @p1 .LBB2_4-.Ltmp1, $3  }
0x238: {  	_ =	sdelay $0x1  }
0x239: {  	v0 =	vsel vm1, v0, v21  }
0x23a: {  	v61 =	vmov v5;
	p2 =	por $0x0, $0x0;
	v2 =	vmov v7;
	[tilespmem:v1+s14+$0x0 ss:$0x1] =	vst.idx.msk $0xffff, v0;
	s14 =	simm.s32 $0x1  }
0x23b: {  	p1 =	seq.s32 s24, $0x10  }
.Ltmp2:
0x23c: {  	_ = 	snop;
	(pc) =	sbr.rel @!p1 .LBB2_3-.Ltmp2, $2  }
0x23d: {  	_ =	sdelay $0x2  }
0x23e: {  	s8 =	sadd.s32 $0x20, s8;
	p0 =	por !p0, !p0  }
0x23f: {  	_ =	swait.ge [sflag:s5], $0x6000  }
0x240: {  	[sflag:s5] =	ssyncset.done $0x0  }
0x241: {  	[sflag:s5] =	ssyncadd.s32 $0xFFFFA000  }
0x242: {  	_ =	swait.ge [sflag:s5], $0x1000  }
0x243: {  	[sflag:s5] =	ssyncset.done $0x0  }
0x244: {  	[sflag:s5] =	ssyncadd.s32 $0xFFFFF000  }
0x245: {  	_ =	swait.ge [sflag:s5], $0x1000  }
0x246: {  	[sflag:s5] =	ssyncset.done $0x0  }
0x247: {  	[sflag:s5] =	ssyncadd.s32 $0xFFFFF000  }
0x248: {  	_ =	swait.ge [sflag:s5], $0x1000  }
0x249: {  	[sflag:s5] =	ssyncset.done $0x0  }
0x24a: {  	[sflag:s5] =	ssyncadd.s32 $0xFFFFF000  }
0x24b: {  	_ =	swait.ge [sflag:s5], $0x1000  }
0x24c: {  	[sflag:s5] =	ssyncset.done $0x0  }
0x24d: {  	[sflag:s5] =	ssyncadd.s32 $0xFFFFF000  }
0x24e: {  	_ =	swait.ge [sflag:s5], $0x1000  }
0x24f: {  	[sflag:s5] =	ssyncset.done $0x0  }
0x250: {  	[sflag:s5] =	ssyncadd.s32 $0xFFFFF000  }
0x251: {  	s7 =	sadd.s32 $0x1, s7;
	_ =	swait.ge [sflag:s5], $0x1000  }
0x252: {  	s9 =	simm.s32 $0x1CD00;
	p0 =	sne.s32 s7, s23;
	[sflag:s5] =	ssyncset.done $0x0  }
.Ltmp3:
0x253: {  	s8 =	rddreg [dreg:$0x1b];
	[sflag:s5] =	ssyncadd.s32 $0xFFFFF000;
	(pc) =	sbr.rel @p0 .LBB2_1-.Ltmp3, $4  }
0x254: {  	[hbm4b:s8+s3] =	stream.linear.scatter [tilespmem:s9], [sflag:$0x5], $0x200, $0x38;
	[tilespmem:$0x1CF00] =	vst v63  }
0x255: {  	_ =	swait.ge [sflag:s6], $0x200  }
0x256: {  	[sflag:s6] =	ssyncset.done $0x0  }
0x257: {  	[sflag:s6] =	ssyncadd.s32 $0xFFFFFE00  }
0x258: {  	_ =	sfence.sel $0x180000  }
0x259: {  	[bflag:$0x0] =	sbarrier.arrive $0xFFFF  }
0x25a: {  	_ =	strace $0x90000047  }
0x25b: {  	s0 =	stileid.u32;
	[bflag:$0x2] =	sbarrier.arrive $0xFFFF  }
0x25c: {  	p0 =	sne.s32 s0, $0x0;
	s0 =	rddreg [dreg:$0xb]  }
0x25d: {  	s0 =	sadd.s32 @!p0 $0x100000, s0  }
0x25e: {  	[sflag:s0] =	ssyncadd.tile.s32 @!p0 $0x1;
	_ =	shalt  }
.Lfunc_end2:
_tile_overlayer_lowered:
.L_overlay_start_2:
0x25f: {  	(tag) =	ssettag $0x2  }
0x260: {  	s0 =	rddreg [dreg:$0x0];
	s2 =	stileid.u32  }
0x261: {  	s1 =	rddreg [dreg:$0x1];
	p0 =	sne.s32 s2, $0x0  }
0x262: {  	s3 =	rddreg [dreg:$0x2];
	[bflag:$0x3] =	sbarrier.arrive $0xFFFF;
	s2 =	simm.s32 @!p0 $0x1C05  }
0x263: {  	[timem:s3], [sflag:s2] =	dma.local @!p0 [hbm:s0], s1  }
0x264: {  	s0 =	simm.s32 @!p0 $0x5  }
0x265: {  	_ =	swait.ge @!p0 [sflag:s0], s1  }
0x266: {  	s1 =	ssub.s32 @!p0 $0x0, s1;
	[sflag:s0] =	ssyncset.done @!p0 $0x0  }
0x267: {  	[sflag:s0] =	ssyncadd.s32 @!p0 s1  }
0x268: {  	[bflag:$0x3] =	sbarrier.arrive $0xFFFF  }
0x269: {  	_ =	shalt  }

</sc_bundles>
